<compile_context>
chip_gen: v7x
topology: tpu7x:2x2x1
jax: 0.10.2.dev20260603
libtpu: 0.0.44.dev20260713+nightly
codegen_flags: <defaults>
</compile_context>

<pallas_src>
import functools

import jax
import jax.numpy as jnp
from jax import lax
from jax.experimental import pallas as pl
from jax.experimental.pallas import tpu as pltpu
from jax.experimental.pallas import tpu_sc as plsc

N = 10000
E = 320000
D = 128
H1 = 3
C1 = 64
C2 = 128
W1COLS = H1 * C1
DH1 = W1COLS // 2
WR1 = DH1 + 16
DH2 = C2 // 2
WR2 = DH2 + 16
NC = 2
NS = 16
EPT = E // NS
K = 80
NCHUNK = EPT // K
RPT = N // NS



NB = 1000
G = N // NB


def _tc_pre(x_ref, w1_ref, a1s_ref, a1d_ref, wr_ref, br_ref,
            h1p_ref, as1_ref, ad1_ref, acc0_ref, res_ref):
    x = x_ref[...]
    h1 = jnp.dot(x, w1_ref[...], preferred_element_type=jnp.float32)
    h3 = h1.reshape(NB, H1, C1)
    as1 = (h3 * a1s_ref[...][None]).sum(-1)
    ad1 = (h3 * a1d_ref[...][None]).sum(-1)
    e = as1 + ad1
    wself = jnp.exp(jnp.where(e >= 0.0, e, 0.2 * e))
    z16 = jnp.zeros((NB, 16), jnp.float32)
    zp = jnp.zeros((NB, WR1 - DH1 - H1), jnp.float32)
    h1p_ref[...] = jnp.stack(
        [jnp.concatenate([h1[:, :DH1], z16], 1),
         jnp.concatenate([h1[:, DH1:], z16], 1)])
    as1_ref[...] = as1.reshape(1, 1, H1 * NB)
    ad1_ref[...] = ad1.reshape(1, 1, H1 * NB)
    hw = (h3 * wself[..., None]).reshape(NB, W1COLS)
    acc0_ref[...] = jnp.stack(
        [jnp.concatenate([hw[:, :DH1], wself, zp], 1),
         jnp.concatenate([hw[:, DH1:], wself, zp], 1)])
    res_ref[...] = jnp.dot(x, wr_ref[...],
                           preferred_element_type=jnp.float32) + br_ref[...]


def _tc_mid(acc_ref, b1_ref, w2_ref, a2s_ref, a2d_ref,
            h2p_ref, as2_ref, ad2_ref, acc20_ref):
    num = jnp.concatenate([acc_ref[0, :, :DH1], acc_ref[1, :, :DH1]], 1)
    s = acc_ref[0, :, DH1:DH1 + H1]
    out1 = (num.reshape(NB, H1, C1) / s[..., None]).reshape(NB, W1COLS)
    out1 = out1 + b1_ref[...]
    h2 = jnp.dot(out1, w2_ref[...], preferred_element_type=jnp.float32)
    as2 = (h2 * a2s_ref[...]).sum(-1, keepdims=True)
    ad2 = (h2 * a2d_ref[...]).sum(-1, keepdims=True)
    e = as2 + ad2
    wself = jnp.exp(jnp.where(e >= 0.0, e, 0.2 * e))
    z16 = jnp.zeros((NB, 16), jnp.float32)
    zp = jnp.zeros((NB, WR2 - DH2 - 1), jnp.float32)
    h2p_ref[...] = jnp.stack(
        [jnp.concatenate([h2[:, :DH2], z16], 1),
         jnp.concatenate([h2[:, DH2:], z16], 1)])
    as2_ref[...] = as2.reshape(1, 1, NB)
    ad2_ref[...] = ad2.reshape(1, 1, NB)
    hw = h2 * wself
    acc20_ref[...] = jnp.stack(
        [jnp.concatenate([hw[:, :DH2], wself, zp], 1),
         jnp.concatenate([hw[:, DH2:], wself, zp], 1)])


def _tc_fin_a(acc_ref, b2_ref, out_ref, st_ref):
    num = jnp.concatenate([acc_ref[0, :, :DH2], acc_ref[1, :, :DH2]], 1)
    s = acc_ref[0, :, DH2:DH2 + 1]
    out = num / s + b2_ref[...]
    out_ref[...] = out

    @pl.when(pl.program_id(0) == 0)
    def _():
        st_ref[...] = jnp.zeros_like(st_ref)

    st_ref[...] = st_ref[...] + jnp.stack(
        [out.sum(0), (out * out).sum(0)])


def _tc_fin_b(out_ref, st_ref, g_ref, bt_ref, res_ref, o_ref):
    out = out_ref[...]
    mean = st_ref[0:1, :] / N
    var = st_ref[1:2, :] / N - mean * mean
    y = (out - mean) / jnp.sqrt(var + 1e-5) * g_ref[...] + bt_ref[...]
    o_ref[...] = jnp.maximum(y, 0.0) + res_ref[...]



def _make_sc_edge(heads, dhalf, wr):
    mesh = plsc.VectorSubcoreMesh(core_axis_name="c", subcore_axis_name="s")

    @functools.partial(
        pl.kernel,
        out_type=jax.ShapeDtypeStruct((NC * N, wr), jnp.float32),
        mesh=mesh,
        compiler_params=pltpu.CompilerParams(
            use_tc_tiling_on_sc=False, needs_layout_passes=False),
        scratch_types=[
            pltpu.VMEM((K,), jnp.int32),
            pltpu.VMEM((K,), jnp.int32),
            [pltpu.VMEM((K,), jnp.int32) for _ in range(heads)],
            [pltpu.VMEM((K,), jnp.int32) for _ in range(heads)],
            [pltpu.VMEM((K,), jnp.float32) for _ in range(heads)],
            [pltpu.VMEM((K,), jnp.float32) for _ in range(heads)],
            pltpu.VMEM((K, wr), jnp.float32),
            pltpu.VMEM_SHARED((N, wr), jnp.float32),
            pltpu.SemaphoreType.DMA,
        ],
    )
    def sc_edge(h_hbm, as_hbm, ad_hbm, edge_hbm, gsrc_hbm, sidx_hbm,
                didx_hbm, init_hbm, out_hbm,
                dst_v, gidx_v, aidx, didx, asv, adv,
                rows_v, acc_sh, sem):
        cid = lax.axis_index("c")
        sid = lax.axis_index("s")
        r0 = sid * RPT

        pltpu.sync_copy(init_hbm.at[pl.ds(cid * N + r0, RPT)],
                        acc_sh.at[pl.ds(r0, RPT)])
        plsc.subcore_barrier()

        @pl.loop(0, NCHUNK)
        def chunk(c):
            off = pl.multiple_of(sid * EPT + c * K, 8)
            pltpu.sync_copy(edge_hbm.at[pl.ds(pl.multiple_of(E + off, 8),
                                              K)], dst_v)
            pltpu.sync_copy(gsrc_hbm.at[pl.ds(pl.multiple_of(cid * E + off,
                                                             8), K)], gidx_v)
            for hh in range(heads):
                offh = pl.multiple_of(hh * E + off, 8)
                pltpu.sync_copy(sidx_hbm.at[pl.ds(offh, K)], aidx[hh])
                pltpu.sync_copy(didx_hbm.at[pl.ds(offh, K)], didx[hh])
            rows_cp = pltpu.async_copy(h_hbm.at[gidx_v], rows_v, sem)
            cps = []
            for hh in range(heads):
                cps.append(pltpu.async_copy(as_hbm.at[aidx[hh]],
                                            asv[hh], sem))
                cps.append(pltpu.async_copy(ad_hbm.at[didx[hh]],
                                            adv[hh], sem))
            for cp in cps:
                cp.wait()
            rows_cp.wait()

            def group(j, carry2):
                rvec = j * 16 + lax.iota(jnp.int32, 16)
                wvs = []
                for hh in range(heads):
                    e = (asv[hh][pl.ds(j * 16, 16)]
                         + adv[hh][pl.ds(j * 16, 16)])
                    wvs.append(jnp.exp(jnp.where(e >= 0.0, e, 0.2 * e)))
                if heads == 3:
                    is0 = cid == 0
                    sel = [jnp.where(is0, wvs[0], wvs[1]),
                           jnp.where(is0, wvs[0], wvs[2]),
                           jnp.where(is0, wvs[1], wvs[2])]
                else:
                    sel = [wvs[0]]

                for b in range(dhalf):
                    w = sel[(b * heads) // dhalf] if heads == 3 else sel[0]
                    cvec = jnp.full((16,), b, jnp.int32)
                    r = plsc.load_gather(rows_v, [rvec, cvec])
                    plsc.store_scatter(rows_v, [rvec, cvec], r * w)
                for hh in range(heads):
                    plsc.store_scatter(
                        rows_v,
                        [rvec, jnp.full((16,), dhalf + hh, jnp.int32)],
                        wvs[hh])
                return carry2

            lax.fori_loop(0, K // 16, group, 0)
            pltpu.sync_copy(rows_v, acc_sh.at[dst_v], add=True)
        plsc.subcore_barrier()
        pltpu.sync_copy(acc_sh.at[pl.ds(r0, RPT)],
                        out_hbm.at[pl.ds(cid * N + r0, RPT)])

    return sc_edge


_sc_edge1 = _make_sc_edge(H1, DH1, WR1)
_sc_edge2 = _make_sc_edge(1, DH2, WR2)



def _full(shape):
    return pl.BlockSpec(shape, lambda i: tuple(0 for _ in shape))


def kernel(x, edge_index, W1, a1_src, a1_dst, b1, W2, a2_src, a2_dst, b2,
           Wr, br, gamma, beta):
    f32 = jnp.float32
    h1p, as1, ad1, acc0, resid = pl.pallas_call(
        _tc_pre,
        grid=(G,),
        in_specs=[
            pl.BlockSpec((NB, D), lambda i: (i, 0)),
            _full((D, W1COLS)),
            _full((H1, C1)),
            _full((H1, C1)),
            _full((D, C2)),
            _full((1, C2)),
        ],
        out_specs=[
            pl.BlockSpec((NC, NB, WR1), lambda i: (0, i, 0)),
            pl.BlockSpec((1, 1, H1 * NB), lambda i: (i, 0, 0)),
            pl.BlockSpec((1, 1, H1 * NB), lambda i: (i, 0, 0)),
            pl.BlockSpec((NC, NB, WR1), lambda i: (0, i, 0)),
            pl.BlockSpec((NB, C2), lambda i: (i, 0)),
        ],
        out_shape=[
            jax.ShapeDtypeStruct((NC, N, WR1), f32),
            jax.ShapeDtypeStruct((G, 1, H1 * NB), f32),
            jax.ShapeDtypeStruct((G, 1, H1 * NB), f32),
            jax.ShapeDtypeStruct((NC, N, WR1), f32),
            jax.ShapeDtypeStruct((N, C2), f32),
        ],
    )(x, W1, a1_src, a1_dst, Wr, br.reshape(1, C2))

    eflat = edge_index.reshape(2 * E)
    src_, dst_ = edge_index[0], edge_index[1]
    gsrc = jnp.concatenate([src_, src_ + N])
    sidx1 = jnp.concatenate([src_ * H1, src_ * H1 + 1, src_ * H1 + 2])
    didx1 = jnp.concatenate([dst_ * H1, dst_ * H1 + 1, dst_ * H1 + 2])
    acc1 = _sc_edge1(h1p.reshape(NC * N, WR1), as1.reshape(H1 * N),
                     ad1.reshape(H1 * N), eflat, gsrc, sidx1, didx1,
                     acc0.reshape(NC * N, WR1)).reshape(NC, N, WR1)

    h2p, as2, ad2, acc20 = pl.pallas_call(
        _tc_mid,
        grid=(G,),
        in_specs=[
            pl.BlockSpec((NC, NB, WR1), lambda i: (0, i, 0)),
            _full((1, W1COLS)),
            _full((W1COLS, C2)),
            _full((1, C2)),
            _full((1, C2)),
        ],
        out_specs=[
            pl.BlockSpec((NC, NB, WR2), lambda i: (0, i, 0)),
            pl.BlockSpec((1, 1, NB), lambda i: (i, 0, 0)),
            pl.BlockSpec((1, 1, NB), lambda i: (i, 0, 0)),
            pl.BlockSpec((NC, NB, WR2), lambda i: (0, i, 0)),
        ],
        out_shape=[
            jax.ShapeDtypeStruct((NC, N, WR2), f32),
            jax.ShapeDtypeStruct((G, 1, NB), f32),
            jax.ShapeDtypeStruct((G, 1, NB), f32),
            jax.ShapeDtypeStruct((NC, N, WR2), f32),
        ],
    )(acc1, b1.reshape(1, W1COLS), W2, a2_src, a2_dst)

    acc2 = _sc_edge2(h2p.reshape(NC * N, WR2), as2.reshape(N),
                     ad2.reshape(N), eflat, gsrc, src_, dst_,
                     acc20.reshape(NC * N, WR2)).reshape(NC, N, WR2)

    out2, stats = pl.pallas_call(
        _tc_fin_a,
        grid=(G,),
        in_specs=[
            pl.BlockSpec((NC, NB, WR2), lambda i: (0, i, 0)),
            _full((1, C2)),
        ],
        out_specs=[
            pl.BlockSpec((NB, C2), lambda i: (i, 0)),
            _full((2, C2)),
        ],
        out_shape=[
            jax.ShapeDtypeStruct((N, C2), f32),
            jax.ShapeDtypeStruct((2, C2), f32),
        ],
    )(acc2, b2.reshape(1, C2))

    return pl.pallas_call(
        _tc_fin_b,
        grid=(G,),
        in_specs=[
            pl.BlockSpec((NB, C2), lambda i: (i, 0)),
            _full((2, C2)),
            _full((1, C2)),
            _full((1, C2)),
            pl.BlockSpec((NB, C2), lambda i: (i, 0)),
        ],
        out_specs=pl.BlockSpec((NB, C2), lambda i: (i, 0)),
        out_shape=jax.ShapeDtypeStruct((N, C2), f32),
    )(out2, stats, gamma.reshape(1, C2), beta.reshape(1, C2), resid)

# --- scband reference (transcript-rebuilt; emitter-appended) ---
"""Pipeline reference for scband-residual-gatlayer-81235011437200 (READ-ONLY COPY).

The authoritative reference and input builder live on the scoring server;
editing this copy changes nothing except your own understanding.
"""

import jax, jax.numpy as jnp
import numpy as np

N = 10000
E = 320000
D = 128
H1 = 3
C1 = 64
C2 = 128

def setup_inputs(seed: int = 0) -> dict:
    key = jax.random.key(seed)
    ks = jax.random.split(key, 16)
    inp = {}
    inp['x'] = jax.random.normal(ks[0], (N, D), dtype=jnp.float32)
    inp['edge_index'] = jax.random.randint(ks[1], (2, E), 0, N, dtype=jnp.int32)
    inp['W1'] = jax.random.normal(ks[2], (D, H1 * C1), dtype=jnp.float32) / np.sqrt(D)
    inp['a1_src'] = jax.random.normal(ks[3], (H1, C1), dtype=jnp.float32) * 0.1
    inp['a1_dst'] = jax.random.normal(ks[4], (H1, C1), dtype=jnp.float32) * 0.1
    inp['b1'] = jax.random.normal(ks[5], (H1 * C1,), dtype=jnp.float32) * 0.01
    inp['W2'] = jax.random.normal(ks[6], (H1 * C1, C2), dtype=jnp.float32) / np.sqrt(H1 * C1)
    inp['a2_src'] = jax.random.normal(ks[7], (1, C2), dtype=jnp.float32) * 0.1
    inp['a2_dst'] = jax.random.normal(ks[8], (1, C2), dtype=jnp.float32) * 0.1
    inp['b2'] = jax.random.normal(ks[9], (C2,), dtype=jnp.float32) * 0.01
    inp['Wr'] = jax.random.normal(ks[10], (D, C2), dtype=jnp.float32) / np.sqrt(D)
    inp['br'] = jax.random.normal(ks[11], (C2,), dtype=jnp.float32) * 0.01
    inp['gamma'] = jnp.ones((C2,), dtype=jnp.float32)
    inp['beta'] = jnp.zeros((C2,), dtype=jnp.float32)
    return inp

def _gat(x, W, a_src, a_dst, b, src, dst, heads, ch):
    n = x.shape[0]
    h = (x @ W).reshape(n, heads, ch)
    alpha_src = (h * a_src[None]).sum(-1)
    alpha_dst = (h * a_dst[None]).sum(-1)
    e = jax.nn.leaky_relu(alpha_src[src] + alpha_dst[dst], 0.2)
    m = jax.ops.segment_max(e, dst, num_segments=n)
    m = jnp.where(jnp.isfinite(m), m, 0.0)
    ex = jnp.exp(e - m[dst])
    s = jax.ops.segment_sum(ex, dst, num_segments=n)
    alpha = ex / (s[dst] + 1e-16)
    out = jax.ops.segment_sum(h[src] * alpha[..., None], dst, num_segments=n)
    return out.reshape(n, heads * ch) + b

def reference(x, edge_index, W1, a1_src, a1_dst, b1, W2, a2_src, a2_dst, b2, Wr, br, gamma, beta):
    n = x.shape[0]
    loop = jnp.arange(n, dtype=edge_index.dtype)
    src = jnp.concatenate([edge_index[0], loop])
    dst = jnp.concatenate([edge_index[1], loop])
    residual = x @ Wr + br
    out = _gat(x, W1, a1_src, a1_dst, b1, src, dst, H1, C1)
    out = _gat(out, W2, a2_src, a2_dst, b2, src, dst, 1, C2)
    mean = out.mean(axis=0)
    var = out.var(axis=0)
    out = (out - mean) / jnp.sqrt(var + 1e-5) * gamma + beta
    out = jax.nn.relu(out)
    return out + residual

if __name__ == "__main__":
    import jax
    _d = setup_inputs()
    print(jax.jit(kernel)(*tuple(_d.values())))

</pallas_src>

<mosaic_0001>
#map = affine_map<(d0, d1) -> (0, 0)>
#map1 = affine_map<(d0, d1) -> (0)>
module attributes {stable_mosaic.version = 14 : i64} {
  func.func @sc_edge(%arg0: i32, %arg1: i32, %arg2: memref<20000x80xf32, #tpu.memory_space<hbm>>, %arg3: memref<10000xf32, #tpu.memory_space<hbm>>, %arg4: memref<10000xf32, #tpu.memory_space<hbm>>, %arg5: memref<640000xi32, #tpu.memory_space<hbm>>, %arg6: memref<640000xi32, #tpu.memory_space<hbm>>, %arg7: memref<320000xi32, #tpu.memory_space<hbm>>, %arg8: memref<320000xi32, #tpu.memory_space<hbm>>, %arg9: memref<20000x80xf32, #tpu.memory_space<hbm>>, %arg10: memref<20000x80xf32, #tpu.memory_space<hbm>>, %arg11: memref<80xi32, #tpu.memory_space<vmem>>, %arg12: memref<80xi32, #tpu.memory_space<vmem>>, %arg13: memref<80xi32, #tpu.memory_space<vmem>>, %arg14: memref<80xi32, #tpu.memory_space<vmem>>, %arg15: memref<80xf32, #tpu.memory_space<vmem>>, %arg16: memref<80xf32, #tpu.memory_space<vmem>>, %arg17: memref<80x80xf32, #tpu.memory_space<vmem>>, %arg18: memref<10000x80xf32, #tpu.memory_space<vmem_shared>>, %arg19: memref<!tpu.dma_semaphore, #tpu.memory_space<semaphore_mem>>) attributes {dimension_semantics = [#tpu.dimension_semantics<core_parallel>, #tpu.dimension_semantics<subcore_parallel>], iteration_bounds = array<i64: 2, 16>, scalar_prefetch = 0 : i64, scratch_operands = 9 : i64, tpu.core_type = #tpu.core_type<sc_vector_subcore>, window_params = [{transform_indices = #map}, {transform_indices = #map1}, {transform_indices = #map1}, {transform_indices = #map1}, {transform_indices = #map1}, {transform_indices = #map1}, {transform_indices = #map1}, {transform_indices = #map}, {transform_indices = #map}]} {
    %mul3A = arith.constant 625 : i32
    %mul3A_0 = arith.muli %arg1, %mul3A : i32
    %mul3A_1 = arith.constant 10000 : i32
    %mul3A_2 = arith.muli %arg0, %mul3A_1 : i32
    %add3A = arith.addi %mul3A_2, %mul3A_0 : i32
    "tpu.region"() ({
      %run_scoped3A = tpu.sem_alloc : memref<!tpu.dma_semaphore, #tpu.memory_space<semaphore_mem>>
      %dma_start3A = arith.constant 0 : i32
      %dma_start3A_11 = tpu.memref_slice %arg18[%mul3A_0, %dma_start3A] : memref<10000x80xf32, #tpu.memory_space<vmem_shared>> -> memref<625x80xf32, #tpu.memory_space<vmem_shared>>
      %dma_start3A_12 = arith.constant 0 : i32
      %dma_start3A_13 = tpu.memref_slice %arg9[%add3A, %dma_start3A_12] : memref<20000x80xf32, #tpu.memory_space<hbm>> -> memref<625x80xf32, #tpu.memory_space<hbm>>
      tpu.enqueue_dma source(%dma_start3A_13 : memref<625x80xf32, #tpu.memory_space<hbm>>) target(%dma_start3A_11 : memref<625x80xf32, #tpu.memory_space<vmem_shared>>) target_semaphore(%run_scoped3A : memref<!tpu.dma_semaphore, #tpu.memory_space<semaphore_mem>>)
      %dma_wait3A = arith.constant 0 : i32
      %dma_wait3A_14 = tpu.memref_slice %arg18[%mul3A_0, %dma_wait3A] : memref<10000x80xf32, #tpu.memory_space<vmem_shared>> -> memref<625x80xf32, #tpu.memory_space<vmem_shared>>
      %dma_wait3A_15 = arith.constant 0 : i32
      %dma_wait3A_16 = tpu.memref_slice %arg9[%add3A, %dma_wait3A_15] : memref<20000x80xf32, #tpu.memory_space<hbm>> -> memref<625x80xf32, #tpu.memory_space<hbm>>
      tpu.wait_dma2 semaphore(%run_scoped3A : memref<!tpu.dma_semaphore, #tpu.memory_space<semaphore_mem>>) src(%dma_wait3A_16 : memref<625x80xf32, #tpu.memory_space<hbm>>) dst(%dma_wait3A_14 : memref<625x80xf32, #tpu.memory_space<vmem_shared>>)
      tpu.yield
    }) : () -> ()
    %barrier3A = arith.constant 0 : index
    tpu.barrier barrier_id(%barrier3A)
    %scan3A = arith.constant 0 : i32
    %scan3A_3 = arith.constant 250 : i32
    %scan3A_4 = arith.addi %scan3A, %scan3A_3 : i32
    %scan3A_5 = arith.constant 1 : i32
    scf.for %scan3A_11 = %scan3A to %scan3A_4 step %scan3A_5  : i32 {
      %mul3A_12 = arith.constant 1 : i32
      %mul3A_13 = arith.muli %scan3A_11, %mul3A_12 : i32
      %add3A_14 = arith.constant 0 : i32
      %add3A_15 = arith.addi %add3A_14, %mul3A_13 : i32
      %mul3A_16 = arith.constant 20000 : i32
      %mul3A_17 = arith.muli %arg1, %mul3A_16 : i32
      %mul3A_18 = arith.constant 80 : i32
      %mul3A_19 = arith.muli %add3A_15, %mul3A_18 : i32
      %add3A_20 = arith.addi %mul3A_17, %mul3A_19 : i32
      %multiple_of3A = tpu.assume_multiple %add3A_20, 8 : i32
      %add3A_21 = arith.constant 320000 : i32
      %add3A_22 = arith.addi %add3A_21, %multiple_of3A : i32
      %multiple_of3A_23 = tpu.assume_multiple %add3A_22, 8 : i32
      "tpu.region"() ({
        %run_scoped3A = tpu.sem_alloc : memref<!tpu.dma_semaphore, #tpu.memory_space<semaphore_mem>>
        %dma_start3A_49 = tpu.memref_slice %arg5[%multiple_of3A_23] : memref<640000xi32, #tpu.memory_space<hbm>> -> memref<80xi32, #tpu.memory_space<hbm>>
        %dma_start3A_50 = tpu.memref_slice %arg5[%multiple_of3A_23] : memref<640000xi32, #tpu.memory_space<hbm>> -> memref<80xi32, #tpu.memory_space<hbm>>
        tpu.enqueue_dma source(%dma_start3A_50 : memref<80xi32, #tpu.memory_space<hbm>>) target(%arg11 : memref<80xi32, #tpu.memory_space<vmem>>) target_semaphore(%run_scoped3A : memref<!tpu.dma_semaphore, #tpu.memory_space<semaphore_mem>>)
        %dma_wait3A_51 = tpu.memref_slice %arg5[%multiple_of3A_23] : memref<640000xi32, #tpu.memory_space<hbm>> -> memref<80xi32, #tpu.memory_space<hbm>>
        %dma_wait3A_52 = tpu.memref_slice %arg5[%multiple_of3A_23] : memref<640000xi32, #tpu.memory_space<hbm>> -> memref<80xi32, #tpu.memory_space<hbm>>
        tpu.wait_dma2 semaphore(%run_scoped3A : memref<!tpu.dma_semaphore, #tpu.memory_space<semaphore_mem>>) src(%dma_wait3A_52 : memref<80xi32, #tpu.memory_space<hbm>>) dst(%arg11 : memref<80xi32, #tpu.memory_space<vmem>>)
        tpu.yield
      }) : () -> ()
      %mul3A_24 = arith.constant 320000 : i32
      %mul3A_25 = arith.muli %arg0, %mul3A_24 : i32
      %add3A_26 = arith.addi %mul3A_25, %multiple_of3A : i32
      %multiple_of3A_27 = tpu.assume_multiple %add3A_26, 8 : i32
      "tpu.region"() ({
        %run_scoped3A = tpu.sem_alloc : memref<!tpu.dma_semaphore, #tpu.memory_space<semaphore_mem>>
        %dma_start3A_49 = tpu.memref_slice %arg6[%multiple_of3A_27] : memref<640000xi32, #tpu.memory_space<hbm>> -> memref<80xi32, #tpu.memory_space<hbm>>
        %dma_start3A_50 = tpu.memref_slice %arg6[%multiple_of3A_27] : memref<640000xi32, #tpu.memory_space<hbm>> -> memref<80xi32, #tpu.memory_space<hbm>>
        tpu.enqueue_dma source(%dma_start3A_50 : memref<80xi32, #tpu.memory_space<hbm>>) target(%arg12 : memref<80xi32, #tpu.memory_space<vmem>>) target_semaphore(%run_scoped3A : memref<!tpu.dma_semaphore, #tpu.memory_space<semaphore_mem>>)
        %dma_wait3A_51 = tpu.memref_slice %arg6[%multiple_of3A_27] : memref<640000xi32, #tpu.memory_space<hbm>> -> memref<80xi32, #tpu.memory_space<hbm>>
        %dma_wait3A_52 = tpu.memref_slice %arg6[%multiple_of3A_27] : memref<640000xi32, #tpu.memory_space<hbm>> -> memref<80xi32, #tpu.memory_space<hbm>>
        tpu.wait_dma2 semaphore(%run_scoped3A : memref<!tpu.dma_semaphore, #tpu.memory_space<semaphore_mem>>) src(%dma_wait3A_52 : memref<80xi32, #tpu.memory_space<hbm>>) dst(%arg12 : memref<80xi32, #tpu.memory_space<vmem>>)
        tpu.yield
      }) : () -> ()
      %add3A_28 = arith.constant 0 : i32
      %add3A_29 = arith.addi %add3A_28, %multiple_of3A : i32
      %multiple_of3A_30 = tpu.assume_multiple %add3A_29, 8 : i32
      "tpu.region"() ({
        %run_scoped3A = tpu.sem_alloc : memref<!tpu.dma_semaphore, #tpu.memory_space<semaphore_mem>>
        %dma_start3A_49 = tpu.memref_slice %arg7[%multiple_of3A_30] : memref<320000xi32, #tpu.memory_space<hbm>> -> memref<80xi32, #tpu.memory_space<hbm>>
        %dma_start3A_50 = tpu.memref_slice %arg7[%multiple_of3A_30] : memref<320000xi32, #tpu.memory_space<hbm>> -> memref<80xi32, #tpu.memory_space<hbm>>
        tpu.enqueue_dma source(%dma_start3A_50 : memref<80xi32, #tpu.memory_space<hbm>>) target(%arg13 : memref<80xi32, #tpu.memory_space<vmem>>) target_semaphore(%run_scoped3A : memref<!tpu.dma_semaphore, #tpu.memory_space<semaphore_mem>>)
        %dma_wait3A_51 = tpu.memref_slice %arg7[%multiple_of3A_30] : memref<320000xi32, #tpu.memory_space<hbm>> -> memref<80xi32, #tpu.memory_space<hbm>>
        %dma_wait3A_52 = tpu.memref_slice %arg7[%multiple_of3A_30] : memref<320000xi32, #tpu.memory_space<hbm>> -> memref<80xi32, #tpu.memory_space<hbm>>
        tpu.wait_dma2 semaphore(%run_scoped3A : memref<!tpu.dma_semaphore, #tpu.memory_space<semaphore_mem>>) src(%dma_wait3A_52 : memref<80xi32, #tpu.memory_space<hbm>>) dst(%arg13 : memref<80xi32, #tpu.memory_space<vmem>>)
        tpu.yield
      }) : () -> ()
      "tpu.region"() ({
        %run_scoped3A = tpu.sem_alloc : memref<!tpu.dma_semaphore, #tpu.memory_space<semaphore_mem>>
        %dma_start3A_49 = tpu.memref_slice %arg8[%multiple_of3A_30] : memref<320000xi32, #tpu.memory_space<hbm>> -> memref<80xi32, #tpu.memory_space<hbm>>
        %dma_start3A_50 = tpu.memref_slice %arg8[%multiple_of3A_30] : memref<320000xi32, #tpu.memory_space<hbm>> -> memref<80xi32, #tpu.memory_space<hbm>>
        tpu.enqueue_dma source(%dma_start3A_50 : memref<80xi32, #tpu.memory_space<hbm>>) target(%arg14 : memref<80xi32, #tpu.memory_space<vmem>>) target_semaphore(%run_scoped3A : memref<!tpu.dma_semaphore, #tpu.memory_space<semaphore_mem>>)
        %dma_wait3A_51 = tpu.memref_slice %arg8[%multiple_of3A_30] : memref<320000xi32, #tpu.memory_space<hbm>> -> memref<80xi32, #tpu.memory_space<hbm>>
        %dma_wait3A_52 = tpu.memref_slice %arg8[%multiple_of3A_30] : memref<320000xi32, #tpu.memory_space<hbm>> -> memref<80xi32, #tpu.memory_space<hbm>>
        tpu.wait_dma2 semaphore(%run_scoped3A : memref<!tpu.dma_semaphore, #tpu.memory_space<semaphore_mem>>) src(%dma_wait3A_52 : memref<80xi32, #tpu.memory_space<hbm>>) dst(%arg14 : memref<80xi32, #tpu.memory_space<vmem>>)
        tpu.yield
      }) : () -> ()
      %dma_start3A = arith.constant 0 : i32
      %dma_start3A_31 = arith.constant 0 : i32
      %dma_start3A_32 = tpu.memref_slice %arg2[%dma_start3A, %dma_start3A_31] : memref<20000x80xf32, #tpu.memory_space<hbm>> -> memref<20000x80xf32, #tpu.memory_space<hbm>>
      tpu.enqueue_indirect_dma source(%dma_start3A_32 : memref<20000x80xf32, #tpu.memory_space<hbm>>) target(%arg17 : memref<80x80xf32, #tpu.memory_space<vmem>>) offsets(%arg12 : memref<80xi32, #tpu.memory_space<vmem>>) semaphore(%arg19 : memref<!tpu.dma_semaphore, #tpu.memory_space<semaphore_mem>>)
      %dma_start3A_33 = arith.constant 0 : i32
      %dma_start3A_34 = tpu.memref_slice %arg3[%dma_start3A_33] : memref<10000xf32, #tpu.memory_space<hbm>> -> memref<10000xf32, #tpu.memory_space<hbm>>
      tpu.enqueue_indirect_dma source(%dma_start3A_34 : memref<10000xf32, #tpu.memory_space<hbm>>) target(%arg15 : memref<80xf32, #tpu.memory_space<vmem>>) offsets(%arg13 : memref<80xi32, #tpu.memory_space<vmem>>) semaphore(%arg19 : memref<!tpu.dma_semaphore, #tpu.memory_space<semaphore_mem>>)
      %dma_start3A_35 = arith.constant 0 : i32
      %dma_start3A_36 = tpu.memref_slice %arg4[%dma_start3A_35] : memref<10000xf32, #tpu.memory_space<hbm>> -> memref<10000xf32, #tpu.memory_space<hbm>>
      tpu.enqueue_indirect_dma source(%dma_start3A_36 : memref<10000xf32, #tpu.memory_space<hbm>>) target(%arg16 : memref<80xf32, #tpu.memory_space<vmem>>) offsets(%arg14 : memref<80xi32, #tpu.memory_space<vmem>>) semaphore(%arg19 : memref<!tpu.dma_semaphore, #tpu.memory_space<semaphore_mem>>)
      %dma_wait3A = arith.constant 0 : i32
      %dma_wait3A_37 = tpu.memref_slice %arg3[%dma_wait3A] : memref<10000xf32, #tpu.memory_space<hbm>> -> memref<10000xf32, #tpu.memory_space<hbm>>
      tpu.wait_indirect_dma semaphore(%arg19 : memref<!tpu.dma_semaphore, #tpu.memory_space<semaphore_mem>>) src(%dma_wait3A_37 : memref<10000xf32, #tpu.memory_space<hbm>>) dst(%arg15 : memref<80xf32, #tpu.memory_space<vmem>>)
      %dma_wait3A_38 = arith.constant 0 : i32
      %dma_wait3A_39 = tpu.memref_slice %arg4[%dma_wait3A_38] : memref<10000xf32, #tpu.memory_space<hbm>> -> memref<10000xf32, #tpu.memory_space<hbm>>
      tpu.wait_indirect_dma semaphore(%arg19 : memref<!tpu.dma_semaphore, #tpu.memory_space<semaphore_mem>>) src(%dma_wait3A_39 : memref<10000xf32, #tpu.memory_space<hbm>>) dst(%arg16 : memref<80xf32, #tpu.memory_space<vmem>>)
      %dma_wait3A_40 = arith.constant 0 : i32
      %dma_wait3A_41 = arith.constant 0 : i32
      %dma_wait3A_42 = tpu.memref_slice %arg2[%dma_wait3A_40, %dma_wait3A_41] : memref<20000x80xf32, #tpu.memory_space<hbm>> -> memref<20000x80xf32, #tpu.memory_space<hbm>>
      tpu.wait_indirect_dma semaphore(%arg19 : memref<!tpu.dma_semaphore, #tpu.memory_space<semaphore_mem>>) src(%dma_wait3A_42 : memref<20000x80xf32, #tpu.memory_space<hbm>>) dst(%arg17 : memref<80x80xf32, #tpu.memory_space<vmem>>)
      %scan3A_43 = arith.constant 0 : i32
      %scan3A_44 = arith.constant 0 : i32
      %scan3A_45 = arith.constant 5 : i32
      %scan3A_46 = arith.addi %scan3A_44, %scan3A_45 : i32
      %scan3A_47 = arith.constant 1 : i32
      scf.for %scan3A_49 = %scan3A_44 to %scan3A_46 step %scan3A_47  : i32 {
        %mul3A_50 = arith.constant 16 : i32
        %mul3A_51 = arith.muli %scan3A_49, %mul3A_50 : i32
        %iota3A = tpu.iota {dimensions = array<i32: 0>} : vector<16xi32>
        %add3A_52 = vector.broadcast %mul3A_51 : i32 to vector<16xi32>
        %add3A_53 = arith.addi %add3A_52, %iota3A : vector<16xi32>
        %mul3A_54 = arith.constant 16 : i32
        %mul3A_55 = arith.muli %scan3A_49, %mul3A_54 : i32
        %get3A = arith.index_cast %mul3A_55 : i32 to index
        %get3A_56 = tpu.vector_load %arg15[%get3A] {strides = array<i32>} : memref<80xf32, #tpu.memory_space<vmem>>, vector<16xf32>,
        %mul3A_57 = arith.constant 16 : i32
        %mul3A_58 = arith.muli %scan3A_49, %mul3A_57 : i32
        %get3A_59 = arith.index_cast %mul3A_58 : i32 to index
        %get3A_60 = tpu.vector_load %arg16[%get3A_59] {strides = array<i32>} : memref<80xf32, #tpu.memory_space<vmem>>, vector<16xf32>,
        %add3A_61 = arith.addf %get3A_56, %get3A_60 : vector<16xf32>
        %ge3A = arith.constant 0.000000e+00 : f32
        %ge3A_62 = vector.broadcast %ge3A : f32 to vector<16xf32>
        %ge3A_63 = arith.cmpf oge, %add3A_61, %ge3A_62 : vector<16xf32>
        %mul3A_64 = arith.constant 2.000000e-01 : f32
        %mul3A_65 = vector.broadcast %mul3A_64 : f32 to vector<16xf32>
        %mul3A_66 = arith.mulf %mul3A_65, %add3A_61 : vector<16xf32>
        %select_n3A = arith.select %ge3A_63, %add3A_61, %mul3A_66 : vector<16xi1>, vector<16xf32>
        %exp3A = math.exp %select_n3A : vector<16xf32>
        %broadcast_in_dim3A = arith.constant 0 : i32
        %broadcast_in_dim3A_67 = vector.broadcast %broadcast_in_dim3A : i32 to vector<16xi32>
        %gather3A = tpu.vector_load_idx %arg17[%add3A_53, %broadcast_in_dim3A_67] : memref<80x80xf32, #tpu.memory_space<vmem>>[vector<16xi32>, vector<16xi32>], vector<16xf32>,
        %mul3A_68 = arith.mulf %gather3A, %exp3A : vector<16xf32>
        tpu.vector_store_idx %arg17[%add3A_53, %broadcast_in_dim3A_67], %mul3A_68 : memref<80x80xf32, #tpu.memory_space<vmem>>[vector<16xi32>, vector<16xi32>], vector<16xf32>,
        %broadcast_in_dim3A_69 = arith.constant 1 : i32
        %broadcast_in_dim3A_70 = vector.broadcast %broadcast_in_dim3A_69 : i32 to vector<16xi32>
        %gather3A_71 = tpu.vector_load_idx %arg17[%add3A_53, %broadcast_in_dim3A_70] : memref<80x80xf32, #tpu.memory_space<vmem>>[vector<16xi32>, vector<16xi32>], vector<16xf32>,
        %mul3A_72 = arith.mulf %gather3A_71, %exp3A : vector<16xf32>
        tpu.vector_store_idx %arg17[%add3A_53, %broadcast_in_dim3A_70], %mul3A_72 : memref<80x80xf32, #tpu.memory_space<vmem>>[vector<16xi32>, vector<16xi32>], vector<16xf32>,
        %broadcast_in_dim3A_73 = arith.constant 2 : i32
        %broadcast_in_dim3A_74 = vector.broadcast %broadcast_in_dim3A_73 : i32 to vector<16xi32>
        %gather3A_75 = tpu.vector_load_idx %arg17[%add3A_53, %broadcast_in_dim3A_74] : memref<80x80xf32, #tpu.memory_space<vmem>>[vector<16xi32>, vector<16xi32>], vector<16xf32>,
        %mul3A_76 = arith.mulf %gather3A_75, %exp3A : vector<16xf32>
        tpu.vector_store_idx %arg17[%add3A_53, %broadcast_in_dim3A_74], %mul3A_76 : memref<80x80xf32, #tpu.memory_space<vmem>>[vector<16xi32>, vector<16xi32>], vector<16xf32>,
        %broadcast_in_dim3A_77 = arith.constant 3 : i32
        %broadcast_in_dim3A_78 = vector.broadcast %broadcast_in_dim3A_77 : i32 to vector<16xi32>
        %gather3A_79 = tpu.vector_load_idx %arg17[%add3A_53, %broadcast_in_dim3A_78] : memref<80x80xf32, #tpu.memory_space<vmem>>[vector<16xi32>, vector<16xi32>], vector<16xf32>,
        %mul3A_80 = arith.mulf %gather3A_79, %exp3A : vector<16xf32>
        tpu.vector_store_idx %arg17[%add3A_53, %broadcast_in_dim3A_78], %mul3A_80 : memref<80x80xf32, #tpu.memory_space<vmem>>[vector<16xi32>, vector<16xi32>], vector<16xf32>,
        %broadcast_in_dim3A_81 = arith.constant 4 : i32
        %broadcast_in_dim3A_82 = vector.broadcast %broadcast_in_dim3A_81 : i32 to vector<16xi32>
        %gather3A_83 = tpu.vector_load_idx %arg17[%add3A_53, %broadcast_in_dim3A_82] : memref<80x80xf32, #tpu.memory_space<vmem>>[vector<16xi32>, vector<16xi32>], vector<16xf32>,
        %mul3A_84 = arith.mulf %gather3A_83, %exp3A : vector<16xf32>
        tpu.vector_store_idx %arg17[%add3A_53, %broadcast_in_dim3A_82], %mul3A_84 : memref<80x80xf32, #tpu.memory_space<vmem>>[vector<16xi32>, vector<16xi32>], vector<16xf32>,
        %broadcast_in_dim3A_85 = arith.constant 5 : i32
        %broadcast_in_dim3A_86 = vector.broadcast %broadcast_in_dim3A_85 : i32 to vector<16xi32>
        %gather3A_87 = tpu.vector_load_idx %arg17[%add3A_53, %broadcast_in_dim3A_86] : memref<80x80xf32, #tpu.memory_space<vmem>>[vector<16xi32>, vector<16xi32>], vector<16xf32>,
        %mul3A_88 = arith.mulf %gather3A_87, %exp3A : vector<16xf32>
        tpu.vector_store_idx %arg17[%add3A_53, %broadcast_in_dim3A_86], %mul3A_88 : memref<80x80xf32, #tpu.memory_space<vmem>>[vector<16xi32>, vector<16xi32>], vector<16xf32>,
        %broadcast_in_dim3A_89 = arith.constant 6 : i32
        %broadcast_in_dim3A_90 = vector.broadcast %broadcast_in_dim3A_89 : i32 to vector<16xi32>
        %gather3A_91 = tpu.vector_load_idx %arg17[%add3A_53, %broadcast_in_dim3A_90] : memref<80x80xf32, #tpu.memory_space<vmem>>[vector<16xi32>, vector<16xi32>], vector<16xf32>,
        %mul3A_92 = arith.mulf %gather3A_91, %exp3A : vector<16xf32>
        tpu.vector_store_idx %arg17[%add3A_53, %broadcast_in_dim3A_90], %mul3A_92 : memref<80x80xf32, #tpu.memory_space<vmem>>[vector<16xi32>, vector<16xi32>], vector<16xf32>,
        %broadcast_in_dim3A_93 = arith.constant 7 : i32
        %broadcast_in_dim3A_94 = vector.broadcast %broadcast_in_dim3A_93 : i32 to vector<16xi32>
        %gather3A_95 = tpu.vector_load_idx %arg17[%add3A_53, %broadcast_in_dim3A_94] : memref<80x80xf32, #tpu.memory_space<vmem>>[vector<16xi32>, vector<16xi32>], vector<16xf32>,
        %mul3A_96 = arith.mulf %gather3A_95, %exp3A : vector<16xf32>
        tpu.vector_store_idx %arg17[%add3A_53, %broadcast_in_dim3A_94], %mul3A_96 : memref<80x80xf32, #tpu.memory_space<vmem>>[vector<16xi32>, vector<16xi32>], vector<16xf32>,
        %broadcast_in_dim3A_97 = arith.constant 8 : i32
        %broadcast_in_dim3A_98 = vector.broadcast %broadcast_in_dim3A_97 : i32 to vector<16xi32>
        %gather3A_99 = tpu.vector_load_idx %arg17[%add3A_53, %broadcast_in_dim3A_98] : memref<80x80xf32, #tpu.memory_space<vmem>>[vector<16xi32>, vector<16xi32>], vector<16xf32>,
        %mul3A_100 = arith.mulf %gather3A_99, %exp3A : vector<16xf32>
        tpu.vector_store_idx %arg17[%add3A_53, %broadcast_in_dim3A_98], %mul3A_100 : memref<80x80xf32, #tpu.memory_space<vmem>>[vector<16xi32>, vector<16xi32>], vector<16xf32>,
        %broadcast_in_dim3A_101 = arith.constant 9 : i32
        %broadcast_in_dim3A_102 = vector.broadcast %broadcast_in_dim3A_101 : i32 to vector<16xi32>
        %gather3A_103 = tpu.vector_load_idx %arg17[%add3A_53, %broadcast_in_dim3A_102] : memref<80x80xf32, #tpu.memory_space<vmem>>[vector<16xi32>, vector<16xi32>], vector<16xf32>,
        %mul3A_104 = arith.mulf %gather3A_103, %exp3A : vector<16xf32>
        tpu.vector_store_idx %arg17[%add3A_53, %broadcast_in_dim3A_102], %mul3A_104 : memref<80x80xf32, #tpu.memory_space<vmem>>[vector<16xi32>, vector<16xi32>], vector<16xf32>,
        %broadcast_in_dim3A_105 = arith.constant 10 : i32
        %broadcast_in_dim3A_106 = vector.broadcast %broadcast_in_dim3A_105 : i32 to vector<16xi32>
        %gather3A_107 = tpu.vector_load_idx %arg17[%add3A_53, %broadcast_in_dim3A_106] : memref<80x80xf32, #tpu.memory_space<vmem>>[vector<16xi32>, vector<16xi32>], vector<16xf32>,
        %mul3A_108 = arith.mulf %gather3A_107, %exp3A : vector<16xf32>
        tpu.vector_store_idx %arg17[%add3A_53, %broadcast_in_dim3A_106], %mul3A_108 : memref<80x80xf32, #tpu.memory_space<vmem>>[vector<16xi32>, vector<16xi32>], vector<16xf32>,
        %broadcast_in_dim3A_109 = arith.constant 11 : i32
        %broadcast_in_dim3A_110 = vector.broadcast %broadcast_in_dim3A_109 : i32 to vector<16xi32>
        %gather3A_111 = tpu.vector_load_idx %arg17[%add3A_53, %broadcast_in_dim3A_110] : memref<80x80xf32, #tpu.memory_space<vmem>>[vector<16xi32>, vector<16xi32>], vector<16xf32>,
        %mul3A_112 = arith.mulf %gather3A_111, %exp3A : vector<16xf32>
        tpu.vector_store_idx %arg17[%add3A_53, %broadcast_in_dim3A_110], %mul3A_112 : memref<80x80xf32, #tpu.memory_space<vmem>>[vector<16xi32>, vector<16xi32>], vector<16xf32>,
        %broadcast_in_dim3A_113 = arith.constant 12 : i32
        %broadcast_in_dim3A_114 = vector.broadcast %broadcast_in_dim3A_113 : i32 to vector<16xi32>
        %gather3A_115 = tpu.vector_load_idx %arg17[%add3A_53, %broadcast_in_dim3A_114] : memref<80x80xf32, #tpu.memory_space<vmem>>[vector<16xi32>, vector<16xi32>], vector<16xf32>,
        %mul3A_116 = arith.mulf %gather3A_115, %exp3A : vector<16xf32>
        tpu.vector_store_idx %arg17[%add3A_53, %broadcast_in_dim3A_114], %mul3A_116 : memref<80x80xf32, #tpu.memory_space<vmem>>[vector<16xi32>, vector<16xi32>], vector<16xf32>,
        %broadcast_in_dim3A_117 = arith.constant 13 : i32
        %broadcast_in_dim3A_118 = vector.broadcast %broadcast_in_dim3A_117 : i32 to vector<16xi32>
        %gather3A_119 = tpu.vector_load_idx %arg17[%add3A_53, %broadcast_in_dim3A_118] : memref<80x80xf32, #tpu.memory_space<vmem>>[vector<16xi32>, vector<16xi32>], vector<16xf32>,
        %mul3A_120 = arith.mulf %gather3A_119, %exp3A : vector<16xf32>
        tpu.vector_store_idx %arg17[%add3A_53, %broadcast_in_dim3A_118], %mul3A_120 : memref<80x80xf32, #tpu.memory_space<vmem>>[vector<16xi32>, vector<16xi32>], vector<16xf32>,
        %broadcast_in_dim3A_121 = arith.constant 14 : i32
        %broadcast_in_dim3A_122 = vector.broadcast %broadcast_in_dim3A_121 : i32 to vector<16xi32>
        %gather3A_123 = tpu.vector_load_idx %arg17[%add3A_53, %broadcast_in_dim3A_122] : memref<80x80xf32, #tpu.memory_space<vmem>>[vector<16xi32>, vector<16xi32>], vector<16xf32>,
        %mul3A_124 = arith.mulf %gather3A_123, %exp3A : vector<16xf32>
        tpu.vector_store_idx %arg17[%add3A_53, %broadcast_in_dim3A_122], %mul3A_124 : memref<80x80xf32, #tpu.memory_space<vmem>>[vector<16xi32>, vector<16xi32>], vector<16xf32>,
        %broadcast_in_dim3A_125 = arith.constant 15 : i32
        %broadcast_in_dim3A_126 = vector.broadcast %broadcast_in_dim3A_125 : i32 to vector<16xi32>
        %gather3A_127 = tpu.vector_load_idx %arg17[%add3A_53, %broadcast_in_dim3A_126] : memref<80x80xf32, #tpu.memory_space<vmem>>[vector<16xi32>, vector<16xi32>], vector<16xf32>,
        %mul3A_128 = arith.mulf %gather3A_127, %exp3A : vector<16xf32>
        tpu.vector_store_idx %arg17[%add3A_53, %broadcast_in_dim3A_126], %mul3A_128 : memref<80x80xf32, #tpu.memory_space<vmem>>[vector<16xi32>, vector<16xi32>], vector<16xf32>,
        %broadcast_in_dim3A_129 = arith.constant 16 : i32
        %broadcast_in_dim3A_130 = vector.broadcast %broadcast_in_dim3A_129 : i32 to vector<16xi32>
        %gather3A_131 = tpu.vector_load_idx %arg17[%add3A_53, %broadcast_in_dim3A_130] : memref<80x80xf32, #tpu.memory_space<vmem>>[vector<16xi32>, vector<16xi32>], vector<16xf32>,
        %mul3A_132 = arith.mulf %gather3A_131, %exp3A : vector<16xf32>
        tpu.vector_store_idx %arg17[%add3A_53, %broadcast_in_dim3A_130], %mul3A_132 : memref<80x80xf32, #tpu.memory_space<vmem>>[vector<16xi32>, vector<16xi32>], vector<16xf32>,
        %broadcast_in_dim3A_133 = arith.constant 17 : i32
        %broadcast_in_dim3A_134 = vector.broadcast %broadcast_in_dim3A_133 : i32 to vector<16xi32>
        %gather3A_135 = tpu.vector_load_idx %arg17[%add3A_53, %broadcast_in_dim3A_134] : memref<80x80xf32, #tpu.memory_space<vmem>>[vector<16xi32>, vector<16xi32>], vector<16xf32>,
        %mul3A_136 = arith.mulf %gather3A_135, %exp3A : vector<16xf32>
        tpu.vector_store_idx %arg17[%add3A_53, %broadcast_in_dim3A_134], %mul3A_136 : memref<80x80xf32, #tpu.memory_space<vmem>>[vector<16xi32>, vector<16xi32>], vector<16xf32>,
        %broadcast_in_dim3A_137 = arith.constant 18 : i32
        %broadcast_in_dim3A_138 = vector.broadcast %broadcast_in_dim3A_137 : i32 to vector<16xi32>
        %gather3A_139 = tpu.vector_load_idx %arg17[%add3A_53, %broadcast_in_dim3A_138] : memref<80x80xf32, #tpu.memory_space<vmem>>[vector<16xi32>, vector<16xi32>], vector<16xf32>,
        %mul3A_140 = arith.mulf %gather3A_139, %exp3A : vector<16xf32>
        tpu.vector_store_idx %arg17[%add3A_53, %broadcast_in_dim3A_138], %mul3A_140 : memref<80x80xf32, #tpu.memory_space<vmem>>[vector<16xi32>, vector<16xi32>], vector<16xf32>,
        %broadcast_in_dim3A_141 = arith.constant 19 : i32
        %broadcast_in_dim3A_142 = vector.broadcast %broadcast_in_dim3A_141 : i32 to vector<16xi32>
        %gather3A_143 = tpu.vector_load_idx %arg17[%add3A_53, %broadcast_in_dim3A_142] : memref<80x80xf32, #tpu.memory_space<vmem>>[vector<16xi32>, vector<16xi32>], vector<16xf32>,
        %mul3A_144 = arith.mulf %gather3A_143, %exp3A : vector<16xf32>
        tpu.vector_store_idx %arg17[%add3A_53, %broadcast_in_dim3A_142], %mul3A_144 : memref<80x80xf32, #tpu.memory_space<vmem>>[vector<16xi32>, vector<16xi32>], vector<16xf32>,
        %broadcast_in_dim3A_145 = arith.constant 20 : i32
        %broadcast_in_dim3A_146 = vector.broadcast %broadcast_in_dim3A_145 : i32 to vector<16xi32>
        %gather3A_147 = tpu.vector_load_idx %arg17[%add3A_53, %broadcast_in_dim3A_146] : memref<80x80xf32, #tpu.memory_space<vmem>>[vector<16xi32>, vector<16xi32>], vector<16xf32>,
        %mul3A_148 = arith.mulf %gather3A_147, %exp3A : vector<16xf32>
        tpu.vector_store_idx %arg17[%add3A_53, %broadcast_in_dim3A_146], %mul3A_148 : memref<80x80xf32, #tpu.memory_space<vmem>>[vector<16xi32>, vector<16xi32>], vector<16xf32>,
        %broadcast_in_dim3A_149 = arith.constant 21 : i32
        %broadcast_in_dim3A_150 = vector.broadcast %broadcast_in_dim3A_149 : i32 to vector<16xi32>
        %gather3A_151 = tpu.vector_load_idx %arg17[%add3A_53, %broadcast_in_dim3A_150] : memref<80x80xf32, #tpu.memory_space<vmem>>[vector<16xi32>, vector<16xi32>], vector<16xf32>,
        %mul3A_152 = arith.mulf %gather3A_151, %exp3A : vector<16xf32>
        tpu.vector_store_idx %arg17[%add3A_53, %broadcast_in_dim3A_150], %mul3A_152 : memref<80x80xf32, #tpu.memory_space<vmem>>[vector<16xi32>, vector<16xi32>], vector<16xf32>,
        %broadcast_in_dim3A_153 = arith.constant 22 : i32
        %broadcast_in_dim3A_154 = vector.broadcast %broadcast_in_dim3A_153 : i32 to vector<16xi32>
        %gather3A_155 = tpu.vector_load_idx %arg17[%add3A_53, %broadcast_in_dim3A_154] : memref<80x80xf32, #tpu.memory_space<vmem>>[vector<16xi32>, vector<16xi32>], vector<16xf32>,
        %mul3A_156 = arith.mulf %gather3A_155, %exp3A : vector<16xf32>
        tpu.vector_store_idx %arg17[%add3A_53, %broadcast_in_dim3A_154], %mul3A_156 : memref<80x80xf32, #tpu.memory_space<vmem>>[vector<16xi32>, vector<16xi32>], vector<16xf32>,
        %broadcast_in_dim3A_157 = arith.constant 23 : i32
        %broadcast_in_dim3A_158 = vector.broadcast %broadcast_in_dim3A_157 : i32 to vector<16xi32>
        %gather3A_159 = tpu.vector_load_idx %arg17[%add3A_53, %broadcast_in_dim3A_158] : memref<80x80xf32, #tpu.memory_space<vmem>>[vector<16xi32>, vector<16xi32>], vector<16xf32>,
        %mul3A_160 = arith.mulf %gather3A_159, %exp3A : vector<16xf32>
        tpu.vector_store_idx %arg17[%add3A_53, %broadcast_in_dim3A_158], %mul3A_160 : memref<80x80xf32, #tpu.memory_space<vmem>>[vector<16xi32>, vector<16xi32>], vector<16xf32>,
        %broadcast_in_dim3A_161 = arith.constant 24 : i32
        %broadcast_in_dim3A_162 = vector.broadcast %broadcast_in_dim3A_161 : i32 to vector<16xi32>
        %gather3A_163 = tpu.vector_load_idx %arg17[%add3A_53, %broadcast_in_dim3A_162] : memref<80x80xf32, #tpu.memory_space<vmem>>[vector<16xi32>, vector<16xi32>], vector<16xf32>,
        %mul3A_164 = arith.mulf %gather3A_163, %exp3A : vector<16xf32>
        tpu.vector_store_idx %arg17[%add3A_53, %broadcast_in_dim3A_162], %mul3A_164 : memref<80x80xf32, #tpu.memory_space<vmem>>[vector<16xi32>, vector<16xi32>], vector<16xf32>,
        %broadcast_in_dim3A_165 = arith.constant 25 : i32
        %broadcast_in_dim3A_166 = vector.broadcast %broadcast_in_dim3A_165 : i32 to vector<16xi32>
        %gather3A_167 = tpu.vector_load_idx %arg17[%add3A_53, %broadcast_in_dim3A_166] : memref<80x80xf32, #tpu.memory_space<vmem>>[vector<16xi32>, vector<16xi32>], vector<16xf32>,
        %mul3A_168 = arith.mulf %gather3A_167, %exp3A : vector<16xf32>
        tpu.vector_store_idx %arg17[%add3A_53, %broadcast_in_dim3A_166], %mul3A_168 : memref<80x80xf32, #tpu.memory_space<vmem>>[vector<16xi32>, vector<16xi32>], vector<16xf32>,
        %broadcast_in_dim3A_169 = arith.constant 26 : i32
        %broadcast_in_dim3A_170 = vector.broadcast %broadcast_in_dim3A_169 : i32 to vector<16xi32>
        %gather3A_171 = tpu.vector_load_idx %arg17[%add3A_53, %broadcast_in_dim3A_170] : memref<80x80xf32, #tpu.memory_space<vmem>>[vector<16xi32>, vector<16xi32>], vector<16xf32>,
        %mul3A_172 = arith.mulf %gather3A_171, %exp3A : vector<16xf32>
        tpu.vector_store_idx %arg17[%add3A_53, %broadcast_in_dim3A_170], %mul3A_172 : memref<80x80xf32, #tpu.memory_space<vmem>>[vector<16xi32>, vector<16xi32>], vector<16xf32>,
        %broadcast_in_dim3A_173 = arith.constant 27 : i32
        %broadcast_in_dim3A_174 = vector.broadcast %broadcast_in_dim3A_173 : i32 to vector<16xi32>
        %gather3A_175 = tpu.vector_load_idx %arg17[%add3A_53, %broadcast_in_dim3A_174] : memref<80x80xf32, #tpu.memory_space<vmem>>[vector<16xi32>, vector<16xi32>], vector<16xf32>,
        %mul3A_176 = arith.mulf %gather3A_175, %exp3A : vector<16xf32>
        tpu.vector_store_idx %arg17[%add3A_53, %broadcast_in_dim3A_174], %mul3A_176 : memref<80x80xf32, #tpu.memory_space<vmem>>[vector<16xi32>, vector<16xi32>], vector<16xf32>,
        %broadcast_in_dim3A_177 = arith.constant 28 : i32
        %broadcast_in_dim3A_178 = vector.broadcast %broadcast_in_dim3A_177 : i32 to vector<16xi32>
        %gather3A_179 = tpu.vector_load_idx %arg17[%add3A_53, %broadcast_in_dim3A_178] : memref<80x80xf32, #tpu.memory_space<vmem>>[vector<16xi32>, vector<16xi32>], vector<16xf32>,
        %mul3A_180 = arith.mulf %gather3A_179, %exp3A : vector<16xf32>
        tpu.vector_store_idx %arg17[%add3A_53, %broadcast_in_dim3A_178], %mul3A_180 : memref<80x80xf32, #tpu.memory_space<vmem>>[vector<16xi32>, vector<16xi32>], vector<16xf32>,
        %broadcast_in_dim3A_181 = arith.constant 29 : i32
        %broadcast_in_dim3A_182 = vector.broadcast %broadcast_in_dim3A_181 : i32 to vector<16xi32>
        %gather3A_183 = tpu.vector_load_idx %arg17[%add3A_53, %broadcast_in_dim3A_182] : memref<80x80xf32, #tpu.memory_space<vmem>>[vector<16xi32>, vector<16xi32>], vector<16xf32>,
        %mul3A_184 = arith.mulf %gather3A_183, %exp3A : vector<16xf32>
        tpu.vector_store_idx %arg17[%add3A_53, %broadcast_in_dim3A_182], %mul3A_184 : memref<80x80xf32, #tpu.memory_space<vmem>>[vector<16xi32>, vector<16xi32>], vector<16xf32>,
        %broadcast_in_dim3A_185 = arith.constant 30 : i32
        %broadcast_in_dim3A_186 = vector.broadcast %broadcast_in_dim3A_185 : i32 to vector<16xi32>
        %gather3A_187 = tpu.vector_load_idx %arg17[%add3A_53, %broadcast_in_dim3A_186] : memref<80x80xf32, #tpu.memory_space<vmem>>[vector<16xi32>, vector<16xi32>], vector<16xf32>,
        %mul3A_188 = arith.mulf %gather3A_187, %exp3A : vector<16xf32>
        tpu.vector_store_idx %arg17[%add3A_53, %broadcast_in_dim3A_186], %mul3A_188 : memref<80x80xf32, #tpu.memory_space<vmem>>[vector<16xi32>, vector<16xi32>], vector<16xf32>,
        %broadcast_in_dim3A_189 = arith.constant 31 : i32
        %broadcast_in_dim3A_190 = vector.broadcast %broadcast_in_dim3A_189 : i32 to vector<16xi32>
        %gather3A_191 = tpu.vector_load_idx %arg17[%add3A_53, %broadcast_in_dim3A_190] : memref<80x80xf32, #tpu.memory_space<vmem>>[vector<16xi32>, vector<16xi32>], vector<16xf32>,
        %mul3A_192 = arith.mulf %gather3A_191, %exp3A : vector<16xf32>
        tpu.vector_store_idx %arg17[%add3A_53, %broadcast_in_dim3A_190], %mul3A_192 : memref<80x80xf32, #tpu.memory_space<vmem>>[vector<16xi32>, vector<16xi32>], vector<16xf32>,
        %broadcast_in_dim3A_193 = arith.constant 32 : i32
        %broadcast_in_dim3A_194 = vector.broadcast %broadcast_in_dim3A_193 : i32 to vector<16xi32>
        %gather3A_195 = tpu.vector_load_idx %arg17[%add3A_53, %broadcast_in_dim3A_194] : memref<80x80xf32, #tpu.memory_space<vmem>>[vector<16xi32>, vector<16xi32>], vector<16xf32>,
        %mul3A_196 = arith.mulf %gather3A_195, %exp3A : vector<16xf32>
        tpu.vector_store_idx %arg17[%add3A_53, %broadcast_in_dim3A_194], %mul3A_196 : memref<80x80xf32, #tpu.memory_space<vmem>>[vector<16xi32>, vector<16xi32>], vector<16xf32>,
        %broadcast_in_dim3A_197 = arith.constant 33 : i32
        %broadcast_in_dim3A_198 = vector.broadcast %broadcast_in_dim3A_197 : i32 to vector<16xi32>
        %gather3A_199 = tpu.vector_load_idx %arg17[%add3A_53, %broadcast_in_dim3A_198] : memref<80x80xf32, #tpu.memory_space<vmem>>[vector<16xi32>, vector<16xi32>], vector<16xf32>,
        %mul3A_200 = arith.mulf %gather3A_199, %exp3A : vector<16xf32>
        tpu.vector_store_idx %arg17[%add3A_53, %broadcast_in_dim3A_198], %mul3A_200 : memref<80x80xf32, #tpu.memory_space<vmem>>[vector<16xi32>, vector<16xi32>], vector<16xf32>,
        %broadcast_in_dim3A_201 = arith.constant 34 : i32
        %broadcast_in_dim3A_202 = vector.broadcast %broadcast_in_dim3A_201 : i32 to vector<16xi32>
        %gather3A_203 = tpu.vector_load_idx %arg17[%add3A_53, %broadcast_in_dim3A_202] : memref<80x80xf32, #tpu.memory_space<vmem>>[vector<16xi32>, vector<16xi32>], vector<16xf32>,
        %mul3A_204 = arith.mulf %gather3A_203, %exp3A : vector<16xf32>
        tpu.vector_store_idx %arg17[%add3A_53, %broadcast_in_dim3A_202], %mul3A_204 : memref<80x80xf32, #tpu.memory_space<vmem>>[vector<16xi32>, vector<16xi32>], vector<16xf32>,
        %broadcast_in_dim3A_205 = arith.constant 35 : i32
        %broadcast_in_dim3A_206 = vector.broadcast %broadcast_in_dim3A_205 : i32 to vector<16xi32>
        %gather3A_207 = tpu.vector_load_idx %arg17[%add3A_53, %broadcast_in_dim3A_206] : memref<80x80xf32, #tpu.memory_space<vmem>>[vector<16xi32>, vector<16xi32>], vector<16xf32>,
        %mul3A_208 = arith.mulf %gather3A_207, %exp3A : vector<16xf32>
        tpu.vector_store_idx %arg17[%add3A_53, %broadcast_in_dim3A_206], %mul3A_208 : memref<80x80xf32, #tpu.memory_space<vmem>>[vector<16xi32>, vector<16xi32>], vector<16xf32>,
        %broadcast_in_dim3A_209 = arith.constant 36 : i32
        %broadcast_in_dim3A_210 = vector.broadcast %broadcast_in_dim3A_209 : i32 to vector<16xi32>
        %gather3A_211 = tpu.vector_load_idx %arg17[%add3A_53, %broadcast_in_dim3A_210] : memref<80x80xf32, #tpu.memory_space<vmem>>[vector<16xi32>, vector<16xi32>], vector<16xf32>,
        %mul3A_212 = arith.mulf %gather3A_211, %exp3A : vector<16xf32>
        tpu.vector_store_idx %arg17[%add3A_53, %broadcast_in_dim3A_210], %mul3A_212 : memref<80x80xf32, #tpu.memory_space<vmem>>[vector<16xi32>, vector<16xi32>], vector<16xf32>,
        %broadcast_in_dim3A_213 = arith.constant 37 : i32
        %broadcast_in_dim3A_214 = vector.broadcast %broadcast_in_dim3A_213 : i32 to vector<16xi32>
        %gather3A_215 = tpu.vector_load_idx %arg17[%add3A_53, %broadcast_in_dim3A_214] : memref<80x80xf32, #tpu.memory_space<vmem>>[vector<16xi32>, vector<16xi32>], vector<16xf32>,
        %mul3A_216 = arith.mulf %gather3A_215, %exp3A : vector<16xf32>
        tpu.vector_store_idx %arg17[%add3A_53, %broadcast_in_dim3A_214], %mul3A_216 : memref<80x80xf32, #tpu.memory_space<vmem>>[vector<16xi32>, vector<16xi32>], vector<16xf32>,
        %broadcast_in_dim3A_217 = arith.constant 38 : i32
        %broadcast_in_dim3A_218 = vector.broadcast %broadcast_in_dim3A_217 : i32 to vector<16xi32>
        %gather3A_219 = tpu.vector_load_idx %arg17[%add3A_53, %broadcast_in_dim3A_218] : memref<80x80xf32, #tpu.memory_space<vmem>>[vector<16xi32>, vector<16xi32>], vector<16xf32>,
        %mul3A_220 = arith.mulf %gather3A_219, %exp3A : vector<16xf32>
        tpu.vector_store_idx %arg17[%add3A_53, %broadcast_in_dim3A_218], %mul3A_220 : memref<80x80xf32, #tpu.memory_space<vmem>>[vector<16xi32>, vector<16xi32>], vector<16xf32>,
        %broadcast_in_dim3A_221 = arith.constant 39 : i32
        %broadcast_in_dim3A_222 = vector.broadcast %broadcast_in_dim3A_221 : i32 to vector<16xi32>
        %gather3A_223 = tpu.vector_load_idx %arg17[%add3A_53, %broadcast_in_dim3A_222] : memref<80x80xf32, #tpu.memory_space<vmem>>[vector<16xi32>, vector<16xi32>], vector<16xf32>,
        %mul3A_224 = arith.mulf %gather3A_223, %exp3A : vector<16xf32>
        tpu.vector_store_idx %arg17[%add3A_53, %broadcast_in_dim3A_222], %mul3A_224 : memref<80x80xf32, #tpu.memory_space<vmem>>[vector<16xi32>, vector<16xi32>], vector<16xf32>,
        %broadcast_in_dim3A_225 = arith.constant 40 : i32
        %broadcast_in_dim3A_226 = vector.broadcast %broadcast_in_dim3A_225 : i32 to vector<16xi32>
        %gather3A_227 = tpu.vector_load_idx %arg17[%add3A_53, %broadcast_in_dim3A_226] : memref<80x80xf32, #tpu.memory_space<vmem>>[vector<16xi32>, vector<16xi32>], vector<16xf32>,
        %mul3A_228 = arith.mulf %gather3A_227, %exp3A : vector<16xf32>
        tpu.vector_store_idx %arg17[%add3A_53, %broadcast_in_dim3A_226], %mul3A_228 : memref<80x80xf32, #tpu.memory_space<vmem>>[vector<16xi32>, vector<16xi32>], vector<16xf32>,
        %broadcast_in_dim3A_229 = arith.constant 41 : i32
        %broadcast_in_dim3A_230 = vector.broadcast %broadcast_in_dim3A_229 : i32 to vector<16xi32>
        %gather3A_231 = tpu.vector_load_idx %arg17[%add3A_53, %broadcast_in_dim3A_230] : memref<80x80xf32, #tpu.memory_space<vmem>>[vector<16xi32>, vector<16xi32>], vector<16xf32>,
        %mul3A_232 = arith.mulf %gather3A_231, %exp3A : vector<16xf32>
        tpu.vector_store_idx %arg17[%add3A_53, %broadcast_in_dim3A_230], %mul3A_232 : memref<80x80xf32, #tpu.memory_space<vmem>>[vector<16xi32>, vector<16xi32>], vector<16xf32>,
        %broadcast_in_dim3A_233 = arith.constant 42 : i32
        %broadcast_in_dim3A_234 = vector.broadcast %broadcast_in_dim3A_233 : i32 to vector<16xi32>
        %gather3A_235 = tpu.vector_load_idx %arg17[%add3A_53, %broadcast_in_dim3A_234] : memref<80x80xf32, #tpu.memory_space<vmem>>[vector<16xi32>, vector<16xi32>], vector<16xf32>,
        %mul3A_236 = arith.mulf %gather3A_235, %exp3A : vector<16xf32>
        tpu.vector_store_idx %arg17[%add3A_53, %broadcast_in_dim3A_234], %mul3A_236 : memref<80x80xf32, #tpu.memory_space<vmem>>[vector<16xi32>, vector<16xi32>], vector<16xf32>,
        %broadcast_in_dim3A_237 = arith.constant 43 : i32
        %broadcast_in_dim3A_238 = vector.broadcast %broadcast_in_dim3A_237 : i32 to vector<16xi32>
        %gather3A_239 = tpu.vector_load_idx %arg17[%add3A_53, %broadcast_in_dim3A_238] : memref<80x80xf32, #tpu.memory_space<vmem>>[vector<16xi32>, vector<16xi32>], vector<16xf32>,
        %mul3A_240 = arith.mulf %gather3A_239, %exp3A : vector<16xf32>
        tpu.vector_store_idx %arg17[%add3A_53, %broadcast_in_dim3A_238], %mul3A_240 : memref<80x80xf32, #tpu.memory_space<vmem>>[vector<16xi32>, vector<16xi32>], vector<16xf32>,
        %broadcast_in_dim3A_241 = arith.constant 44 : i32
        %broadcast_in_dim3A_242 = vector.broadcast %broadcast_in_dim3A_241 : i32 to vector<16xi32>
        %gather3A_243 = tpu.vector_load_idx %arg17[%add3A_53, %broadcast_in_dim3A_242] : memref<80x80xf32, #tpu.memory_space<vmem>>[vector<16xi32>, vector<16xi32>], vector<16xf32>,
        %mul3A_244 = arith.mulf %gather3A_243, %exp3A : vector<16xf32>
        tpu.vector_store_idx %arg17[%add3A_53, %broadcast_in_dim3A_242], %mul3A_244 : memref<80x80xf32, #tpu.memory_space<vmem>>[vector<16xi32>, vector<16xi32>], vector<16xf32>,
        %broadcast_in_dim3A_245 = arith.constant 45 : i32
        %broadcast_in_dim3A_246 = vector.broadcast %broadcast_in_dim3A_245 : i32 to vector<16xi32>
        %gather3A_247 = tpu.vector_load_idx %arg17[%add3A_53, %broadcast_in_dim3A_246] : memref<80x80xf32, #tpu.memory_space<vmem>>[vector<16xi32>, vector<16xi32>], vector<16xf32>,
        %mul3A_248 = arith.mulf %gather3A_247, %exp3A : vector<16xf32>
        tpu.vector_store_idx %arg17[%add3A_53, %broadcast_in_dim3A_246], %mul3A_248 : memref<80x80xf32, #tpu.memory_space<vmem>>[vector<16xi32>, vector<16xi32>], vector<16xf32>,
        %broadcast_in_dim3A_249 = arith.constant 46 : i32
        %broadcast_in_dim3A_250 = vector.broadcast %broadcast_in_dim3A_249 : i32 to vector<16xi32>
        %gather3A_251 = tpu.vector_load_idx %arg17[%add3A_53, %broadcast_in_dim3A_250] : memref<80x80xf32, #tpu.memory_space<vmem>>[vector<16xi32>, vector<16xi32>], vector<16xf32>,
        %mul3A_252 = arith.mulf %gather3A_251, %exp3A : vector<16xf32>
        tpu.vector_store_idx %arg17[%add3A_53, %broadcast_in_dim3A_250], %mul3A_252 : memref<80x80xf32, #tpu.memory_space<vmem>>[vector<16xi32>, vector<16xi32>], vector<16xf32>,
        %broadcast_in_dim3A_253 = arith.constant 47 : i32
        %broadcast_in_dim3A_254 = vector.broadcast %broadcast_in_dim3A_253 : i32 to vector<16xi32>
        %gather3A_255 = tpu.vector_load_idx %arg17[%add3A_53, %broadcast_in_dim3A_254] : memref<80x80xf32, #tpu.memory_space<vmem>>[vector<16xi32>, vector<16xi32>], vector<16xf32>,
        %mul3A_256 = arith.mulf %gather3A_255, %exp3A : vector<16xf32>
        tpu.vector_store_idx %arg17[%add3A_53, %broadcast_in_dim3A_254], %mul3A_256 : memref<80x80xf32, #tpu.memory_space<vmem>>[vector<16xi32>, vector<16xi32>], vector<16xf32>,
        %broadcast_in_dim3A_257 = arith.constant 48 : i32
        %broadcast_in_dim3A_258 = vector.broadcast %broadcast_in_dim3A_257 : i32 to vector<16xi32>
        %gather3A_259 = tpu.vector_load_idx %arg17[%add3A_53, %broadcast_in_dim3A_258] : memref<80x80xf32, #tpu.memory_space<vmem>>[vector<16xi32>, vector<16xi32>], vector<16xf32>,
        %mul3A_260 = arith.mulf %gather3A_259, %exp3A : vector<16xf32>
        tpu.vector_store_idx %arg17[%add3A_53, %broadcast_in_dim3A_258], %mul3A_260 : memref<80x80xf32, #tpu.memory_space<vmem>>[vector<16xi32>, vector<16xi32>], vector<16xf32>,
        %broadcast_in_dim3A_261 = arith.constant 49 : i32
        %broadcast_in_dim3A_262 = vector.broadcast %broadcast_in_dim3A_261 : i32 to vector<16xi32>
        %gather3A_263 = tpu.vector_load_idx %arg17[%add3A_53, %broadcast_in_dim3A_262] : memref<80x80xf32, #tpu.memory_space<vmem>>[vector<16xi32>, vector<16xi32>], vector<16xf32>,
        %mul3A_264 = arith.mulf %gather3A_263, %exp3A : vector<16xf32>
        tpu.vector_store_idx %arg17[%add3A_53, %broadcast_in_dim3A_262], %mul3A_264 : memref<80x80xf32, #tpu.memory_space<vmem>>[vector<16xi32>, vector<16xi32>], vector<16xf32>,
        %broadcast_in_dim3A_265 = arith.constant 50 : i32
        %broadcast_in_dim3A_266 = vector.broadcast %broadcast_in_dim3A_265 : i32 to vector<16xi32>
        %gather3A_267 = tpu.vector_load_idx %arg17[%add3A_53, %broadcast_in_dim3A_266] : memref<80x80xf32, #tpu.memory_space<vmem>>[vector<16xi32>, vector<16xi32>], vector<16xf32>,
        %mul3A_268 = arith.mulf %gather3A_267, %exp3A : vector<16xf32>
        tpu.vector_store_idx %arg17[%add3A_53, %broadcast_in_dim3A_266], %mul3A_268 : memref<80x80xf32, #tpu.memory_space<vmem>>[vector<16xi32>, vector<16xi32>], vector<16xf32>,
        %broadcast_in_dim3A_269 = arith.constant 51 : i32
        %broadcast_in_dim3A_270 = vector.broadcast %broadcast_in_dim3A_269 : i32 to vector<16xi32>
        %gather3A_271 = tpu.vector_load_idx %arg17[%add3A_53, %broadcast_in_dim3A_270] : memref<80x80xf32, #tpu.memory_space<vmem>>[vector<16xi32>, vector<16xi32>], vector<16xf32>,
        %mul3A_272 = arith.mulf %gather3A_271, %exp3A : vector<16xf32>
        tpu.vector_store_idx %arg17[%add3A_53, %broadcast_in_dim3A_270], %mul3A_272 : memref<80x80xf32, #tpu.memory_space<vmem>>[vector<16xi32>, vector<16xi32>], vector<16xf32>,
        %broadcast_in_dim3A_273 = arith.constant 52 : i32
        %broadcast_in_dim3A_274 = vector.broadcast %broadcast_in_dim3A_273 : i32 to vector<16xi32>
        %gather3A_275 = tpu.vector_load_idx %arg17[%add3A_53, %broadcast_in_dim3A_274] : memref<80x80xf32, #tpu.memory_space<vmem>>[vector<16xi32>, vector<16xi32>], vector<16xf32>,
        %mul3A_276 = arith.mulf %gather3A_275, %exp3A : vector<16xf32>
        tpu.vector_store_idx %arg17[%add3A_53, %broadcast_in_dim3A_274], %mul3A_276 : memref<80x80xf32, #tpu.memory_space<vmem>>[vector<16xi32>, vector<16xi32>], vector<16xf32>,
        %broadcast_in_dim3A_277 = arith.constant 53 : i32
        %broadcast_in_dim3A_278 = vector.broadcast %broadcast_in_dim3A_277 : i32 to vector<16xi32>
        %gather3A_279 = tpu.vector_load_idx %arg17[%add3A_53, %broadcast_in_dim3A_278] : memref<80x80xf32, #tpu.memory_space<vmem>>[vector<16xi32>, vector<16xi32>], vector<16xf32>,
        %mul3A_280 = arith.mulf %gather3A_279, %exp3A : vector<16xf32>
        tpu.vector_store_idx %arg17[%add3A_53, %broadcast_in_dim3A_278], %mul3A_280 : memref<80x80xf32, #tpu.memory_space<vmem>>[vector<16xi32>, vector<16xi32>], vector<16xf32>,
        %broadcast_in_dim3A_281 = arith.constant 54 : i32
        %broadcast_in_dim3A_282 = vector.broadcast %broadcast_in_dim3A_281 : i32 to vector<16xi32>
        %gather3A_283 = tpu.vector_load_idx %arg17[%add3A_53, %broadcast_in_dim3A_282] : memref<80x80xf32, #tpu.memory_space<vmem>>[vector<16xi32>, vector<16xi32>], vector<16xf32>,
        %mul3A_284 = arith.mulf %gather3A_283, %exp3A : vector<16xf32>
        tpu.vector_store_idx %arg17[%add3A_53, %broadcast_in_dim3A_282], %mul3A_284 : memref<80x80xf32, #tpu.memory_space<vmem>>[vector<16xi32>, vector<16xi32>], vector<16xf32>,
        %broadcast_in_dim3A_285 = arith.constant 55 : i32
        %broadcast_in_dim3A_286 = vector.broadcast %broadcast_in_dim3A_285 : i32 to vector<16xi32>
        %gather3A_287 = tpu.vector_load_idx %arg17[%add3A_53, %broadcast_in_dim3A_286] : memref<80x80xf32, #tpu.memory_space<vmem>>[vector<16xi32>, vector<16xi32>], vector<16xf32>,
        %mul3A_288 = arith.mulf %gather3A_287, %exp3A : vector<16xf32>
        tpu.vector_store_idx %arg17[%add3A_53, %broadcast_in_dim3A_286], %mul3A_288 : memref<80x80xf32, #tpu.memory_space<vmem>>[vector<16xi32>, vector<16xi32>], vector<16xf32>,
        %broadcast_in_dim3A_289 = arith.constant 56 : i32
        %broadcast_in_dim3A_290 = vector.broadcast %broadcast_in_dim3A_289 : i32 to vector<16xi32>
        %gather3A_291 = tpu.vector_load_idx %arg17[%add3A_53, %broadcast_in_dim3A_290] : memref<80x80xf32, #tpu.memory_space<vmem>>[vector<16xi32>, vector<16xi32>], vector<16xf32>,
        %mul3A_292 = arith.mulf %gather3A_291, %exp3A : vector<16xf32>
        tpu.vector_store_idx %arg17[%add3A_53, %broadcast_in_dim3A_290], %mul3A_292 : memref<80x80xf32, #tpu.memory_space<vmem>>[vector<16xi32>, vector<16xi32>], vector<16xf32>,
        %broadcast_in_dim3A_293 = arith.constant 57 : i32
        %broadcast_in_dim3A_294 = vector.broadcast %broadcast_in_dim3A_293 : i32 to vector<16xi32>
        %gather3A_295 = tpu.vector_load_idx %arg17[%add3A_53, %broadcast_in_dim3A_294] : memref<80x80xf32, #tpu.memory_space<vmem>>[vector<16xi32>, vector<16xi32>], vector<16xf32>,
        %mul3A_296 = arith.mulf %gather3A_295, %exp3A : vector<16xf32>
        tpu.vector_store_idx %arg17[%add3A_53, %broadcast_in_dim3A_294], %mul3A_296 : memref<80x80xf32, #tpu.memory_space<vmem>>[vector<16xi32>, vector<16xi32>], vector<16xf32>,
        %broadcast_in_dim3A_297 = arith.constant 58 : i32
        %broadcast_in_dim3A_298 = vector.broadcast %broadcast_in_dim3A_297 : i32 to vector<16xi32>
        %gather3A_299 = tpu.vector_load_idx %arg17[%add3A_53, %broadcast_in_dim3A_298] : memref<80x80xf32, #tpu.memory_space<vmem>>[vector<16xi32>, vector<16xi32>], vector<16xf32>,
        %mul3A_300 = arith.mulf %gather3A_299, %exp3A : vector<16xf32>
        tpu.vector_store_idx %arg17[%add3A_53, %broadcast_in_dim3A_298], %mul3A_300 : memref<80x80xf32, #tpu.memory_space<vmem>>[vector<16xi32>, vector<16xi32>], vector<16xf32>,
        %broadcast_in_dim3A_301 = arith.constant 59 : i32
        %broadcast_in_dim3A_302 = vector.broadcast %broadcast_in_dim3A_301 : i32 to vector<16xi32>
        %gather3A_303 = tpu.vector_load_idx %arg17[%add3A_53, %broadcast_in_dim3A_302] : memref<80x80xf32, #tpu.memory_space<vmem>>[vector<16xi32>, vector<16xi32>], vector<16xf32>,
        %mul3A_304 = arith.mulf %gather3A_303, %exp3A : vector<16xf32>
        tpu.vector_store_idx %arg17[%add3A_53, %broadcast_in_dim3A_302], %mul3A_304 : memref<80x80xf32, #tpu.memory_space<vmem>>[vector<16xi32>, vector<16xi32>], vector<16xf32>,
        %broadcast_in_dim3A_305 = arith.constant 60 : i32
        %broadcast_in_dim3A_306 = vector.broadcast %broadcast_in_dim3A_305 : i32 to vector<16xi32>
        %gather3A_307 = tpu.vector_load_idx %arg17[%add3A_53, %broadcast_in_dim3A_306] : memref<80x80xf32, #tpu.memory_space<vmem>>[vector<16xi32>, vector<16xi32>], vector<16xf32>,
        %mul3A_308 = arith.mulf %gather3A_307, %exp3A : vector<16xf32>
        tpu.vector_store_idx %arg17[%add3A_53, %broadcast_in_dim3A_306], %mul3A_308 : memref<80x80xf32, #tpu.memory_space<vmem>>[vector<16xi32>, vector<16xi32>], vector<16xf32>,
        %broadcast_in_dim3A_309 = arith.constant 61 : i32
        %broadcast_in_dim3A_310 = vector.broadcast %broadcast_in_dim3A_309 : i32 to vector<16xi32>
        %gather3A_311 = tpu.vector_load_idx %arg17[%add3A_53, %broadcast_in_dim3A_310] : memref<80x80xf32, #tpu.memory_space<vmem>>[vector<16xi32>, vector<16xi32>], vector<16xf32>,
        %mul3A_312 = arith.mulf %gather3A_311, %exp3A : vector<16xf32>
        tpu.vector_store_idx %arg17[%add3A_53, %broadcast_in_dim3A_310], %mul3A_312 : memref<80x80xf32, #tpu.memory_space<vmem>>[vector<16xi32>, vector<16xi32>], vector<16xf32>,
        %broadcast_in_dim3A_313 = arith.constant 62 : i32
        %broadcast_in_dim3A_314 = vector.broadcast %broadcast_in_dim3A_313 : i32 to vector<16xi32>
        %gather3A_315 = tpu.vector_load_idx %arg17[%add3A_53, %broadcast_in_dim3A_314] : memref<80x80xf32, #tpu.memory_space<vmem>>[vector<16xi32>, vector<16xi32>], vector<16xf32>,
        %mul3A_316 = arith.mulf %gather3A_315, %exp3A : vector<16xf32>
        tpu.vector_store_idx %arg17[%add3A_53, %broadcast_in_dim3A_314], %mul3A_316 : memref<80x80xf32, #tpu.memory_space<vmem>>[vector<16xi32>, vector<16xi32>], vector<16xf32>,
        %broadcast_in_dim3A_317 = arith.constant 63 : i32
        %broadcast_in_dim3A_318 = vector.broadcast %broadcast_in_dim3A_317 : i32 to vector<16xi32>
        %gather3A_319 = tpu.vector_load_idx %arg17[%add3A_53, %broadcast_in_dim3A_318] : memref<80x80xf32, #tpu.memory_space<vmem>>[vector<16xi32>, vector<16xi32>], vector<16xf32>,
        %mul3A_320 = arith.mulf %gather3A_319, %exp3A : vector<16xf32>
        tpu.vector_store_idx %arg17[%add3A_53, %broadcast_in_dim3A_318], %mul3A_320 : memref<80x80xf32, #tpu.memory_space<vmem>>[vector<16xi32>, vector<16xi32>], vector<16xf32>,
        %broadcast_in_dim3A_321 = arith.constant 64 : i32
        %broadcast_in_dim3A_322 = vector.broadcast %broadcast_in_dim3A_321 : i32 to vector<16xi32>
        tpu.vector_store_idx %arg17[%add3A_53, %broadcast_in_dim3A_322], %exp3A : memref<80x80xf32, #tpu.memory_space<vmem>>[vector<16xi32>, vector<16xi32>], vector<16xf32>,
      }
      %scan3A_48 = arith.constant 5 : i32
      "tpu.region"() ({
        %run_scoped3A = tpu.sem_alloc : memref<!tpu.dma_semaphore, #tpu.memory_space<semaphore_mem>>
        %dma_start3A_49 = arith.constant 0 : i32
        %dma_start3A_50 = arith.constant 0 : i32
        %dma_start3A_51 = tpu.memref_slice %arg18[%dma_start3A_49, %dma_start3A_50] : memref<10000x80xf32, #tpu.memory_space<vmem_shared>> -> memref<10000x80xf32, #tpu.memory_space<vmem_shared>>
        tpu.enqueue_indirect_dma source(%arg17 : memref<80x80xf32, #tpu.memory_space<vmem>>) target(%dma_start3A_51 : memref<10000x80xf32, #tpu.memory_space<vmem_shared>>) offsets(%arg11 : memref<80xi32, #tpu.memory_space<vmem>>) semaphore(%run_scoped3A : memref<!tpu.dma_semaphore, #tpu.memory_space<semaphore_mem>>) {add = true}
        %dma_wait3A_52 = arith.constant 0 : i32
        %dma_wait3A_53 = arith.constant 0 : i32
        %dma_wait3A_54 = tpu.memref_slice %arg18[%dma_wait3A_52, %dma_wait3A_53] : memref<10000x80xf32, #tpu.memory_space<vmem_shared>> -> memref<10000x80xf32, #tpu.memory_space<vmem_shared>>
        tpu.wait_indirect_dma semaphore(%run_scoped3A : memref<!tpu.dma_semaphore, #tpu.memory_space<semaphore_mem>>) src(%arg17 : memref<80x80xf32, #tpu.memory_space<vmem>>) dst(%dma_wait3A_54 : memref<10000x80xf32, #tpu.memory_space<vmem_shared>>)
        tpu.yield
      }) : () -> ()
    }
    %scan3A_6 = arith.constant 250 : i32
    %barrier3A_7 = arith.constant 0 : index
    tpu.barrier barrier_id(%barrier3A_7)
    %mul3A_8 = arith.constant 10000 : i32
    %mul3A_9 = arith.muli %arg0, %mul3A_8 : i32
    %add3A_10 = arith.addi %mul3A_9, %mul3A_0 : i32
    "tpu.region"() ({
      %run_scoped3A = tpu.sem_alloc : memref<!tpu.dma_semaphore, #tpu.memory_space<semaphore_mem>>
      %dma_start3A = arith.constant 0 : i32
      %dma_start3A_11 = tpu.memref_slice %arg10[%add3A_10, %dma_start3A] : memref<20000x80xf32, #tpu.memory_space<hbm>> -> memref<625x80xf32, #tpu.memory_space<hbm>>
      %dma_start3A_12 = arith.constant 0 : i32
      %dma_start3A_13 = tpu.memref_slice %arg18[%mul3A_0, %dma_start3A_12] : memref<10000x80xf32, #tpu.memory_space<vmem_shared>> -> memref<625x80xf32, #tpu.memory_space<vmem_shared>>
      tpu.enqueue_dma source(%dma_start3A_13 : memref<625x80xf32, #tpu.memory_space<vmem_shared>>) target(%dma_start3A_11 : memref<625x80xf32, #tpu.memory_space<hbm>>) target_semaphore(%run_scoped3A : memref<!tpu.dma_semaphore, #tpu.memory_space<semaphore_mem>>)
      %dma_wait3A = arith.constant 0 : i32
      %dma_wait3A_14 = tpu.memref_slice %arg10[%add3A_10, %dma_wait3A] : memref<20000x80xf32, #tpu.memory_space<hbm>> -> memref<625x80xf32, #tpu.memory_space<hbm>>
      %dma_wait3A_15 = arith.constant 0 : i32
      %dma_wait3A_16 = tpu.memref_slice %arg18[%mul3A_0, %dma_wait3A_15] : memref<10000x80xf32, #tpu.memory_space<vmem_shared>> -> memref<625x80xf32, #tpu.memory_space<vmem_shared>>
      tpu.wait_dma2 semaphore(%run_scoped3A : memref<!tpu.dma_semaphore, #tpu.memory_space<semaphore_mem>>) src(%dma_wait3A_16 : memref<625x80xf32, #tpu.memory_space<vmem_shared>>) dst(%dma_wait3A_14 : memref<625x80xf32, #tpu.memory_space<hbm>>)
      tpu.yield
    }) : () -> ()
    return
  }
}

#map = affine_map<(d0, d1) -> (0, 0)>
#map1 = affine_map<(d0, d1) -> (0)>
module attributes {stable_mosaic.version = 14 : i64} {
  func.func @sc_edge(%arg0: i32, %arg1: i32, %arg2: memref<20000x112xf32, #tpu.memory_space<hbm>>, %arg3: memref<30000xf32, #tpu.memory_space<hbm>>, %arg4: memref<30000xf32, #tpu.memory_space<hbm>>, %arg5: memref<640000xi32, #tpu.memory_space<hbm>>, %arg6: memref<640000xi32, #tpu.memory_space<hbm>>, %arg7: memref<960000xi32, #tpu.memory_space<hbm>>, %arg8: memref<960000xi32, #tpu.memory_space<hbm>>, %arg9: memref<20000x112xf32, #tpu.memory_space<hbm>>, %arg10: memref<20000x112xf32, #tpu.memory_space<hbm>>, %arg11: memref<80xi32, #tpu.memory_space<vmem>>, %arg12: memref<80xi32, #tpu.memory_space<vmem>>, %arg13: memref<80xi32, #tpu.memory_space<vmem>>, %arg14: memref<80xi32, #tpu.memory_space<vmem>>, %arg15: memref<80xi32, #tpu.memory_space<vmem>>, %arg16: memref<80xi32, #tpu.memory_space<vmem>>, %arg17: memref<80xi32, #tpu.memory_space<vmem>>, %arg18: memref<80xi32, #tpu.memory_space<vmem>>, %arg19: memref<80xf32, #tpu.memory_space<vmem>>, %arg20: memref<80xf32, #tpu.memory_space<vmem>>, %arg21: memref<80xf32, #tpu.memory_space<vmem>>, %arg22: memref<80xf32, #tpu.memory_space<vmem>>, %arg23: memref<80xf32, #tpu.memory_space<vmem>>, %arg24: memref<80xf32, #tpu.memory_space<vmem>>, %arg25: memref<80x112xf32, #tpu.memory_space<vmem>>, %arg26: memref<10000x112xf32, #tpu.memory_space<vmem_shared>>, %arg27: memref<!tpu.dma_semaphore, #tpu.memory_space<semaphore_mem>>) attributes {dimension_semantics = [#tpu.dimension_semantics<core_parallel>, #tpu.dimension_semantics<subcore_parallel>], iteration_bounds = array<i64: 2, 16>, scalar_prefetch = 0 : i64, scratch_operands = 17 : i64, tpu.core_type = #tpu.core_type<sc_vector_subcore>, window_params = [{transform_indices = #map}, {transform_indices = #map1}, {transform_indices = #map1}, {transform_indices = #map1}, {transform_indices = #map1}, {transform_indices = #map1}, {transform_indices = #map1}, {transform_indices = #map}, {transform_indices = #map}]} {
    %mul3A = arith.constant 625 : i32
    %mul3A_0 = arith.muli %arg1, %mul3A : i32
    %mul3A_1 = arith.constant 10000 : i32
    %mul3A_2 = arith.muli %arg0, %mul3A_1 : i32
    %add3A = arith.addi %mul3A_2, %mul3A_0 : i32
    "tpu.region"() ({
      %run_scoped3A = tpu.sem_alloc : memref<!tpu.dma_semaphore, #tpu.memory_space<semaphore_mem>>
      %dma_start3A = arith.constant 0 : i32
      %dma_start3A_11 = tpu.memref_slice %arg26[%mul3A_0, %dma_start3A] : memref<10000x112xf32, #tpu.memory_space<vmem_shared>> -> memref<625x112xf32, #tpu.memory_space<vmem_shared>>
      %dma_start3A_12 = arith.constant 0 : i32
      %dma_start3A_13 = tpu.memref_slice %arg9[%add3A, %dma_start3A_12] : memref<20000x112xf32, #tpu.memory_space<hbm>> -> memref<625x112xf32, #tpu.memory_space<hbm>>
      tpu.enqueue_dma source(%dma_start3A_13 : memref<625x112xf32, #tpu.memory_space<hbm>>) target(%dma_start3A_11 : memref<625x112xf32, #tpu.memory_space<vmem_shared>>) target_semaphore(%run_scoped3A : memref<!tpu.dma_semaphore, #tpu.memory_space<semaphore_mem>>)
      %dma_wait3A = arith.constant 0 : i32
      %dma_wait3A_14 = tpu.memref_slice %arg26[%mul3A_0, %dma_wait3A] : memref<10000x112xf32, #tpu.memory_space<vmem_shared>> -> memref<625x112xf32, #tpu.memory_space<vmem_shared>>
      %dma_wait3A_15 = arith.constant 0 : i32
      %dma_wait3A_16 = tpu.memref_slice %arg9[%add3A, %dma_wait3A_15] : memref<20000x112xf32, #tpu.memory_space<hbm>> -> memref<625x112xf32, #tpu.memory_space<hbm>>
      tpu.wait_dma2 semaphore(%run_scoped3A : memref<!tpu.dma_semaphore, #tpu.memory_space<semaphore_mem>>) src(%dma_wait3A_16 : memref<625x112xf32, #tpu.memory_space<hbm>>) dst(%dma_wait3A_14 : memref<625x112xf32, #tpu.memory_space<vmem_shared>>)
      tpu.yield
    }) : () -> ()
    %barrier3A = arith.constant 0 : index
    tpu.barrier barrier_id(%barrier3A)
    %scan3A = arith.constant 0 : i32
    %scan3A_3 = arith.constant 250 : i32
    %scan3A_4 = arith.addi %scan3A, %scan3A_3 : i32
    %scan3A_5 = arith.constant 1 : i32
    scf.for %scan3A_11 = %scan3A to %scan3A_4 step %scan3A_5  : i32 {
      %mul3A_12 = arith.constant 1 : i32
      %mul3A_13 = arith.muli %scan3A_11, %mul3A_12 : i32
      %add3A_14 = arith.constant 0 : i32
      %add3A_15 = arith.addi %add3A_14, %mul3A_13 : i32
      %mul3A_16 = arith.constant 20000 : i32
      %mul3A_17 = arith.muli %arg1, %mul3A_16 : i32
      %mul3A_18 = arith.constant 80 : i32
      %mul3A_19 = arith.muli %add3A_15, %mul3A_18 : i32
      %add3A_20 = arith.addi %mul3A_17, %mul3A_19 : i32
      %multiple_of3A = tpu.assume_multiple %add3A_20, 8 : i32
      %add3A_21 = arith.constant 320000 : i32
      %add3A_22 = arith.addi %add3A_21, %multiple_of3A : i32
      %multiple_of3A_23 = tpu.assume_multiple %add3A_22, 8 : i32
      "tpu.region"() ({
        %run_scoped3A = tpu.sem_alloc : memref<!tpu.dma_semaphore, #tpu.memory_space<semaphore_mem>>
        %dma_start3A_71 = tpu.memref_slice %arg5[%multiple_of3A_23] : memref<640000xi32, #tpu.memory_space<hbm>> -> memref<80xi32, #tpu.memory_space<hbm>>
        %dma_start3A_72 = tpu.memref_slice %arg5[%multiple_of3A_23] : memref<640000xi32, #tpu.memory_space<hbm>> -> memref<80xi32, #tpu.memory_space<hbm>>
        tpu.enqueue_dma source(%dma_start3A_72 : memref<80xi32, #tpu.memory_space<hbm>>) target(%arg11 : memref<80xi32, #tpu.memory_space<vmem>>) target_semaphore(%run_scoped3A : memref<!tpu.dma_semaphore, #tpu.memory_space<semaphore_mem>>)
        %dma_wait3A_73 = tpu.memref_slice %arg5[%multiple_of3A_23] : memref<640000xi32, #tpu.memory_space<hbm>> -> memref<80xi32, #tpu.memory_space<hbm>>
        %dma_wait3A_74 = tpu.memref_slice %arg5[%multiple_of3A_23] : memref<640000xi32, #tpu.memory_space<hbm>> -> memref<80xi32, #tpu.memory_space<hbm>>
        tpu.wait_dma2 semaphore(%run_scoped3A : memref<!tpu.dma_semaphore, #tpu.memory_space<semaphore_mem>>) src(%dma_wait3A_74 : memref<80xi32, #tpu.memory_space<hbm>>) dst(%arg11 : memref<80xi32, #tpu.memory_space<vmem>>)
        tpu.yield
      }) : () -> ()
      %mul3A_24 = arith.constant 320000 : i32
      %mul3A_25 = arith.muli %arg0, %mul3A_24 : i32
      %add3A_26 = arith.addi %mul3A_25, %multiple_of3A : i32
      %multiple_of3A_27 = tpu.assume_multiple %add3A_26, 8 : i32
      "tpu.region"() ({
        %run_scoped3A = tpu.sem_alloc : memref<!tpu.dma_semaphore, #tpu.memory_space<semaphore_mem>>
        %dma_start3A_71 = tpu.memref_slice %arg6[%multiple_of3A_27] : memref<640000xi32, #tpu.memory_space<hbm>> -> memref<80xi32, #tpu.memory_space<hbm>>
        %dma_start3A_72 = tpu.memref_slice %arg6[%multiple_of3A_27] : memref<640000xi32, #tpu.memory_space<hbm>> -> memref<80xi32, #tpu.memory_space<hbm>>
        tpu.enqueue_dma source(%dma_start3A_72 : memref<80xi32, #tpu.memory_space<hbm>>) target(%arg12 : memref<80xi32, #tpu.memory_space<vmem>>) target_semaphore(%run_scoped3A : memref<!tpu.dma_semaphore, #tpu.memory_space<semaphore_mem>>)
        %dma_wait3A_73 = tpu.memref_slice %arg6[%multiple_of3A_27] : memref<640000xi32, #tpu.memory_space<hbm>> -> memref<80xi32, #tpu.memory_space<hbm>>
        %dma_wait3A_74 = tpu.memref_slice %arg6[%multiple_of3A_27] : memref<640000xi32, #tpu.memory_space<hbm>> -> memref<80xi32, #tpu.memory_space<hbm>>
        tpu.wait_dma2 semaphore(%run_scoped3A : memref<!tpu.dma_semaphore, #tpu.memory_space<semaphore_mem>>) src(%dma_wait3A_74 : memref<80xi32, #tpu.memory_space<hbm>>) dst(%arg12 : memref<80xi32, #tpu.memory_space<vmem>>)
        tpu.yield
      }) : () -> ()
      %add3A_28 = arith.constant 0 : i32
      %add3A_29 = arith.addi %add3A_28, %multiple_of3A : i32
      %multiple_of3A_30 = tpu.assume_multiple %add3A_29, 8 : i32
      "tpu.region"() ({
        %run_scoped3A = tpu.sem_alloc : memref<!tpu.dma_semaphore, #tpu.memory_space<semaphore_mem>>
        %dma_start3A_71 = tpu.memref_slice %arg7[%multiple_of3A_30] : memref<960000xi32, #tpu.memory_space<hbm>> -> memref<80xi32, #tpu.memory_space<hbm>>
        %dma_start3A_72 = tpu.memref_slice %arg7[%multiple_of3A_30] : memref<960000xi32, #tpu.memory_space<hbm>> -> memref<80xi32, #tpu.memory_space<hbm>>
        tpu.enqueue_dma source(%dma_start3A_72 : memref<80xi32, #tpu.memory_space<hbm>>) target(%arg13 : memref<80xi32, #tpu.memory_space<vmem>>) target_semaphore(%run_scoped3A : memref<!tpu.dma_semaphore, #tpu.memory_space<semaphore_mem>>)
        %dma_wait3A_73 = tpu.memref_slice %arg7[%multiple_of3A_30] : memref<960000xi32, #tpu.memory_space<hbm>> -> memref<80xi32, #tpu.memory_space<hbm>>
        %dma_wait3A_74 = tpu.memref_slice %arg7[%multiple_of3A_30] : memref<960000xi32, #tpu.memory_space<hbm>> -> memref<80xi32, #tpu.memory_space<hbm>>
        tpu.wait_dma2 semaphore(%run_scoped3A : memref<!tpu.dma_semaphore, #tpu.memory_space<semaphore_mem>>) src(%dma_wait3A_74 : memref<80xi32, #tpu.memory_space<hbm>>) dst(%arg13 : memref<80xi32, #tpu.memory_space<vmem>>)
        tpu.yield
      }) : () -> ()
      "tpu.region"() ({
        %run_scoped3A = tpu.sem_alloc : memref<!tpu.dma_semaphore, #tpu.memory_space<semaphore_mem>>
        %dma_start3A_71 = tpu.memref_slice %arg8[%multiple_of3A_30] : memref<960000xi32, #tpu.memory_space<hbm>> -> memref<80xi32, #tpu.memory_space<hbm>>
        %dma_start3A_72 = tpu.memref_slice %arg8[%multiple_of3A_30] : memref<960000xi32, #tpu.memory_space<hbm>> -> memref<80xi32, #tpu.memory_space<hbm>>
        tpu.enqueue_dma source(%dma_start3A_72 : memref<80xi32, #tpu.memory_space<hbm>>) target(%arg16 : memref<80xi32, #tpu.memory_space<vmem>>) target_semaphore(%run_scoped3A : memref<!tpu.dma_semaphore, #tpu.memory_space<semaphore_mem>>)
        %dma_wait3A_73 = tpu.memref_slice %arg8[%multiple_of3A_30] : memref<960000xi32, #tpu.memory_space<hbm>> -> memref<80xi32, #tpu.memory_space<hbm>>
        %dma_wait3A_74 = tpu.memref_slice %arg8[%multiple_of3A_30] : memref<960000xi32, #tpu.memory_space<hbm>> -> memref<80xi32, #tpu.memory_space<hbm>>
        tpu.wait_dma2 semaphore(%run_scoped3A : memref<!tpu.dma_semaphore, #tpu.memory_space<semaphore_mem>>) src(%dma_wait3A_74 : memref<80xi32, #tpu.memory_space<hbm>>) dst(%arg16 : memref<80xi32, #tpu.memory_space<vmem>>)
        tpu.yield
      }) : () -> ()
      %add3A_31 = arith.constant 320000 : i32
      %add3A_32 = arith.addi %add3A_31, %multiple_of3A : i32
      %multiple_of3A_33 = tpu.assume_multiple %add3A_32, 8 : i32
      "tpu.region"() ({
        %run_scoped3A = tpu.sem_alloc : memref<!tpu.dma_semaphore, #tpu.memory_space<semaphore_mem>>
        %dma_start3A_71 = tpu.memref_slice %arg7[%multiple_of3A_33] : memref<960000xi32, #tpu.memory_space<hbm>> -> memref<80xi32, #tpu.memory_space<hbm>>
        %dma_start3A_72 = tpu.memref_slice %arg7[%multiple_of3A_33] : memref<960000xi32, #tpu.memory_space<hbm>> -> memref<80xi32, #tpu.memory_space<hbm>>
        tpu.enqueue_dma source(%dma_start3A_72 : memref<80xi32, #tpu.memory_space<hbm>>) target(%arg14 : memref<80xi32, #tpu.memory_space<vmem>>) target_semaphore(%run_scoped3A : memref<!tpu.dma_semaphore, #tpu.memory_space<semaphore_mem>>)
        %dma_wait3A_73 = tpu.memref_slice %arg7[%multiple_of3A_33] : memref<960000xi32, #tpu.memory_space<hbm>> -> memref<80xi32, #tpu.memory_space<hbm>>
        %dma_wait3A_74 = tpu.memref_slice %arg7[%multiple_of3A_33] : memref<960000xi32, #tpu.memory_space<hbm>> -> memref<80xi32, #tpu.memory_space<hbm>>
        tpu.wait_dma2 semaphore(%run_scoped3A : memref<!tpu.dma_semaphore, #tpu.memory_space<semaphore_mem>>) src(%dma_wait3A_74 : memref<80xi32, #tpu.memory_space<hbm>>) dst(%arg14 : memref<80xi32, #tpu.memory_space<vmem>>)
        tpu.yield
      }) : () -> ()
      "tpu.region"() ({
        %run_scoped3A = tpu.sem_alloc : memref<!tpu.dma_semaphore, #tpu.memory_space<semaphore_mem>>
        %dma_start3A_71 = tpu.memref_slice %arg8[%multiple_of3A_33] : memref<960000xi32, #tpu.memory_space<hbm>> -> memref<80xi32, #tpu.memory_space<hbm>>
        %dma_start3A_72 = tpu.memref_slice %arg8[%multiple_of3A_33] : memref<960000xi32, #tpu.memory_space<hbm>> -> memref<80xi32, #tpu.memory_space<hbm>>
        tpu.enqueue_dma source(%dma_start3A_72 : memref<80xi32, #tpu.memory_space<hbm>>) target(%arg17 : memref<80xi32, #tpu.memory_space<vmem>>) target_semaphore(%run_scoped3A : memref<!tpu.dma_semaphore, #tpu.memory_space<semaphore_mem>>)
        %dma_wait3A_73 = tpu.memref_slice %arg8[%multiple_of3A_33] : memref<960000xi32, #tpu.memory_space<hbm>> -> memref<80xi32, #tpu.memory_space<hbm>>
        %dma_wait3A_74 = tpu.memref_slice %arg8[%multiple_of3A_33] : memref<960000xi32, #tpu.memory_space<hbm>> -> memref<80xi32, #tpu.memory_space<hbm>>
        tpu.wait_dma2 semaphore(%run_scoped3A : memref<!tpu.dma_semaphore, #tpu.memory_space<semaphore_mem>>) src(%dma_wait3A_74 : memref<80xi32, #tpu.memory_space<hbm>>) dst(%arg17 : memref<80xi32, #tpu.memory_space<vmem>>)
        tpu.yield
      }) : () -> ()
      %add3A_34 = arith.constant 640000 : i32
      %add3A_35 = arith.addi %add3A_34, %multiple_of3A : i32
      %multiple_of3A_36 = tpu.assume_multiple %add3A_35, 8 : i32
      "tpu.region"() ({
        %run_scoped3A = tpu.sem_alloc : memref<!tpu.dma_semaphore, #tpu.memory_space<semaphore_mem>>
        %dma_start3A_71 = tpu.memref_slice %arg7[%multiple_of3A_36] : memref<960000xi32, #tpu.memory_space<hbm>> -> memref<80xi32, #tpu.memory_space<hbm>>
        %dma_start3A_72 = tpu.memref_slice %arg7[%multiple_of3A_36] : memref<960000xi32, #tpu.memory_space<hbm>> -> memref<80xi32, #tpu.memory_space<hbm>>
        tpu.enqueue_dma source(%dma_start3A_72 : memref<80xi32, #tpu.memory_space<hbm>>) target(%arg15 : memref<80xi32, #tpu.memory_space<vmem>>) target_semaphore(%run_scoped3A : memref<!tpu.dma_semaphore, #tpu.memory_space<semaphore_mem>>)
        %dma_wait3A_73 = tpu.memref_slice %arg7[%multiple_of3A_36] : memref<960000xi32, #tpu.memory_space<hbm>> -> memref<80xi32, #tpu.memory_space<hbm>>
        %dma_wait3A_74 = tpu.memref_slice %arg7[%multiple_of3A_36] : memref<960000xi32, #tpu.memory_space<hbm>> -> memref<80xi32, #tpu.memory_space<hbm>>
        tpu.wait_dma2 semaphore(%run_scoped3A : memref<!tpu.dma_semaphore, #tpu.memory_space<semaphore_mem>>) src(%dma_wait3A_74 : memref<80xi32, #tpu.memory_space<hbm>>) dst(%arg15 : memref<80xi32, #tpu.memory_space<vmem>>)
        tpu.yield
      }) : () -> ()
      "tpu.region"() ({
        %run_scoped3A = tpu.sem_alloc : memref<!tpu.dma_semaphore, #tpu.memory_space<semaphore_mem>>
        %dma_start3A_71 = tpu.memref_slice %arg8[%multiple_of3A_36] : memref<960000xi32, #tpu.memory_space<hbm>> -> memref<80xi32, #tpu.memory_space<hbm>>
        %dma_start3A_72 = tpu.memref_slice %arg8[%multiple_of3A_36] : memref<960000xi32, #tpu.memory_space<hbm>> -> memref<80xi32, #tpu.memory_space<hbm>>
        tpu.enqueue_dma source(%dma_start3A_72 : memref<80xi32, #tpu.memory_space<hbm>>) target(%arg18 : memref<80xi32, #tpu.memory_space<vmem>>) target_semaphore(%run_scoped3A : memref<!tpu.dma_semaphore, #tpu.memory_space<semaphore_mem>>)
        %dma_wait3A_73 = tpu.memref_slice %arg8[%multiple_of3A_36] : memref<960000xi32, #tpu.memory_space<hbm>> -> memref<80xi32, #tpu.memory_space<hbm>>
        %dma_wait3A_74 = tpu.memref_slice %arg8[%multiple_of3A_36] : memref<960000xi32, #tpu.memory_space<hbm>> -> memref<80xi32, #tpu.memory_space<hbm>>
        tpu.wait_dma2 semaphore(%run_scoped3A : memref<!tpu.dma_semaphore, #tpu.memory_space<semaphore_mem>>) src(%dma_wait3A_74 : memref<80xi32, #tpu.memory_space<hbm>>) dst(%arg18 : memref<80xi32, #tpu.memory_space<vmem>>)
        tpu.yield
      }) : () -> ()
      %dma_start3A = arith.constant 0 : i32
      %dma_start3A_37 = arith.constant 0 : i32
      %dma_start3A_38 = tpu.memref_slice %arg2[%dma_start3A, %dma_start3A_37] : memref<20000x112xf32, #tpu.memory_space<hbm>> -> memref<20000x112xf32, #tpu.memory_space<hbm>>
      tpu.enqueue_indirect_dma source(%dma_start3A_38 : memref<20000x112xf32, #tpu.memory_space<hbm>>) target(%arg25 : memref<80x112xf32, #tpu.memory_space<vmem>>) offsets(%arg12 : memref<80xi32, #tpu.memory_space<vmem>>) semaphore(%arg27 : memref<!tpu.dma_semaphore, #tpu.memory_space<semaphore_mem>>)
      %dma_start3A_39 = arith.constant 0 : i32
      %dma_start3A_40 = tpu.memref_slice %arg3[%dma_start3A_39] : memref<30000xf32, #tpu.memory_space<hbm>> -> memref<30000xf32, #tpu.memory_space<hbm>>
      tpu.enqueue_indirect_dma source(%dma_start3A_40 : memref<30000xf32, #tpu.memory_space<hbm>>) target(%arg19 : memref<80xf32, #tpu.memory_space<vmem>>) offsets(%arg13 : memref<80xi32, #tpu.memory_space<vmem>>) semaphore(%arg27 : memref<!tpu.dma_semaphore, #tpu.memory_space<semaphore_mem>>)
      %dma_start3A_41 = arith.constant 0 : i32
      %dma_start3A_42 = tpu.memref_slice %arg4[%dma_start3A_41] : memref<30000xf32, #tpu.memory_space<hbm>> -> memref<30000xf32, #tpu.memory_space<hbm>>
      tpu.enqueue_indirect_dma source(%dma_start3A_42 : memref<30000xf32, #tpu.memory_space<hbm>>) target(%arg22 : memref<80xf32, #tpu.memory_space<vmem>>) offsets(%arg16 : memref<80xi32, #tpu.memory_space<vmem>>) semaphore(%arg27 : memref<!tpu.dma_semaphore, #tpu.memory_space<semaphore_mem>>)
      %dma_start3A_43 = arith.constant 0 : i32
      %dma_start3A_44 = tpu.memref_slice %arg3[%dma_start3A_43] : memref<30000xf32, #tpu.memory_space<hbm>> -> memref<30000xf32, #tpu.memory_space<hbm>>
      tpu.enqueue_indirect_dma source(%dma_start3A_44 : memref<30000xf32, #tpu.memory_space<hbm>>) target(%arg20 : memref<80xf32, #tpu.memory_space<vmem>>) offsets(%arg14 : memref<80xi32, #tpu.memory_space<vmem>>) semaphore(%arg27 : memref<!tpu.dma_semaphore, #tpu.memory_space<semaphore_mem>>)
      %dma_start3A_45 = arith.constant 0 : i32
      %dma_start3A_46 = tpu.memref_slice %arg4[%dma_start3A_45] : memref<30000xf32, #tpu.memory_space<hbm>> -> memref<30000xf32, #tpu.memory_space<hbm>>
      tpu.enqueue_indirect_dma source(%dma_start3A_46 : memref<30000xf32, #tpu.memory_space<hbm>>) target(%arg23 : memref<80xf32, #tpu.memory_space<vmem>>) offsets(%arg17 : memref<80xi32, #tpu.memory_space<vmem>>) semaphore(%arg27 : memref<!tpu.dma_semaphore, #tpu.memory_space<semaphore_mem>>)
      %dma_start3A_47 = arith.constant 0 : i32
      %dma_start3A_48 = tpu.memref_slice %arg3[%dma_start3A_47] : memref<30000xf32, #tpu.memory_space<hbm>> -> memref<30000xf32, #tpu.memory_space<hbm>>
      tpu.enqueue_indirect_dma source(%dma_start3A_48 : memref<30000xf32, #tpu.memory_space<hbm>>) target(%arg21 : memref<80xf32, #tpu.memory_space<vmem>>) offsets(%arg15 : memref<80xi32, #tpu.memory_space<vmem>>) semaphore(%arg27 : memref<!tpu.dma_semaphore, #tpu.memory_space<semaphore_mem>>)
      %dma_start3A_49 = arith.constant 0 : i32
      %dma_start3A_50 = tpu.memref_slice %arg4[%dma_start3A_49] : memref<30000xf32, #tpu.memory_space<hbm>> -> memref<30000xf32, #tpu.memory_space<hbm>>
      tpu.enqueue_indirect_dma source(%dma_start3A_50 : memref<30000xf32, #tpu.memory_space<hbm>>) target(%arg24 : memref<80xf32, #tpu.memory_space<vmem>>) offsets(%arg18 : memref<80xi32, #tpu.memory_space<vmem>>) semaphore(%arg27 : memref<!tpu.dma_semaphore, #tpu.memory_space<semaphore_mem>>)
      %dma_wait3A = arith.constant 0 : i32
      %dma_wait3A_51 = tpu.memref_slice %arg3[%dma_wait3A] : memref<30000xf32, #tpu.memory_space<hbm>> -> memref<30000xf32, #tpu.memory_space<hbm>>
      tpu.wait_indirect_dma semaphore(%arg27 : memref<!tpu.dma_semaphore, #tpu.memory_space<semaphore_mem>>) src(%dma_wait3A_51 : memref<30000xf32, #tpu.memory_space<hbm>>) dst(%arg19 : memref<80xf32, #tpu.memory_space<vmem>>)
      %dma_wait3A_52 = arith.constant 0 : i32
      %dma_wait3A_53 = tpu.memref_slice %arg4[%dma_wait3A_52] : memref<30000xf32, #tpu.memory_space<hbm>> -> memref<30000xf32, #tpu.memory_space<hbm>>
      tpu.wait_indirect_dma semaphore(%arg27 : memref<!tpu.dma_semaphore, #tpu.memory_space<semaphore_mem>>) src(%dma_wait3A_53 : memref<30000xf32, #tpu.memory_space<hbm>>) dst(%arg22 : memref<80xf32, #tpu.memory_space<vmem>>)
      %dma_wait3A_54 = arith.constant 0 : i32
      %dma_wait3A_55 = tpu.memref_slice %arg3[%dma_wait3A_54] : memref<30000xf32, #tpu.memory_space<hbm>> -> memref<30000xf32, #tpu.memory_space<hbm>>
      tpu.wait_indirect_dma semaphore(%arg27 : memref<!tpu.dma_semaphore, #tpu.memory_space<semaphore_mem>>) src(%dma_wait3A_55 : memref<30000xf32, #tpu.memory_space<hbm>>) dst(%arg20 : memref<80xf32, #tpu.memory_space<vmem>>)
      %dma_wait3A_56 = arith.constant 0 : i32
      %dma_wait3A_57 = tpu.memref_slice %arg4[%dma_wait3A_56] : memref<30000xf32, #tpu.memory_space<hbm>> -> memref<30000xf32, #tpu.memory_space<hbm>>
      tpu.wait_indirect_dma semaphore(%arg27 : memref<!tpu.dma_semaphore, #tpu.memory_space<semaphore_mem>>) src(%dma_wait3A_57 : memref<30000xf32, #tpu.memory_space<hbm>>) dst(%arg23 : memref<80xf32, #tpu.memory_space<vmem>>)
      %dma_wait3A_58 = arith.constant 0 : i32
      %dma_wait3A_59 = tpu.memref_slice %arg3[%dma_wait3A_58] : memref<30000xf32, #tpu.memory_space<hbm>> -> memref<30000xf32, #tpu.memory_space<hbm>>
      tpu.wait_indirect_dma semaphore(%arg27 : memref<!tpu.dma_semaphore, #tpu.memory_space<semaphore_mem>>) src(%dma_wait3A_59 : memref<30000xf32, #tpu.memory_space<hbm>>) dst(%arg21 : memref<80xf32, #tpu.memory_space<vmem>>)
      %dma_wait3A_60 = arith.constant 0 : i32
      %dma_wait3A_61 = tpu.memref_slice %arg4[%dma_wait3A_60] : memref<30000xf32, #tpu.memory_space<hbm>> -> memref<30000xf32, #tpu.memory_space<hbm>>
      tpu.wait_indirect_dma semaphore(%arg27 : memref<!tpu.dma_semaphore, #tpu.memory_space<semaphore_mem>>) src(%dma_wait3A_61 : memref<30000xf32, #tpu.memory_space<hbm>>) dst(%arg24 : memref<80xf32, #tpu.memory_space<vmem>>)
      %dma_wait3A_62 = arith.constant 0 : i32
      %dma_wait3A_63 = arith.constant 0 : i32
      %dma_wait3A_64 = tpu.memref_slice %arg2[%dma_wait3A_62, %dma_wait3A_63] : memref<20000x112xf32, #tpu.memory_space<hbm>> -> memref<20000x112xf32, #tpu.memory_space<hbm>>
      tpu.wait_indirect_dma semaphore(%arg27 : memref<!tpu.dma_semaphore, #tpu.memory_space<semaphore_mem>>) src(%dma_wait3A_64 : memref<20000x112xf32, #tpu.memory_space<hbm>>) dst(%arg25 : memref<80x112xf32, #tpu.memory_space<vmem>>)
      %scan3A_65 = arith.constant 0 : i32
      %scan3A_66 = arith.constant 0 : i32
      %scan3A_67 = arith.constant 5 : i32
      %scan3A_68 = arith.addi %scan3A_66, %scan3A_67 : i32
      %scan3A_69 = arith.constant 1 : i32
      scf.for %scan3A_71 = %scan3A_66 to %scan3A_68 step %scan3A_69  : i32 {
        %mul3A_72 = arith.constant 16 : i32
        %mul3A_73 = arith.muli %scan3A_71, %mul3A_72 : i32
        %iota3A = tpu.iota {dimensions = array<i32: 0>} : vector<16xi32>
        %add3A_74 = vector.broadcast %mul3A_73 : i32 to vector<16xi32>
        %add3A_75 = arith.addi %add3A_74, %iota3A : vector<16xi32>
        %mul3A_76 = arith.constant 16 : i32
        %mul3A_77 = arith.muli %scan3A_71, %mul3A_76 : i32
        %get3A = arith.index_cast %mul3A_77 : i32 to index
        %get3A_78 = tpu.vector_load %arg19[%get3A] {strides = array<i32>} : memref<80xf32, #tpu.memory_space<vmem>>, vector<16xf32>,
        %mul3A_79 = arith.constant 16 : i32
        %mul3A_80 = arith.muli %scan3A_71, %mul3A_79 : i32
        %get3A_81 = arith.index_cast %mul3A_80 : i32 to index
        %get3A_82 = tpu.vector_load %arg22[%get3A_81] {strides = array<i32>} : memref<80xf32, #tpu.memory_space<vmem>>, vector<16xf32>,
        %add3A_83 = arith.addf %get3A_78, %get3A_82 : vector<16xf32>
        %ge3A = arith.constant 0.000000e+00 : f32
        %ge3A_84 = vector.broadcast %ge3A : f32 to vector<16xf32>
        %ge3A_85 = arith.cmpf oge, %add3A_83, %ge3A_84 : vector<16xf32>
        %mul3A_86 = arith.constant 2.000000e-01 : f32
        %mul3A_87 = vector.broadcast %mul3A_86 : f32 to vector<16xf32>
        %mul3A_88 = arith.mulf %mul3A_87, %add3A_83 : vector<16xf32>
        %select_n3A = arith.select %ge3A_85, %add3A_83, %mul3A_88 : vector<16xi1>, vector<16xf32>
        %exp3A = math.exp %select_n3A : vector<16xf32>
        %mul3A_89 = arith.constant 16 : i32
        %mul3A_90 = arith.muli %scan3A_71, %mul3A_89 : i32
        %get3A_91 = arith.index_cast %mul3A_90 : i32 to index
        %get3A_92 = tpu.vector_load %arg20[%get3A_91] {strides = array<i32>} : memref<80xf32, #tpu.memory_space<vmem>>, vector<16xf32>,
        %mul3A_93 = arith.constant 16 : i32
        %mul3A_94 = arith.muli %scan3A_71, %mul3A_93 : i32
        %get3A_95 = arith.index_cast %mul3A_94 : i32 to index
        %get3A_96 = tpu.vector_load %arg23[%get3A_95] {strides = array<i32>} : memref<80xf32, #tpu.memory_space<vmem>>, vector<16xf32>,
        %add3A_97 = arith.addf %get3A_92, %get3A_96 : vector<16xf32>
        %ge3A_98 = arith.constant 0.000000e+00 : f32
        %ge3A_99 = vector.broadcast %ge3A_98 : f32 to vector<16xf32>
        %ge3A_100 = arith.cmpf oge, %add3A_97, %ge3A_99 : vector<16xf32>
        %mul3A_101 = arith.constant 2.000000e-01 : f32
        %mul3A_102 = vector.broadcast %mul3A_101 : f32 to vector<16xf32>
        %mul3A_103 = arith.mulf %mul3A_102, %add3A_97 : vector<16xf32>
        %select_n3A_104 = arith.select %ge3A_100, %add3A_97, %mul3A_103 : vector<16xi1>, vector<16xf32>
        %exp3A_105 = math.exp %select_n3A_104 : vector<16xf32>
        %mul3A_106 = arith.constant 16 : i32
        %mul3A_107 = arith.muli %scan3A_71, %mul3A_106 : i32
        %get3A_108 = arith.index_cast %mul3A_107 : i32 to index
        %get3A_109 = tpu.vector_load %arg21[%get3A_108] {strides = array<i32>} : memref<80xf32, #tpu.memory_space<vmem>>, vector<16xf32>,
        %mul3A_110 = arith.constant 16 : i32
        %mul3A_111 = arith.muli %scan3A_71, %mul3A_110 : i32
        %get3A_112 = arith.index_cast %mul3A_111 : i32 to index
        %get3A_113 = tpu.vector_load %arg24[%get3A_112] {strides = array<i32>} : memref<80xf32, #tpu.memory_space<vmem>>, vector<16xf32>,
        %add3A_114 = arith.addf %get3A_109, %get3A_113 : vector<16xf32>
        %ge3A_115 = arith.constant 0.000000e+00 : f32
        %ge3A_116 = vector.broadcast %ge3A_115 : f32 to vector<16xf32>
        %ge3A_117 = arith.cmpf oge, %add3A_114, %ge3A_116 : vector<16xf32>
        %mul3A_118 = arith.constant 2.000000e-01 : f32
        %mul3A_119 = vector.broadcast %mul3A_118 : f32 to vector<16xf32>
        %mul3A_120 = arith.mulf %mul3A_119, %add3A_114 : vector<16xf32>
        %select_n3A_121 = arith.select %ge3A_117, %add3A_114, %mul3A_120 : vector<16xi1>, vector<16xf32>
        %exp3A_122 = math.exp %select_n3A_121 : vector<16xf32>
        %eq3A = arith.constant 0 : i32
        %eq3A_123 = arith.cmpi eq, %arg0, %eq3A : i32
        %select_n3A_124 = arith.select %eq3A_123, %exp3A, %exp3A_105 : vector<16xf32>
        %select_n3A_125 = arith.select %eq3A_123, %exp3A, %exp3A_122 : vector<16xf32>
        %select_n3A_126 = arith.select %eq3A_123, %exp3A_105, %exp3A_122 : vector<16xf32>
        %broadcast_in_dim3A = arith.constant 0 : i32
        %broadcast_in_dim3A_127 = vector.broadcast %broadcast_in_dim3A : i32 to vector<16xi32>
        %gather3A = tpu.vector_load_idx %arg25[%add3A_75, %broadcast_in_dim3A_127] : memref<80x112xf32, #tpu.memory_space<vmem>>[vector<16xi32>, vector<16xi32>], vector<16xf32>,
        %mul3A_128 = arith.mulf %gather3A, %select_n3A_124 : vector<16xf32>
        tpu.vector_store_idx %arg25[%add3A_75, %broadcast_in_dim3A_127], %mul3A_128 : memref<80x112xf32, #tpu.memory_space<vmem>>[vector<16xi32>, vector<16xi32>], vector<16xf32>,
        %broadcast_in_dim3A_129 = arith.constant 1 : i32
        %broadcast_in_dim3A_130 = vector.broadcast %broadcast_in_dim3A_129 : i32 to vector<16xi32>
        %gather3A_131 = tpu.vector_load_idx %arg25[%add3A_75, %broadcast_in_dim3A_130] : memref<80x112xf32, #tpu.memory_space<vmem>>[vector<16xi32>, vector<16xi32>], vector<16xf32>,
        %mul3A_132 = arith.mulf %gather3A_131, %select_n3A_124 : vector<16xf32>
        tpu.vector_store_idx %arg25[%add3A_75, %broadcast_in_dim3A_130], %mul3A_132 : memref<80x112xf32, #tpu.memory_space<vmem>>[vector<16xi32>, vector<16xi32>], vector<16xf32>,
        %broadcast_in_dim3A_133 = arith.constant 2 : i32
        %broadcast_in_dim3A_134 = vector.broadcast %broadcast_in_dim3A_133 : i32 to vector<16xi32>
        %gather3A_135 = tpu.vector_load_idx %arg25[%add3A_75, %broadcast_in_dim3A_134] : memref<80x112xf32, #tpu.memory_space<vmem>>[vector<16xi32>, vector<16xi32>], vector<16xf32>,
        %mul3A_136 = arith.mulf %gather3A_135, %select_n3A_124 : vector<16xf32>
        tpu.vector_store_idx %arg25[%add3A_75, %broadcast_in_dim3A_134], %mul3A_136 : memref<80x112xf32, #tpu.memory_space<vmem>>[vector<16xi32>, vector<16xi32>], vector<16xf32>,
        %broadcast_in_dim3A_137 = arith.constant 3 : i32
        %broadcast_in_dim3A_138 = vector.broadcast %broadcast_in_dim3A_137 : i32 to vector<16xi32>
        %gather3A_139 = tpu.vector_load_idx %arg25[%add3A_75, %broadcast_in_dim3A_138] : memref<80x112xf32, #tpu.memory_space<vmem>>[vector<16xi32>, vector<16xi32>], vector<16xf32>,
        %mul3A_140 = arith.mulf %gather3A_139, %select_n3A_124 : vector<16xf32>
        tpu.vector_store_idx %arg25[%add3A_75, %broadcast_in_dim3A_138], %mul3A_140 : memref<80x112xf32, #tpu.memory_space<vmem>>[vector<16xi32>, vector<16xi32>], vector<16xf32>,
        %broadcast_in_dim3A_141 = arith.constant 4 : i32
        %broadcast_in_dim3A_142 = vector.broadcast %broadcast_in_dim3A_141 : i32 to vector<16xi32>
        %gather3A_143 = tpu.vector_load_idx %arg25[%add3A_75, %broadcast_in_dim3A_142] : memref<80x112xf32, #tpu.memory_space<vmem>>[vector<16xi32>, vector<16xi32>], vector<16xf32>,
        %mul3A_144 = arith.mulf %gather3A_143, %select_n3A_124 : vector<16xf32>
        tpu.vector_store_idx %arg25[%add3A_75, %broadcast_in_dim3A_142], %mul3A_144 : memref<80x112xf32, #tpu.memory_space<vmem>>[vector<16xi32>, vector<16xi32>], vector<16xf32>,
        %broadcast_in_dim3A_145 = arith.constant 5 : i32
        %broadcast_in_dim3A_146 = vector.broadcast %broadcast_in_dim3A_145 : i32 to vector<16xi32>
        %gather3A_147 = tpu.vector_load_idx %arg25[%add3A_75, %broadcast_in_dim3A_146] : memref<80x112xf32, #tpu.memory_space<vmem>>[vector<16xi32>, vector<16xi32>], vector<16xf32>,
        %mul3A_148 = arith.mulf %gather3A_147, %select_n3A_124 : vector<16xf32>
        tpu.vector_store_idx %arg25[%add3A_75, %broadcast_in_dim3A_146], %mul3A_148 : memref<80x112xf32, #tpu.memory_space<vmem>>[vector<16xi32>, vector<16xi32>], vector<16xf32>,
        %broadcast_in_dim3A_149 = arith.constant 6 : i32
        %broadcast_in_dim3A_150 = vector.broadcast %broadcast_in_dim3A_149 : i32 to vector<16xi32>
        %gather3A_151 = tpu.vector_load_idx %arg25[%add3A_75, %broadcast_in_dim3A_150] : memref<80x112xf32, #tpu.memory_space<vmem>>[vector<16xi32>, vector<16xi32>], vector<16xf32>,
        %mul3A_152 = arith.mulf %gather3A_151, %select_n3A_124 : vector<16xf32>
        tpu.vector_store_idx %arg25[%add3A_75, %broadcast_in_dim3A_150], %mul3A_152 : memref<80x112xf32, #tpu.memory_space<vmem>>[vector<16xi32>, vector<16xi32>], vector<16xf32>,
        %broadcast_in_dim3A_153 = arith.constant 7 : i32
        %broadcast_in_dim3A_154 = vector.broadcast %broadcast_in_dim3A_153 : i32 to vector<16xi32>
        %gather3A_155 = tpu.vector_load_idx %arg25[%add3A_75, %broadcast_in_dim3A_154] : memref<80x112xf32, #tpu.memory_space<vmem>>[vector<16xi32>, vector<16xi32>], vector<16xf32>,
        %mul3A_156 = arith.mulf %gather3A_155, %select_n3A_124 : vector<16xf32>
        tpu.vector_store_idx %arg25[%add3A_75, %broadcast_in_dim3A_154], %mul3A_156 : memref<80x112xf32, #tpu.memory_space<vmem>>[vector<16xi32>, vector<16xi32>], vector<16xf32>,
        %broadcast_in_dim3A_157 = arith.constant 8 : i32
        %broadcast_in_dim3A_158 = vector.broadcast %broadcast_in_dim3A_157 : i32 to vector<16xi32>
        %gather3A_159 = tpu.vector_load_idx %arg25[%add3A_75, %broadcast_in_dim3A_158] : memref<80x112xf32, #tpu.memory_space<vmem>>[vector<16xi32>, vector<16xi32>], vector<16xf32>,
        %mul3A_160 = arith.mulf %gather3A_159, %select_n3A_124 : vector<16xf32>
        tpu.vector_store_idx %arg25[%add3A_75, %broadcast_in_dim3A_158], %mul3A_160 : memref<80x112xf32, #tpu.memory_space<vmem>>[vector<16xi32>, vector<16xi32>], vector<16xf32>,
        %broadcast_in_dim3A_161 = arith.constant 9 : i32
        %broadcast_in_dim3A_162 = vector.broadcast %broadcast_in_dim3A_161 : i32 to vector<16xi32>
        %gather3A_163 = tpu.vector_load_idx %arg25[%add3A_75, %broadcast_in_dim3A_162] : memref<80x112xf32, #tpu.memory_space<vmem>>[vector<16xi32>, vector<16xi32>], vector<16xf32>,
        %mul3A_164 = arith.mulf %gather3A_163, %select_n3A_124 : vector<16xf32>
        tpu.vector_store_idx %arg25[%add3A_75, %broadcast_in_dim3A_162], %mul3A_164 : memref<80x112xf32, #tpu.memory_space<vmem>>[vector<16xi32>, vector<16xi32>], vector<16xf32>,
        %broadcast_in_dim3A_165 = arith.constant 10 : i32
        %broadcast_in_dim3A_166 = vector.broadcast %broadcast_in_dim3A_165 : i32 to vector<16xi32>
        %gather3A_167 = tpu.vector_load_idx %arg25[%add3A_75, %broadcast_in_dim3A_166] : memref<80x112xf32, #tpu.memory_space<vmem>>[vector<16xi32>, vector<16xi32>], vector<16xf32>,
        %mul3A_168 = arith.mulf %gather3A_167, %select_n3A_124 : vector<16xf32>
        tpu.vector_store_idx %arg25[%add3A_75, %broadcast_in_dim3A_166], %mul3A_168 : memref<80x112xf32, #tpu.memory_space<vmem>>[vector<16xi32>, vector<16xi32>], vector<16xf32>,
        %broadcast_in_dim3A_169 = arith.constant 11 : i32
        %broadcast_in_dim3A_170 = vector.broadcast %broadcast_in_dim3A_169 : i32 to vector<16xi32>
        %gather3A_171 = tpu.vector_load_idx %arg25[%add3A_75, %broadcast_in_dim3A_170] : memref<80x112xf32, #tpu.memory_space<vmem>>[vector<16xi32>, vector<16xi32>], vector<16xf32>,
        %mul3A_172 = arith.mulf %gather3A_171, %select_n3A_124 : vector<16xf32>
        tpu.vector_store_idx %arg25[%add3A_75, %broadcast_in_dim3A_170], %mul3A_172 : memref<80x112xf32, #tpu.memory_space<vmem>>[vector<16xi32>, vector<16xi32>], vector<16xf32>,
        %broadcast_in_dim3A_173 = arith.constant 12 : i32
        %broadcast_in_dim3A_174 = vector.broadcast %broadcast_in_dim3A_173 : i32 to vector<16xi32>
        %gather3A_175 = tpu.vector_load_idx %arg25[%add3A_75, %broadcast_in_dim3A_174] : memref<80x112xf32, #tpu.memory_space<vmem>>[vector<16xi32>, vector<16xi32>], vector<16xf32>,
        %mul3A_176 = arith.mulf %gather3A_175, %select_n3A_124 : vector<16xf32>
        tpu.vector_store_idx %arg25[%add3A_75, %broadcast_in_dim3A_174], %mul3A_176 : memref<80x112xf32, #tpu.memory_space<vmem>>[vector<16xi32>, vector<16xi32>], vector<16xf32>,
        %broadcast_in_dim3A_177 = arith.constant 13 : i32
        %broadcast_in_dim3A_178 = vector.broadcast %broadcast_in_dim3A_177 : i32 to vector<16xi32>
        %gather3A_179 = tpu.vector_load_idx %arg25[%add3A_75, %broadcast_in_dim3A_178] : memref<80x112xf32, #tpu.memory_space<vmem>>[vector<16xi32>, vector<16xi32>], vector<16xf32>,
        %mul3A_180 = arith.mulf %gather3A_179, %select_n3A_124 : vector<16xf32>
        tpu.vector_store_idx %arg25[%add3A_75, %broadcast_in_dim3A_178], %mul3A_180 : memref<80x112xf32, #tpu.memory_space<vmem>>[vector<16xi32>, vector<16xi32>], vector<16xf32>,
        %broadcast_in_dim3A_181 = arith.constant 14 : i32
        %broadcast_in_dim3A_182 = vector.broadcast %broadcast_in_dim3A_181 : i32 to vector<16xi32>
        %gather3A_183 = tpu.vector_load_idx %arg25[%add3A_75, %broadcast_in_dim3A_182] : memref<80x112xf32, #tpu.memory_space<vmem>>[vector<16xi32>, vector<16xi32>], vector<16xf32>,
        %mul3A_184 = arith.mulf %gather3A_183, %select_n3A_124 : vector<16xf32>
        tpu.vector_store_idx %arg25[%add3A_75, %broadcast_in_dim3A_182], %mul3A_184 : memref<80x112xf32, #tpu.memory_space<vmem>>[vector<16xi32>, vector<16xi32>], vector<16xf32>,
        %broadcast_in_dim3A_185 = arith.constant 15 : i32
        %broadcast_in_dim3A_186 = vector.broadcast %broadcast_in_dim3A_185 : i32 to vector<16xi32>
        %gather3A_187 = tpu.vector_load_idx %arg25[%add3A_75, %broadcast_in_dim3A_186] : memref<80x112xf32, #tpu.memory_space<vmem>>[vector<16xi32>, vector<16xi32>], vector<16xf32>,
        %mul3A_188 = arith.mulf %gather3A_187, %select_n3A_124 : vector<16xf32>
        tpu.vector_store_idx %arg25[%add3A_75, %broadcast_in_dim3A_186], %mul3A_188 : memref<80x112xf32, #tpu.memory_space<vmem>>[vector<16xi32>, vector<16xi32>], vector<16xf32>,
        %broadcast_in_dim3A_189 = arith.constant 16 : i32
        %broadcast_in_dim3A_190 = vector.broadcast %broadcast_in_dim3A_189 : i32 to vector<16xi32>
        %gather3A_191 = tpu.vector_load_idx %arg25[%add3A_75, %broadcast_in_dim3A_190] : memref<80x112xf32, #tpu.memory_space<vmem>>[vector<16xi32>, vector<16xi32>], vector<16xf32>,
        %mul3A_192 = arith.mulf %gather3A_191, %select_n3A_124 : vector<16xf32>
        tpu.vector_store_idx %arg25[%add3A_75, %broadcast_in_dim3A_190], %mul3A_192 : memref<80x112xf32, #tpu.memory_space<vmem>>[vector<16xi32>, vector<16xi32>], vector<16xf32>,
        %broadcast_in_dim3A_193 = arith.constant 17 : i32
        %broadcast_in_dim3A_194 = vector.broadcast %broadcast_in_dim3A_193 : i32 to vector<16xi32>
        %gather3A_195 = tpu.vector_load_idx %arg25[%add3A_75, %broadcast_in_dim3A_194] : memref<80x112xf32, #tpu.memory_space<vmem>>[vector<16xi32>, vector<16xi32>], vector<16xf32>,
        %mul3A_196 = arith.mulf %gather3A_195, %select_n3A_124 : vector<16xf32>
        tpu.vector_store_idx %arg25[%add3A_75, %broadcast_in_dim3A_194], %mul3A_196 : memref<80x112xf32, #tpu.memory_space<vmem>>[vector<16xi32>, vector<16xi32>], vector<16xf32>,
        %broadcast_in_dim3A_197 = arith.constant 18 : i32
        %broadcast_in_dim3A_198 = vector.broadcast %broadcast_in_dim3A_197 : i32 to vector<16xi32>
        %gather3A_199 = tpu.vector_load_idx %arg25[%add3A_75, %broadcast_in_dim3A_198] : memref<80x112xf32, #tpu.memory_space<vmem>>[vector<16xi32>, vector<16xi32>], vector<16xf32>,
        %mul3A_200 = arith.mulf %gather3A_199, %select_n3A_124 : vector<16xf32>
        tpu.vector_store_idx %arg25[%add3A_75, %broadcast_in_dim3A_198], %mul3A_200 : memref<80x112xf32, #tpu.memory_space<vmem>>[vector<16xi32>, vector<16xi32>], vector<16xf32>,
        %broadcast_in_dim3A_201 = arith.constant 19 : i32
        %broadcast_in_dim3A_202 = vector.broadcast %broadcast_in_dim3A_201 : i32 to vector<16xi32>
        %gather3A_203 = tpu.vector_load_idx %arg25[%add3A_75, %broadcast_in_dim3A_202] : memref<80x112xf32, #tpu.memory_space<vmem>>[vector<16xi32>, vector<16xi32>], vector<16xf32>,
        %mul3A_204 = arith.mulf %gather3A_203, %select_n3A_124 : vector<16xf32>
        tpu.vector_store_idx %arg25[%add3A_75, %broadcast_in_dim3A_202], %mul3A_204 : memref<80x112xf32, #tpu.memory_space<vmem>>[vector<16xi32>, vector<16xi32>], vector<16xf32>,
        %broadcast_in_dim3A_205 = arith.constant 20 : i32
        %broadcast_in_dim3A_206 = vector.broadcast %broadcast_in_dim3A_205 : i32 to vector<16xi32>
        %gather3A_207 = tpu.vector_load_idx %arg25[%add3A_75, %broadcast_in_dim3A_206] : memref<80x112xf32, #tpu.memory_space<vmem>>[vector<16xi32>, vector<16xi32>], vector<16xf32>,
        %mul3A_208 = arith.mulf %gather3A_207, %select_n3A_124 : vector<16xf32>
        tpu.vector_store_idx %arg25[%add3A_75, %broadcast_in_dim3A_206], %mul3A_208 : memref<80x112xf32, #tpu.memory_space<vmem>>[vector<16xi32>, vector<16xi32>], vector<16xf32>,
        %broadcast_in_dim3A_209 = arith.constant 21 : i32
        %broadcast_in_dim3A_210 = vector.broadcast %broadcast_in_dim3A_209 : i32 to vector<16xi32>
        %gather3A_211 = tpu.vector_load_idx %arg25[%add3A_75, %broadcast_in_dim3A_210] : memref<80x112xf32, #tpu.memory_space<vmem>>[vector<16xi32>, vector<16xi32>], vector<16xf32>,
        %mul3A_212 = arith.mulf %gather3A_211, %select_n3A_124 : vector<16xf32>
        tpu.vector_store_idx %arg25[%add3A_75, %broadcast_in_dim3A_210], %mul3A_212 : memref<80x112xf32, #tpu.memory_space<vmem>>[vector<16xi32>, vector<16xi32>], vector<16xf32>,
        %broadcast_in_dim3A_213 = arith.constant 22 : i32
        %broadcast_in_dim3A_214 = vector.broadcast %broadcast_in_dim3A_213 : i32 to vector<16xi32>
        %gather3A_215 = tpu.vector_load_idx %arg25[%add3A_75, %broadcast_in_dim3A_214] : memref<80x112xf32, #tpu.memory_space<vmem>>[vector<16xi32>, vector<16xi32>], vector<16xf32>,
        %mul3A_216 = arith.mulf %gather3A_215, %select_n3A_124 : vector<16xf32>
        tpu.vector_store_idx %arg25[%add3A_75, %broadcast_in_dim3A_214], %mul3A_216 : memref<80x112xf32, #tpu.memory_space<vmem>>[vector<16xi32>, vector<16xi32>], vector<16xf32>,
        %broadcast_in_dim3A_217 = arith.constant 23 : i32
        %broadcast_in_dim3A_218 = vector.broadcast %broadcast_in_dim3A_217 : i32 to vector<16xi32>
        %gather3A_219 = tpu.vector_load_idx %arg25[%add3A_75, %broadcast_in_dim3A_218] : memref<80x112xf32, #tpu.memory_space<vmem>>[vector<16xi32>, vector<16xi32>], vector<16xf32>,
        %mul3A_220 = arith.mulf %gather3A_219, %select_n3A_124 : vector<16xf32>
        tpu.vector_store_idx %arg25[%add3A_75, %broadcast_in_dim3A_218], %mul3A_220 : memref<80x112xf32, #tpu.memory_space<vmem>>[vector<16xi32>, vector<16xi32>], vector<16xf32>,
        %broadcast_in_dim3A_221 = arith.constant 24 : i32
        %broadcast_in_dim3A_222 = vector.broadcast %broadcast_in_dim3A_221 : i32 to vector<16xi32>
        %gather3A_223 = tpu.vector_load_idx %arg25[%add3A_75, %broadcast_in_dim3A_222] : memref<80x112xf32, #tpu.memory_space<vmem>>[vector<16xi32>, vector<16xi32>], vector<16xf32>,
        %mul3A_224 = arith.mulf %gather3A_223, %select_n3A_124 : vector<16xf32>
        tpu.vector_store_idx %arg25[%add3A_75, %broadcast_in_dim3A_222], %mul3A_224 : memref<80x112xf32, #tpu.memory_space<vmem>>[vector<16xi32>, vector<16xi32>], vector<16xf32>,
        %broadcast_in_dim3A_225 = arith.constant 25 : i32
        %broadcast_in_dim3A_226 = vector.broadcast %broadcast_in_dim3A_225 : i32 to vector<16xi32>
        %gather3A_227 = tpu.vector_load_idx %arg25[%add3A_75, %broadcast_in_dim3A_226] : memref<80x112xf32, #tpu.memory_space<vmem>>[vector<16xi32>, vector<16xi32>], vector<16xf32>,
        %mul3A_228 = arith.mulf %gather3A_227, %select_n3A_124 : vector<16xf32>
        tpu.vector_store_idx %arg25[%add3A_75, %broadcast_in_dim3A_226], %mul3A_228 : memref<80x112xf32, #tpu.memory_space<vmem>>[vector<16xi32>, vector<16xi32>], vector<16xf32>,
        %broadcast_in_dim3A_229 = arith.constant 26 : i32
        %broadcast_in_dim3A_230 = vector.broadcast %broadcast_in_dim3A_229 : i32 to vector<16xi32>
        %gather3A_231 = tpu.vector_load_idx %arg25[%add3A_75, %broadcast_in_dim3A_230] : memref<80x112xf32, #tpu.memory_space<vmem>>[vector<16xi32>, vector<16xi32>], vector<16xf32>,
        %mul3A_232 = arith.mulf %gather3A_231, %select_n3A_124 : vector<16xf32>
        tpu.vector_store_idx %arg25[%add3A_75, %broadcast_in_dim3A_230], %mul3A_232 : memref<80x112xf32, #tpu.memory_space<vmem>>[vector<16xi32>, vector<16xi32>], vector<16xf32>,
        %broadcast_in_dim3A_233 = arith.constant 27 : i32
        %broadcast_in_dim3A_234 = vector.broadcast %broadcast_in_dim3A_233 : i32 to vector<16xi32>
        %gather3A_235 = tpu.vector_load_idx %arg25[%add3A_75, %broadcast_in_dim3A_234] : memref<80x112xf32, #tpu.memory_space<vmem>>[vector<16xi32>, vector<16xi32>], vector<16xf32>,
        %mul3A_236 = arith.mulf %gather3A_235, %select_n3A_124 : vector<16xf32>
        tpu.vector_store_idx %arg25[%add3A_75, %broadcast_in_dim3A_234], %mul3A_236 : memref<80x112xf32, #tpu.memory_space<vmem>>[vector<16xi32>, vector<16xi32>], vector<16xf32>,
        %broadcast_in_dim3A_237 = arith.constant 28 : i32
        %broadcast_in_dim3A_238 = vector.broadcast %broadcast_in_dim3A_237 : i32 to vector<16xi32>
        %gather3A_239 = tpu.vector_load_idx %arg25[%add3A_75, %broadcast_in_dim3A_238] : memref<80x112xf32, #tpu.memory_space<vmem>>[vector<16xi32>, vector<16xi32>], vector<16xf32>,
        %mul3A_240 = arith.mulf %gather3A_239, %select_n3A_124 : vector<16xf32>
        tpu.vector_store_idx %arg25[%add3A_75, %broadcast_in_dim3A_238], %mul3A_240 : memref<80x112xf32, #tpu.memory_space<vmem>>[vector<16xi32>, vector<16xi32>], vector<16xf32>,
        %broadcast_in_dim3A_241 = arith.constant 29 : i32
        %broadcast_in_dim3A_242 = vector.broadcast %broadcast_in_dim3A_241 : i32 to vector<16xi32>
        %gather3A_243 = tpu.vector_load_idx %arg25[%add3A_75, %broadcast_in_dim3A_242] : memref<80x112xf32, #tpu.memory_space<vmem>>[vector<16xi32>, vector<16xi32>], vector<16xf32>,
        %mul3A_244 = arith.mulf %gather3A_243, %select_n3A_124 : vector<16xf32>
        tpu.vector_store_idx %arg25[%add3A_75, %broadcast_in_dim3A_242], %mul3A_244 : memref<80x112xf32, #tpu.memory_space<vmem>>[vector<16xi32>, vector<16xi32>], vector<16xf32>,
        %broadcast_in_dim3A_245 = arith.constant 30 : i32
        %broadcast_in_dim3A_246 = vector.broadcast %broadcast_in_dim3A_245 : i32 to vector<16xi32>
        %gather3A_247 = tpu.vector_load_idx %arg25[%add3A_75, %broadcast_in_dim3A_246] : memref<80x112xf32, #tpu.memory_space<vmem>>[vector<16xi32>, vector<16xi32>], vector<16xf32>,
        %mul3A_248 = arith.mulf %gather3A_247, %select_n3A_124 : vector<16xf32>
        tpu.vector_store_idx %arg25[%add3A_75, %broadcast_in_dim3A_246], %mul3A_248 : memref<80x112xf32, #tpu.memory_space<vmem>>[vector<16xi32>, vector<16xi32>], vector<16xf32>,
        %broadcast_in_dim3A_249 = arith.constant 31 : i32
        %broadcast_in_dim3A_250 = vector.broadcast %broadcast_in_dim3A_249 : i32 to vector<16xi32>
        %gather3A_251 = tpu.vector_load_idx %arg25[%add3A_75, %broadcast_in_dim3A_250] : memref<80x112xf32, #tpu.memory_space<vmem>>[vector<16xi32>, vector<16xi32>], vector<16xf32>,
        %mul3A_252 = arith.mulf %gather3A_251, %select_n3A_124 : vector<16xf32>
        tpu.vector_store_idx %arg25[%add3A_75, %broadcast_in_dim3A_250], %mul3A_252 : memref<80x112xf32, #tpu.memory_space<vmem>>[vector<16xi32>, vector<16xi32>], vector<16xf32>,
        %broadcast_in_dim3A_253 = arith.constant 32 : i32
        %broadcast_in_dim3A_254 = vector.broadcast %broadcast_in_dim3A_253 : i32 to vector<16xi32>
        %gather3A_255 = tpu.vector_load_idx %arg25[%add3A_75, %broadcast_in_dim3A_254] : memref<80x112xf32, #tpu.memory_space<vmem>>[vector<16xi32>, vector<16xi32>], vector<16xf32>,
        %mul3A_256 = arith.mulf %gather3A_255, %select_n3A_125 : vector<16xf32>
        tpu.vector_store_idx %arg25[%add3A_75, %broadcast_in_dim3A_254], %mul3A_256 : memref<80x112xf32, #tpu.memory_space<vmem>>[vector<16xi32>, vector<16xi32>], vector<16xf32>,
        %broadcast_in_dim3A_257 = arith.constant 33 : i32
        %broadcast_in_dim3A_258 = vector.broadcast %broadcast_in_dim3A_257 : i32 to vector<16xi32>
        %gather3A_259 = tpu.vector_load_idx %arg25[%add3A_75, %broadcast_in_dim3A_258] : memref<80x112xf32, #tpu.memory_space<vmem>>[vector<16xi32>, vector<16xi32>], vector<16xf32>,
        %mul3A_260 = arith.mulf %gather3A_259, %select_n3A_125 : vector<16xf32>
        tpu.vector_store_idx %arg25[%add3A_75, %broadcast_in_dim3A_258], %mul3A_260 : memref<80x112xf32, #tpu.memory_space<vmem>>[vector<16xi32>, vector<16xi32>], vector<16xf32>,
        %broadcast_in_dim3A_261 = arith.constant 34 : i32
        %broadcast_in_dim3A_262 = vector.broadcast %broadcast_in_dim3A_261 : i32 to vector<16xi32>
        %gather3A_263 = tpu.vector_load_idx %arg25[%add3A_75, %broadcast_in_dim3A_262] : memref<80x112xf32, #tpu.memory_space<vmem>>[vector<16xi32>, vector<16xi32>], vector<16xf32>,
        %mul3A_264 = arith.mulf %gather3A_263, %select_n3A_125 : vector<16xf32>
        tpu.vector_store_idx %arg25[%add3A_75, %broadcast_in_dim3A_262], %mul3A_264 : memref<80x112xf32, #tpu.memory_space<vmem>>[vector<16xi32>, vector<16xi32>], vector<16xf32>,
        %broadcast_in_dim3A_265 = arith.constant 35 : i32
        %broadcast_in_dim3A_266 = vector.broadcast %broadcast_in_dim3A_265 : i32 to vector<16xi32>
        %gather3A_267 = tpu.vector_load_idx %arg25[%add3A_75, %broadcast_in_dim3A_266] : memref<80x112xf32, #tpu.memory_space<vmem>>[vector<16xi32>, vector<16xi32>], vector<16xf32>,
        %mul3A_268 = arith.mulf %gather3A_267, %select_n3A_125 : vector<16xf32>
        tpu.vector_store_idx %arg25[%add3A_75, %broadcast_in_dim3A_266], %mul3A_268 : memref<80x112xf32, #tpu.memory_space<vmem>>[vector<16xi32>, vector<16xi32>], vector<16xf32>,
        %broadcast_in_dim3A_269 = arith.constant 36 : i32
        %broadcast_in_dim3A_270 = vector.broadcast %broadcast_in_dim3A_269 : i32 to vector<16xi32>
        %gather3A_271 = tpu.vector_load_idx %arg25[%add3A_75, %broadcast_in_dim3A_270] : memref<80x112xf32, #tpu.memory_space<vmem>>[vector<16xi32>, vector<16xi32>], vector<16xf32>,
        %mul3A_272 = arith.mulf %gather3A_271, %select_n3A_125 : vector<16xf32>
        tpu.vector_store_idx %arg25[%add3A_75, %broadcast_in_dim3A_270], %mul3A_272 : memref<80x112xf32, #tpu.memory_space<vmem>>[vector<16xi32>, vector<16xi32>], vector<16xf32>,
        %broadcast_in_dim3A_273 = arith.constant 37 : i32
        %broadcast_in_dim3A_274 = vector.broadcast %broadcast_in_dim3A_273 : i32 to vector<16xi32>
        %gather3A_275 = tpu.vector_load_idx %arg25[%add3A_75, %broadcast_in_dim3A_274] : memref<80x112xf32, #tpu.memory_space<vmem>>[vector<16xi32>, vector<16xi32>], vector<16xf32>,
        %mul3A_276 = arith.mulf %gather3A_275, %select_n3A_125 : vector<16xf32>
        tpu.vector_store_idx %arg25[%add3A_75, %broadcast_in_dim3A_274], %mul3A_276 : memref<80x112xf32, #tpu.memory_space<vmem>>[vector<16xi32>, vector<16xi32>], vector<16xf32>,
        %broadcast_in_dim3A_277 = arith.constant 38 : i32
        %broadcast_in_dim3A_278 = vector.broadcast %broadcast_in_dim3A_277 : i32 to vector<16xi32>
        %gather3A_279 = tpu.vector_load_idx %arg25[%add3A_75, %broadcast_in_dim3A_278] : memref<80x112xf32, #tpu.memory_space<vmem>>[vector<16xi32>, vector<16xi32>], vector<16xf32>,
        %mul3A_280 = arith.mulf %gather3A_279, %select_n3A_125 : vector<16xf32>
        tpu.vector_store_idx %arg25[%add3A_75, %broadcast_in_dim3A_278], %mul3A_280 : memref<80x112xf32, #tpu.memory_space<vmem>>[vector<16xi32>, vector<16xi32>], vector<16xf32>,
        %broadcast_in_dim3A_281 = arith.constant 39 : i32
        %broadcast_in_dim3A_282 = vector.broadcast %broadcast_in_dim3A_281 : i32 to vector<16xi32>
        %gather3A_283 = tpu.vector_load_idx %arg25[%add3A_75, %broadcast_in_dim3A_282] : memref<80x112xf32, #tpu.memory_space<vmem>>[vector<16xi32>, vector<16xi32>], vector<16xf32>,
        %mul3A_284 = arith.mulf %gather3A_283, %select_n3A_125 : vector<16xf32>
        tpu.vector_store_idx %arg25[%add3A_75, %broadcast_in_dim3A_282], %mul3A_284 : memref<80x112xf32, #tpu.memory_space<vmem>>[vector<16xi32>, vector<16xi32>], vector<16xf32>,
        %broadcast_in_dim3A_285 = arith.constant 40 : i32
        %broadcast_in_dim3A_286 = vector.broadcast %broadcast_in_dim3A_285 : i32 to vector<16xi32>
        %gather3A_287 = tpu.vector_load_idx %arg25[%add3A_75, %broadcast_in_dim3A_286] : memref<80x112xf32, #tpu.memory_space<vmem>>[vector<16xi32>, vector<16xi32>], vector<16xf32>,
        %mul3A_288 = arith.mulf %gather3A_287, %select_n3A_125 : vector<16xf32>
        tpu.vector_store_idx %arg25[%add3A_75, %broadcast_in_dim3A_286], %mul3A_288 : memref<80x112xf32, #tpu.memory_space<vmem>>[vector<16xi32>, vector<16xi32>], vector<16xf32>,
        %broadcast_in_dim3A_289 = arith.constant 41 : i32
        %broadcast_in_dim3A_290 = vector.broadcast %broadcast_in_dim3A_289 : i32 to vector<16xi32>
        %gather3A_291 = tpu.vector_load_idx %arg25[%add3A_75, %broadcast_in_dim3A_290] : memref<80x112xf32, #tpu.memory_space<vmem>>[vector<16xi32>, vector<16xi32>], vector<16xf32>,
        %mul3A_292 = arith.mulf %gather3A_291, %select_n3A_125 : vector<16xf32>
        tpu.vector_store_idx %arg25[%add3A_75, %broadcast_in_dim3A_290], %mul3A_292 : memref<80x112xf32, #tpu.memory_space<vmem>>[vector<16xi32>, vector<16xi32>], vector<16xf32>,
        %broadcast_in_dim3A_293 = arith.constant 42 : i32
        %broadcast_in_dim3A_294 = vector.broadcast %broadcast_in_dim3A_293 : i32 to vector<16xi32>
        %gather3A_295 = tpu.vector_load_idx %arg25[%add3A_75, %broadcast_in_dim3A_294] : memref<80x112xf32, #tpu.memory_space<vmem>>[vector<16xi32>, vector<16xi32>], vector<16xf32>,
        %mul3A_296 = arith.mulf %gather3A_295, %select_n3A_125 : vector<16xf32>
        tpu.vector_store_idx %arg25[%add3A_75, %broadcast_in_dim3A_294], %mul3A_296 : memref<80x112xf32, #tpu.memory_space<vmem>>[vector<16xi32>, vector<16xi32>], vector<16xf32>,
        %broadcast_in_dim3A_297 = arith.constant 43 : i32
        %broadcast_in_dim3A_298 = vector.broadcast %broadcast_in_dim3A_297 : i32 to vector<16xi32>
        %gather3A_299 = tpu.vector_load_idx %arg25[%add3A_75, %broadcast_in_dim3A_298] : memref<80x112xf32, #tpu.memory_space<vmem>>[vector<16xi32>, vector<16xi32>], vector<16xf32>,
        %mul3A_300 = arith.mulf %gather3A_299, %select_n3A_125 : vector<16xf32>
        tpu.vector_store_idx %arg25[%add3A_75, %broadcast_in_dim3A_298], %mul3A_300 : memref<80x112xf32, #tpu.memory_space<vmem>>[vector<16xi32>, vector<16xi32>], vector<16xf32>,
        %broadcast_in_dim3A_301 = arith.constant 44 : i32
        %broadcast_in_dim3A_302 = vector.broadcast %broadcast_in_dim3A_301 : i32 to vector<16xi32>
        %gather3A_303 = tpu.vector_load_idx %arg25[%add3A_75, %broadcast_in_dim3A_302] : memref<80x112xf32, #tpu.memory_space<vmem>>[vector<16xi32>, vector<16xi32>], vector<16xf32>,
        %mul3A_304 = arith.mulf %gather3A_303, %select_n3A_125 : vector<16xf32>
        tpu.vector_store_idx %arg25[%add3A_75, %broadcast_in_dim3A_302], %mul3A_304 : memref<80x112xf32, #tpu.memory_space<vmem>>[vector<16xi32>, vector<16xi32>], vector<16xf32>,
        %broadcast_in_dim3A_305 = arith.constant 45 : i32
        %broadcast_in_dim3A_306 = vector.broadcast %broadcast_in_dim3A_305 : i32 to vector<16xi32>
        %gather3A_307 = tpu.vector_load_idx %arg25[%add3A_75, %broadcast_in_dim3A_306] : memref<80x112xf32, #tpu.memory_space<vmem>>[vector<16xi32>, vector<16xi32>], vector<16xf32>,
        %mul3A_308 = arith.mulf %gather3A_307, %select_n3A_125 : vector<16xf32>
        tpu.vector_store_idx %arg25[%add3A_75, %broadcast_in_dim3A_306], %mul3A_308 : memref<80x112xf32, #tpu.memory_space<vmem>>[vector<16xi32>, vector<16xi32>], vector<16xf32>,
        %broadcast_in_dim3A_309 = arith.constant 46 : i32
        %broadcast_in_dim3A_310 = vector.broadcast %broadcast_in_dim3A_309 : i32 to vector<16xi32>
        %gather3A_311 = tpu.vector_load_idx %arg25[%add3A_75, %broadcast_in_dim3A_310] : memref<80x112xf32, #tpu.memory_space<vmem>>[vector<16xi32>, vector<16xi32>], vector<16xf32>,
        %mul3A_312 = arith.mulf %gather3A_311, %select_n3A_125 : vector<16xf32>
        tpu.vector_store_idx %arg25[%add3A_75, %broadcast_in_dim3A_310], %mul3A_312 : memref<80x112xf32, #tpu.memory_space<vmem>>[vector<16xi32>, vector<16xi32>], vector<16xf32>,
        %broadcast_in_dim3A_313 = arith.constant 47 : i32
        %broadcast_in_dim3A_314 = vector.broadcast %broadcast_in_dim3A_313 : i32 to vector<16xi32>
        %gather3A_315 = tpu.vector_load_idx %arg25[%add3A_75, %broadcast_in_dim3A_314] : memref<80x112xf32, #tpu.memory_space<vmem>>[vector<16xi32>, vector<16xi32>], vector<16xf32>,
        %mul3A_316 = arith.mulf %gather3A_315, %select_n3A_125 : vector<16xf32>
        tpu.vector_store_idx %arg25[%add3A_75, %broadcast_in_dim3A_314], %mul3A_316 : memref<80x112xf32, #tpu.memory_space<vmem>>[vector<16xi32>, vector<16xi32>], vector<16xf32>,
        %broadcast_in_dim3A_317 = arith.constant 48 : i32
        %broadcast_in_dim3A_318 = vector.broadcast %broadcast_in_dim3A_317 : i32 to vector<16xi32>
        %gather3A_319 = tpu.vector_load_idx %arg25[%add3A_75, %broadcast_in_dim3A_318] : memref<80x112xf32, #tpu.memory_space<vmem>>[vector<16xi32>, vector<16xi32>], vector<16xf32>,
        %mul3A_320 = arith.mulf %gather3A_319, %select_n3A_125 : vector<16xf32>
        tpu.vector_store_idx %arg25[%add3A_75, %broadcast_in_dim3A_318], %mul3A_320 : memref<80x112xf32, #tpu.memory_space<vmem>>[vector<16xi32>, vector<16xi32>], vector<16xf32>,
        %broadcast_in_dim3A_321 = arith.constant 49 : i32
        %broadcast_in_dim3A_322 = vector.broadcast %broadcast_in_dim3A_321 : i32 to vector<16xi32>
        %gather3A_323 = tpu.vector_load_idx %arg25[%add3A_75, %broadcast_in_dim3A_322] : memref<80x112xf32, #tpu.memory_space<vmem>>[vector<16xi32>, vector<16xi32>], vector<16xf32>,
        %mul3A_324 = arith.mulf %gather3A_323, %select_n3A_125 : vector<16xf32>
        tpu.vector_store_idx %arg25[%add3A_75, %broadcast_in_dim3A_322], %mul3A_324 : memref<80x112xf32, #tpu.memory_space<vmem>>[vector<16xi32>, vector<16xi32>], vector<16xf32>,
        %broadcast_in_dim3A_325 = arith.constant 50 : i32
        %broadcast_in_dim3A_326 = vector.broadcast %broadcast_in_dim3A_325 : i32 to vector<16xi32>
        %gather3A_327 = tpu.vector_load_idx %arg25[%add3A_75, %broadcast_in_dim3A_326] : memref<80x112xf32, #tpu.memory_space<vmem>>[vector<16xi32>, vector<16xi32>], vector<16xf32>,
        %mul3A_328 = arith.mulf %gather3A_327, %select_n3A_125 : vector<16xf32>
        tpu.vector_store_idx %arg25[%add3A_75, %broadcast_in_dim3A_326], %mul3A_328 : memref<80x112xf32, #tpu.memory_space<vmem>>[vector<16xi32>, vector<16xi32>], vector<16xf32>,
        %broadcast_in_dim3A_329 = arith.constant 51 : i32
        %broadcast_in_dim3A_330 = vector.broadcast %broadcast_in_dim3A_329 : i32 to vector<16xi32>
        %gather3A_331 = tpu.vector_load_idx %arg25[%add3A_75, %broadcast_in_dim3A_330] : memref<80x112xf32, #tpu.memory_space<vmem>>[vector<16xi32>, vector<16xi32>], vector<16xf32>,
        %mul3A_332 = arith.mulf %gather3A_331, %select_n3A_125 : vector<16xf32>
        tpu.vector_store_idx %arg25[%add3A_75, %broadcast_in_dim3A_330], %mul3A_332 : memref<80x112xf32, #tpu.memory_space<vmem>>[vector<16xi32>, vector<16xi32>], vector<16xf32>,
        %broadcast_in_dim3A_333 = arith.constant 52 : i32
        %broadcast_in_dim3A_334 = vector.broadcast %broadcast_in_dim3A_333 : i32 to vector<16xi32>
        %gather3A_335 = tpu.vector_load_idx %arg25[%add3A_75, %broadcast_in_dim3A_334] : memref<80x112xf32, #tpu.memory_space<vmem>>[vector<16xi32>, vector<16xi32>], vector<16xf32>,
        %mul3A_336 = arith.mulf %gather3A_335, %select_n3A_125 : vector<16xf32>
        tpu.vector_store_idx %arg25[%add3A_75, %broadcast_in_dim3A_334], %mul3A_336 : memref<80x112xf32, #tpu.memory_space<vmem>>[vector<16xi32>, vector<16xi32>], vector<16xf32>,
        %broadcast_in_dim3A_337 = arith.constant 53 : i32
        %broadcast_in_dim3A_338 = vector.broadcast %broadcast_in_dim3A_337 : i32 to vector<16xi32>
        %gather3A_339 = tpu.vector_load_idx %arg25[%add3A_75, %broadcast_in_dim3A_338] : memref<80x112xf32, #tpu.memory_space<vmem>>[vector<16xi32>, vector<16xi32>], vector<16xf32>,
        %mul3A_340 = arith.mulf %gather3A_339, %select_n3A_125 : vector<16xf32>
        tpu.vector_store_idx %arg25[%add3A_75, %broadcast_in_dim3A_338], %mul3A_340 : memref<80x112xf32, #tpu.memory_space<vmem>>[vector<16xi32>, vector<16xi32>], vector<16xf32>,
        %broadcast_in_dim3A_341 = arith.constant 54 : i32
        %broadcast_in_dim3A_342 = vector.broadcast %broadcast_in_dim3A_341 : i32 to vector<16xi32>
        %gather3A_343 = tpu.vector_load_idx %arg25[%add3A_75, %broadcast_in_dim3A_342] : memref<80x112xf32, #tpu.memory_space<vmem>>[vector<16xi32>, vector<16xi32>], vector<16xf32>,
        %mul3A_344 = arith.mulf %gather3A_343, %select_n3A_125 : vector<16xf32>
        tpu.vector_store_idx %arg25[%add3A_75, %broadcast_in_dim3A_342], %mul3A_344 : memref<80x112xf32, #tpu.memory_space<vmem>>[vector<16xi32>, vector<16xi32>], vector<16xf32>,
        %broadcast_in_dim3A_345 = arith.constant 55 : i32
        %broadcast_in_dim3A_346 = vector.broadcast %broadcast_in_dim3A_345 : i32 to vector<16xi32>
        %gather3A_347 = tpu.vector_load_idx %arg25[%add3A_75, %broadcast_in_dim3A_346] : memref<80x112xf32, #tpu.memory_space<vmem>>[vector<16xi32>, vector<16xi32>], vector<16xf32>,
        %mul3A_348 = arith.mulf %gather3A_347, %select_n3A_125 : vector<16xf32>
        tpu.vector_store_idx %arg25[%add3A_75, %broadcast_in_dim3A_346], %mul3A_348 : memref<80x112xf32, #tpu.memory_space<vmem>>[vector<16xi32>, vector<16xi32>], vector<16xf32>,
        %broadcast_in_dim3A_349 = arith.constant 56 : i32
        %broadcast_in_dim3A_350 = vector.broadcast %broadcast_in_dim3A_349 : i32 to vector<16xi32>
        %gather3A_351 = tpu.vector_load_idx %arg25[%add3A_75, %broadcast_in_dim3A_350] : memref<80x112xf32, #tpu.memory_space<vmem>>[vector<16xi32>, vector<16xi32>], vector<16xf32>,
        %mul3A_352 = arith.mulf %gather3A_351, %select_n3A_125 : vector<16xf32>
        tpu.vector_store_idx %arg25[%add3A_75, %broadcast_in_dim3A_350], %mul3A_352 : memref<80x112xf32, #tpu.memory_space<vmem>>[vector<16xi32>, vector<16xi32>], vector<16xf32>,
        %broadcast_in_dim3A_353 = arith.constant 57 : i32
        %broadcast_in_dim3A_354 = vector.broadcast %broadcast_in_dim3A_353 : i32 to vector<16xi32>
        %gather3A_355 = tpu.vector_load_idx %arg25[%add3A_75, %broadcast_in_dim3A_354] : memref<80x112xf32, #tpu.memory_space<vmem>>[vector<16xi32>, vector<16xi32>], vector<16xf32>,
        %mul3A_356 = arith.mulf %gather3A_355, %select_n3A_125 : vector<16xf32>
        tpu.vector_store_idx %arg25[%add3A_75, %broadcast_in_dim3A_354], %mul3A_356 : memref<80x112xf32, #tpu.memory_space<vmem>>[vector<16xi32>, vector<16xi32>], vector<16xf32>,
        %broadcast_in_dim3A_357 = arith.constant 58 : i32
        %broadcast_in_dim3A_358 = vector.broadcast %broadcast_in_dim3A_357 : i32 to vector<16xi32>
        %gather3A_359 = tpu.vector_load_idx %arg25[%add3A_75, %broadcast_in_dim3A_358] : memref<80x112xf32, #tpu.memory_space<vmem>>[vector<16xi32>, vector<16xi32>], vector<16xf32>,
        %mul3A_360 = arith.mulf %gather3A_359, %select_n3A_125 : vector<16xf32>
        tpu.vector_store_idx %arg25[%add3A_75, %broadcast_in_dim3A_358], %mul3A_360 : memref<80x112xf32, #tpu.memory_space<vmem>>[vector<16xi32>, vector<16xi32>], vector<16xf32>,
        %broadcast_in_dim3A_361 = arith.constant 59 : i32
        %broadcast_in_dim3A_362 = vector.broadcast %broadcast_in_dim3A_361 : i32 to vector<16xi32>
        %gather3A_363 = tpu.vector_load_idx %arg25[%add3A_75, %broadcast_in_dim3A_362] : memref<80x112xf32, #tpu.memory_space<vmem>>[vector<16xi32>, vector<16xi32>], vector<16xf32>,
        %mul3A_364 = arith.mulf %gather3A_363, %select_n3A_125 : vector<16xf32>
        tpu.vector_store_idx %arg25[%add3A_75, %broadcast_in_dim3A_362], %mul3A_364 : memref<80x112xf32, #tpu.memory_space<vmem>>[vector<16xi32>, vector<16xi32>], vector<16xf32>,
        %broadcast_in_dim3A_365 = arith.constant 60 : i32
        %broadcast_in_dim3A_366 = vector.broadcast %broadcast_in_dim3A_365 : i32 to vector<16xi32>
        %gather3A_367 = tpu.vector_load_idx %arg25[%add3A_75, %broadcast_in_dim3A_366] : memref<80x112xf32, #tpu.memory_space<vmem>>[vector<16xi32>, vector<16xi32>], vector<16xf32>,
        %mul3A_368 = arith.mulf %gather3A_367, %select_n3A_125 : vector<16xf32>
        tpu.vector_store_idx %arg25[%add3A_75, %broadcast_in_dim3A_366], %mul3A_368 : memref<80x112xf32, #tpu.memory_space<vmem>>[vector<16xi32>, vector<16xi32>], vector<16xf32>,
        %broadcast_in_dim3A_369 = arith.constant 61 : i32
        %broadcast_in_dim3A_370 = vector.broadcast %broadcast_in_dim3A_369 : i32 to vector<16xi32>
        %gather3A_371 = tpu.vector_load_idx %arg25[%add3A_75, %broadcast_in_dim3A_370] : memref<80x112xf32, #tpu.memory_space<vmem>>[vector<16xi32>, vector<16xi32>], vector<16xf32>,
        %mul3A_372 = arith.mulf %gather3A_371, %select_n3A_125 : vector<16xf32>
        tpu.vector_store_idx %arg25[%add3A_75, %broadcast_in_dim3A_370], %mul3A_372 : memref<80x112xf32, #tpu.memory_space<vmem>>[vector<16xi32>, vector<16xi32>], vector<16xf32>,
        %broadcast_in_dim3A_373 = arith.constant 62 : i32
        %broadcast_in_dim3A_374 = vector.broadcast %broadcast_in_dim3A_373 : i32 to vector<16xi32>
        %gather3A_375 = tpu.vector_load_idx %arg25[%add3A_75, %broadcast_in_dim3A_374] : memref<80x112xf32, #tpu.memory_space<vmem>>[vector<16xi32>, vector<16xi32>], vector<16xf32>,
        %mul3A_376 = arith.mulf %gather3A_375, %select_n3A_125 : vector<16xf32>
        tpu.vector_store_idx %arg25[%add3A_75, %broadcast_in_dim3A_374], %mul3A_376 : memref<80x112xf32, #tpu.memory_space<vmem>>[vector<16xi32>, vector<16xi32>], vector<16xf32>,
        %broadcast_in_dim3A_377 = arith.constant 63 : i32
        %broadcast_in_dim3A_378 = vector.broadcast %broadcast_in_dim3A_377 : i32 to vector<16xi32>
        %gather3A_379 = tpu.vector_load_idx %arg25[%add3A_75, %broadcast_in_dim3A_378] : memref<80x112xf32, #tpu.memory_space<vmem>>[vector<16xi32>, vector<16xi32>], vector<16xf32>,
        %mul3A_380 = arith.mulf %gather3A_379, %select_n3A_125 : vector<16xf32>
        tpu.vector_store_idx %arg25[%add3A_75, %broadcast_in_dim3A_378], %mul3A_380 : memref<80x112xf32, #tpu.memory_space<vmem>>[vector<16xi32>, vector<16xi32>], vector<16xf32>,
        %broadcast_in_dim3A_381 = arith.constant 64 : i32
        %broadcast_in_dim3A_382 = vector.broadcast %broadcast_in_dim3A_381 : i32 to vector<16xi32>
        %gather3A_383 = tpu.vector_load_idx %arg25[%add3A_75, %broadcast_in_dim3A_382] : memref<80x112xf32, #tpu.memory_space<vmem>>[vector<16xi32>, vector<16xi32>], vector<16xf32>,
        %mul3A_384 = arith.mulf %gather3A_383, %select_n3A_126 : vector<16xf32>
        tpu.vector_store_idx %arg25[%add3A_75, %broadcast_in_dim3A_382], %mul3A_384 : memref<80x112xf32, #tpu.memory_space<vmem>>[vector<16xi32>, vector<16xi32>], vector<16xf32>,
        %broadcast_in_dim3A_385 = arith.constant 65 : i32
        %broadcast_in_dim3A_386 = vector.broadcast %broadcast_in_dim3A_385 : i32 to vector<16xi32>
        %gather3A_387 = tpu.vector_load_idx %arg25[%add3A_75, %broadcast_in_dim3A_386] : memref<80x112xf32, #tpu.memory_space<vmem>>[vector<16xi32>, vector<16xi32>], vector<16xf32>,
        %mul3A_388 = arith.mulf %gather3A_387, %select_n3A_126 : vector<16xf32>
        tpu.vector_store_idx %arg25[%add3A_75, %broadcast_in_dim3A_386], %mul3A_388 : memref<80x112xf32, #tpu.memory_space<vmem>>[vector<16xi32>, vector<16xi32>], vector<16xf32>,
        %broadcast_in_dim3A_389 = arith.constant 66 : i32
        %broadcast_in_dim3A_390 = vector.broadcast %broadcast_in_dim3A_389 : i32 to vector<16xi32>
        %gather3A_391 = tpu.vector_load_idx %arg25[%add3A_75, %broadcast_in_dim3A_390] : memref<80x112xf32, #tpu.memory_space<vmem>>[vector<16xi32>, vector<16xi32>], vector<16xf32>,
        %mul3A_392 = arith.mulf %gather3A_391, %select_n3A_126 : vector<16xf32>
        tpu.vector_store_idx %arg25[%add3A_75, %broadcast_in_dim3A_390], %mul3A_392 : memref<80x112xf32, #tpu.memory_space<vmem>>[vector<16xi32>, vector<16xi32>], vector<16xf32>,
        %broadcast_in_dim3A_393 = arith.constant 67 : i32
        %broadcast_in_dim3A_394 = vector.broadcast %broadcast_in_dim3A_393 : i32 to vector<16xi32>
        %gather3A_395 = tpu.vector_load_idx %arg25[%add3A_75, %broadcast_in_dim3A_394] : memref<80x112xf32, #tpu.memory_space<vmem>>[vector<16xi32>, vector<16xi32>], vector<16xf32>,
        %mul3A_396 = arith.mulf %gather3A_395, %select_n3A_126 : vector<16xf32>
        tpu.vector_store_idx %arg25[%add3A_75, %broadcast_in_dim3A_394], %mul3A_396 : memref<80x112xf32, #tpu.memory_space<vmem>>[vector<16xi32>, vector<16xi32>], vector<16xf32>,
        %broadcast_in_dim3A_397 = arith.constant 68 : i32
        %broadcast_in_dim3A_398 = vector.broadcast %broadcast_in_dim3A_397 : i32 to vector<16xi32>
        %gather3A_399 = tpu.vector_load_idx %arg25[%add3A_75, %broadcast_in_dim3A_398] : memref<80x112xf32, #tpu.memory_space<vmem>>[vector<16xi32>, vector<16xi32>], vector<16xf32>,
        %mul3A_400 = arith.mulf %gather3A_399, %select_n3A_126 : vector<16xf32>
        tpu.vector_store_idx %arg25[%add3A_75, %broadcast_in_dim3A_398], %mul3A_400 : memref<80x112xf32, #tpu.memory_space<vmem>>[vector<16xi32>, vector<16xi32>], vector<16xf32>,
        %broadcast_in_dim3A_401 = arith.constant 69 : i32
        %broadcast_in_dim3A_402 = vector.broadcast %broadcast_in_dim3A_401 : i32 to vector<16xi32>
        %gather3A_403 = tpu.vector_load_idx %arg25[%add3A_75, %broadcast_in_dim3A_402] : memref<80x112xf32, #tpu.memory_space<vmem>>[vector<16xi32>, vector<16xi32>], vector<16xf32>,
        %mul3A_404 = arith.mulf %gather3A_403, %select_n3A_126 : vector<16xf32>
        tpu.vector_store_idx %arg25[%add3A_75, %broadcast_in_dim3A_402], %mul3A_404 : memref<80x112xf32, #tpu.memory_space<vmem>>[vector<16xi32>, vector<16xi32>], vector<16xf32>,
        %broadcast_in_dim3A_405 = arith.constant 70 : i32
        %broadcast_in_dim3A_406 = vector.broadcast %broadcast_in_dim3A_405 : i32 to vector<16xi32>
        %gather3A_407 = tpu.vector_load_idx %arg25[%add3A_75, %broadcast_in_dim3A_406] : memref<80x112xf32, #tpu.memory_space<vmem>>[vector<16xi32>, vector<16xi32>], vector<16xf32>,
        %mul3A_408 = arith.mulf %gather3A_407, %select_n3A_126 : vector<16xf32>
        tpu.vector_store_idx %arg25[%add3A_75, %broadcast_in_dim3A_406], %mul3A_408 : memref<80x112xf32, #tpu.memory_space<vmem>>[vector<16xi32>, vector<16xi32>], vector<16xf32>,
        %broadcast_in_dim3A_409 = arith.constant 71 : i32
        %broadcast_in_dim3A_410 = vector.broadcast %broadcast_in_dim3A_409 : i32 to vector<16xi32>
        %gather3A_411 = tpu.vector_load_idx %arg25[%add3A_75, %broadcast_in_dim3A_410] : memref<80x112xf32, #tpu.memory_space<vmem>>[vector<16xi32>, vector<16xi32>], vector<16xf32>,
        %mul3A_412 = arith.mulf %gather3A_411, %select_n3A_126 : vector<16xf32>
        tpu.vector_store_idx %arg25[%add3A_75, %broadcast_in_dim3A_410], %mul3A_412 : memref<80x112xf32, #tpu.memory_space<vmem>>[vector<16xi32>, vector<16xi32>], vector<16xf32>,
        %broadcast_in_dim3A_413 = arith.constant 72 : i32
        %broadcast_in_dim3A_414 = vector.broadcast %broadcast_in_dim3A_413 : i32 to vector<16xi32>
        %gather3A_415 = tpu.vector_load_idx %arg25[%add3A_75, %broadcast_in_dim3A_414] : memref<80x112xf32, #tpu.memory_space<vmem>>[vector<16xi32>, vector<16xi32>], vector<16xf32>,
        %mul3A_416 = arith.mulf %gather3A_415, %select_n3A_126 : vector<16xf32>
        tpu.vector_store_idx %arg25[%add3A_75, %broadcast_in_dim3A_414], %mul3A_416 : memref<80x112xf32, #tpu.memory_space<vmem>>[vector<16xi32>, vector<16xi32>], vector<16xf32>,
        %broadcast_in_dim3A_417 = arith.constant 73 : i32
        %broadcast_in_dim3A_418 = vector.broadcast %broadcast_in_dim3A_417 : i32 to vector<16xi32>
        %gather3A_419 = tpu.vector_load_idx %arg25[%add3A_75, %broadcast_in_dim3A_418] : memref<80x112xf32, #tpu.memory_space<vmem>>[vector<16xi32>, vector<16xi32>], vector<16xf32>,
        %mul3A_420 = arith.mulf %gather3A_419, %select_n3A_126 : vector<16xf32>
        tpu.vector_store_idx %arg25[%add3A_75, %broadcast_in_dim3A_418], %mul3A_420 : memref<80x112xf32, #tpu.memory_space<vmem>>[vector<16xi32>, vector<16xi32>], vector<16xf32>,
        %broadcast_in_dim3A_421 = arith.constant 74 : i32
        %broadcast_in_dim3A_422 = vector.broadcast %broadcast_in_dim3A_421 : i32 to vector<16xi32>
        %gather3A_423 = tpu.vector_load_idx %arg25[%add3A_75, %broadcast_in_dim3A_422] : memref<80x112xf32, #tpu.memory_space<vmem>>[vector<16xi32>, vector<16xi32>], vector<16xf32>,
        %mul3A_424 = arith.mulf %gather3A_423, %select_n3A_126 : vector<16xf32>
        tpu.vector_store_idx %arg25[%add3A_75, %broadcast_in_dim3A_422], %mul3A_424 : memref<80x112xf32, #tpu.memory_space<vmem>>[vector<16xi32>, vector<16xi32>], vector<16xf32>,
        %broadcast_in_dim3A_425 = arith.constant 75 : i32
        %broadcast_in_dim3A_426 = vector.broadcast %broadcast_in_dim3A_425 : i32 to vector<16xi32>
        %gather3A_427 = tpu.vector_load_idx %arg25[%add3A_75, %broadcast_in_dim3A_426] : memref<80x112xf32, #tpu.memory_space<vmem>>[vector<16xi32>, vector<16xi32>], vector<16xf32>,
        %mul3A_428 = arith.mulf %gather3A_427, %select_n3A_126 : vector<16xf32>
        tpu.vector_store_idx %arg25[%add3A_75, %broadcast_in_dim3A_426], %mul3A_428 : memref<80x112xf32, #tpu.memory_space<vmem>>[vector<16xi32>, vector<16xi32>], vector<16xf32>,
        %broadcast_in_dim3A_429 = arith.constant 76 : i32
        %broadcast_in_dim3A_430 = vector.broadcast %broadcast_in_dim3A_429 : i32 to vector<16xi32>
        %gather3A_431 = tpu.vector_load_idx %arg25[%add3A_75, %broadcast_in_dim3A_430] : memref<80x112xf32, #tpu.memory_space<vmem>>[vector<16xi32>, vector<16xi32>], vector<16xf32>,
        %mul3A_432 = arith.mulf %gather3A_431, %select_n3A_126 : vector<16xf32>
        tpu.vector_store_idx %arg25[%add3A_75, %broadcast_in_dim3A_430], %mul3A_432 : memref<80x112xf32, #tpu.memory_space<vmem>>[vector<16xi32>, vector<16xi32>], vector<16xf32>,
        %broadcast_in_dim3A_433 = arith.constant 77 : i32
        %broadcast_in_dim3A_434 = vector.broadcast %broadcast_in_dim3A_433 : i32 to vector<16xi32>
        %gather3A_435 = tpu.vector_load_idx %arg25[%add3A_75, %broadcast_in_dim3A_434] : memref<80x112xf32, #tpu.memory_space<vmem>>[vector<16xi32>, vector<16xi32>], vector<16xf32>,
        %mul3A_436 = arith.mulf %gather3A_435, %select_n3A_126 : vector<16xf32>
        tpu.vector_store_idx %arg25[%add3A_75, %broadcast_in_dim3A_434], %mul3A_436 : memref<80x112xf32, #tpu.memory_space<vmem>>[vector<16xi32>, vector<16xi32>], vector<16xf32>,
        %broadcast_in_dim3A_437 = arith.constant 78 : i32
        %broadcast_in_dim3A_438 = vector.broadcast %broadcast_in_dim3A_437 : i32 to vector<16xi32>
        %gather3A_439 = tpu.vector_load_idx %arg25[%add3A_75, %broadcast_in_dim3A_438] : memref<80x112xf32, #tpu.memory_space<vmem>>[vector<16xi32>, vector<16xi32>], vector<16xf32>,
        %mul3A_440 = arith.mulf %gather3A_439, %select_n3A_126 : vector<16xf32>
        tpu.vector_store_idx %arg25[%add3A_75, %broadcast_in_dim3A_438], %mul3A_440 : memref<80x112xf32, #tpu.memory_space<vmem>>[vector<16xi32>, vector<16xi32>], vector<16xf32>,
        %broadcast_in_dim3A_441 = arith.constant 79 : i32
        %broadcast_in_dim3A_442 = vector.broadcast %broadcast_in_dim3A_441 : i32 to vector<16xi32>
        %gather3A_443 = tpu.vector_load_idx %arg25[%add3A_75, %broadcast_in_dim3A_442] : memref<80x112xf32, #tpu.memory_space<vmem>>[vector<16xi32>, vector<16xi32>], vector<16xf32>,
        %mul3A_444 = arith.mulf %gather3A_443, %select_n3A_126 : vector<16xf32>
        tpu.vector_store_idx %arg25[%add3A_75, %broadcast_in_dim3A_442], %mul3A_444 : memref<80x112xf32, #tpu.memory_space<vmem>>[vector<16xi32>, vector<16xi32>], vector<16xf32>,
        %broadcast_in_dim3A_445 = arith.constant 80 : i32
        %broadcast_in_dim3A_446 = vector.broadcast %broadcast_in_dim3A_445 : i32 to vector<16xi32>
        %gather3A_447 = tpu.vector_load_idx %arg25[%add3A_75, %broadcast_in_dim3A_446] : memref<80x112xf32, #tpu.memory_space<vmem>>[vector<16xi32>, vector<16xi32>], vector<16xf32>,
        %mul3A_448 = arith.mulf %gather3A_447, %select_n3A_126 : vector<16xf32>
        tpu.vector_store_idx %arg25[%add3A_75, %broadcast_in_dim3A_446], %mul3A_448 : memref<80x112xf32, #tpu.memory_space<vmem>>[vector<16xi32>, vector<16xi32>], vector<16xf32>,
        %broadcast_in_dim3A_449 = arith.constant 81 : i32
        %broadcast_in_dim3A_450 = vector.broadcast %broadcast_in_dim3A_449 : i32 to vector<16xi32>
        %gather3A_451 = tpu.vector_load_idx %arg25[%add3A_75, %broadcast_in_dim3A_450] : memref<80x112xf32, #tpu.memory_space<vmem>>[vector<16xi32>, vector<16xi32>], vector<16xf32>,
        %mul3A_452 = arith.mulf %gather3A_451, %select_n3A_126 : vector<16xf32>
        tpu.vector_store_idx %arg25[%add3A_75, %broadcast_in_dim3A_450], %mul3A_452 : memref<80x112xf32, #tpu.memory_space<vmem>>[vector<16xi32>, vector<16xi32>], vector<16xf32>,
        %broadcast_in_dim3A_453 = arith.constant 82 : i32
        %broadcast_in_dim3A_454 = vector.broadcast %broadcast_in_dim3A_453 : i32 to vector<16xi32>
        %gather3A_455 = tpu.vector_load_idx %arg25[%add3A_75, %broadcast_in_dim3A_454] : memref<80x112xf32, #tpu.memory_space<vmem>>[vector<16xi32>, vector<16xi32>], vector<16xf32>,
        %mul3A_456 = arith.mulf %gather3A_455, %select_n3A_126 : vector<16xf32>
        tpu.vector_store_idx %arg25[%add3A_75, %broadcast_in_dim3A_454], %mul3A_456 : memref<80x112xf32, #tpu.memory_space<vmem>>[vector<16xi32>, vector<16xi32>], vector<16xf32>,
        %broadcast_in_dim3A_457 = arith.constant 83 : i32
        %broadcast_in_dim3A_458 = vector.broadcast %broadcast_in_dim3A_457 : i32 to vector<16xi32>
        %gather3A_459 = tpu.vector_load_idx %arg25[%add3A_75, %broadcast_in_dim3A_458] : memref<80x112xf32, #tpu.memory_space<vmem>>[vector<16xi32>, vector<16xi32>], vector<16xf32>,
        %mul3A_460 = arith.mulf %gather3A_459, %select_n3A_126 : vector<16xf32>
        tpu.vector_store_idx %arg25[%add3A_75, %broadcast_in_dim3A_458], %mul3A_460 : memref<80x112xf32, #tpu.memory_space<vmem>>[vector<16xi32>, vector<16xi32>], vector<16xf32>,
        %broadcast_in_dim3A_461 = arith.constant 84 : i32
        %broadcast_in_dim3A_462 = vector.broadcast %broadcast_in_dim3A_461 : i32 to vector<16xi32>
        %gather3A_463 = tpu.vector_load_idx %arg25[%add3A_75, %broadcast_in_dim3A_462] : memref<80x112xf32, #tpu.memory_space<vmem>>[vector<16xi32>, vector<16xi32>], vector<16xf32>,
        %mul3A_464 = arith.mulf %gather3A_463, %select_n3A_126 : vector<16xf32>
        tpu.vector_store_idx %arg25[%add3A_75, %broadcast_in_dim3A_462], %mul3A_464 : memref<80x112xf32, #tpu.memory_space<vmem>>[vector<16xi32>, vector<16xi32>], vector<16xf32>,
        %broadcast_in_dim3A_465 = arith.constant 85 : i32
        %broadcast_in_dim3A_466 = vector.broadcast %broadcast_in_dim3A_465 : i32 to vector<16xi32>
        %gather3A_467 = tpu.vector_load_idx %arg25[%add3A_75, %broadcast_in_dim3A_466] : memref<80x112xf32, #tpu.memory_space<vmem>>[vector<16xi32>, vector<16xi32>], vector<16xf32>,
        %mul3A_468 = arith.mulf %gather3A_467, %select_n3A_126 : vector<16xf32>
        tpu.vector_store_idx %arg25[%add3A_75, %broadcast_in_dim3A_466], %mul3A_468 : memref<80x112xf32, #tpu.memory_space<vmem>>[vector<16xi32>, vector<16xi32>], vector<16xf32>,
        %broadcast_in_dim3A_469 = arith.constant 86 : i32
        %broadcast_in_dim3A_470 = vector.broadcast %broadcast_in_dim3A_469 : i32 to vector<16xi32>
        %gather3A_471 = tpu.vector_load_idx %arg25[%add3A_75, %broadcast_in_dim3A_470] : memref<80x112xf32, #tpu.memory_space<vmem>>[vector<16xi32>, vector<16xi32>], vector<16xf32>,
        %mul3A_472 = arith.mulf %gather3A_471, %select_n3A_126 : vector<16xf32>
        tpu.vector_store_idx %arg25[%add3A_75, %broadcast_in_dim3A_470], %mul3A_472 : memref<80x112xf32, #tpu.memory_space<vmem>>[vector<16xi32>, vector<16xi32>], vector<16xf32>,
        %broadcast_in_dim3A_473 = arith.constant 87 : i32
        %broadcast_in_dim3A_474 = vector.broadcast %broadcast_in_dim3A_473 : i32 to vector<16xi32>
        %gather3A_475 = tpu.vector_load_idx %arg25[%add3A_75, %broadcast_in_dim3A_474] : memref<80x112xf32, #tpu.memory_space<vmem>>[vector<16xi32>, vector<16xi32>], vector<16xf32>,
        %mul3A_476 = arith.mulf %gather3A_475, %select_n3A_126 : vector<16xf32>
        tpu.vector_store_idx %arg25[%add3A_75, %broadcast_in_dim3A_474], %mul3A_476 : memref<80x112xf32, #tpu.memory_space<vmem>>[vector<16xi32>, vector<16xi32>], vector<16xf32>,
        %broadcast_in_dim3A_477 = arith.constant 88 : i32
        %broadcast_in_dim3A_478 = vector.broadcast %broadcast_in_dim3A_477 : i32 to vector<16xi32>
        %gather3A_479 = tpu.vector_load_idx %arg25[%add3A_75, %broadcast_in_dim3A_478] : memref<80x112xf32, #tpu.memory_space<vmem>>[vector<16xi32>, vector<16xi32>], vector<16xf32>,
        %mul3A_480 = arith.mulf %gather3A_479, %select_n3A_126 : vector<16xf32>
        tpu.vector_store_idx %arg25[%add3A_75, %broadcast_in_dim3A_478], %mul3A_480 : memref<80x112xf32, #tpu.memory_space<vmem>>[vector<16xi32>, vector<16xi32>], vector<16xf32>,
        %broadcast_in_dim3A_481 = arith.constant 89 : i32
        %broadcast_in_dim3A_482 = vector.broadcast %broadcast_in_dim3A_481 : i32 to vector<16xi32>
        %gather3A_483 = tpu.vector_load_idx %arg25[%add3A_75, %broadcast_in_dim3A_482] : memref<80x112xf32, #tpu.memory_space<vmem>>[vector<16xi32>, vector<16xi32>], vector<16xf32>,
        %mul3A_484 = arith.mulf %gather3A_483, %select_n3A_126 : vector<16xf32>
        tpu.vector_store_idx %arg25[%add3A_75, %broadcast_in_dim3A_482], %mul3A_484 : memref<80x112xf32, #tpu.memory_space<vmem>>[vector<16xi32>, vector<16xi32>], vector<16xf32>,
        %broadcast_in_dim3A_485 = arith.constant 90 : i32
        %broadcast_in_dim3A_486 = vector.broadcast %broadcast_in_dim3A_485 : i32 to vector<16xi32>
        %gather3A_487 = tpu.vector_load_idx %arg25[%add3A_75, %broadcast_in_dim3A_486] : memref<80x112xf32, #tpu.memory_space<vmem>>[vector<16xi32>, vector<16xi32>], vector<16xf32>,
        %mul3A_488 = arith.mulf %gather3A_487, %select_n3A_126 : vector<16xf32>
        tpu.vector_store_idx %arg25[%add3A_75, %broadcast_in_dim3A_486], %mul3A_488 : memref<80x112xf32, #tpu.memory_space<vmem>>[vector<16xi32>, vector<16xi32>], vector<16xf32>,
        %broadcast_in_dim3A_489 = arith.constant 91 : i32
        %broadcast_in_dim3A_490 = vector.broadcast %broadcast_in_dim3A_489 : i32 to vector<16xi32>
        %gather3A_491 = tpu.vector_load_idx %arg25[%add3A_75, %broadcast_in_dim3A_490] : memref<80x112xf32, #tpu.memory_space<vmem>>[vector<16xi32>, vector<16xi32>], vector<16xf32>,
        %mul3A_492 = arith.mulf %gather3A_491, %select_n3A_126 : vector<16xf32>
        tpu.vector_store_idx %arg25[%add3A_75, %broadcast_in_dim3A_490], %mul3A_492 : memref<80x112xf32, #tpu.memory_space<vmem>>[vector<16xi32>, vector<16xi32>], vector<16xf32>,
        %broadcast_in_dim3A_493 = arith.constant 92 : i32
        %broadcast_in_dim3A_494 = vector.broadcast %broadcast_in_dim3A_493 : i32 to vector<16xi32>
        %gather3A_495 = tpu.vector_load_idx %arg25[%add3A_75, %broadcast_in_dim3A_494] : memref<80x112xf32, #tpu.memory_space<vmem>>[vector<16xi32>, vector<16xi32>], vector<16xf32>,
        %mul3A_496 = arith.mulf %gather3A_495, %select_n3A_126 : vector<16xf32>
        tpu.vector_store_idx %arg25[%add3A_75, %broadcast_in_dim3A_494], %mul3A_496 : memref<80x112xf32, #tpu.memory_space<vmem>>[vector<16xi32>, vector<16xi32>], vector<16xf32>,
        %broadcast_in_dim3A_497 = arith.constant 93 : i32
        %broadcast_in_dim3A_498 = vector.broadcast %broadcast_in_dim3A_497 : i32 to vector<16xi32>
        %gather3A_499 = tpu.vector_load_idx %arg25[%add3A_75, %broadcast_in_dim3A_498] : memref<80x112xf32, #tpu.memory_space<vmem>>[vector<16xi32>, vector<16xi32>], vector<16xf32>,
        %mul3A_500 = arith.mulf %gather3A_499, %select_n3A_126 : vector<16xf32>
        tpu.vector_store_idx %arg25[%add3A_75, %broadcast_in_dim3A_498], %mul3A_500 : memref<80x112xf32, #tpu.memory_space<vmem>>[vector<16xi32>, vector<16xi32>], vector<16xf32>,
        %broadcast_in_dim3A_501 = arith.constant 94 : i32
        %broadcast_in_dim3A_502 = vector.broadcast %broadcast_in_dim3A_501 : i32 to vector<16xi32>
        %gather3A_503 = tpu.vector_load_idx %arg25[%add3A_75, %broadcast_in_dim3A_502] : memref<80x112xf32, #tpu.memory_space<vmem>>[vector<16xi32>, vector<16xi32>], vector<16xf32>,
        %mul3A_504 = arith.mulf %gather3A_503, %select_n3A_126 : vector<16xf32>
        tpu.vector_store_idx %arg25[%add3A_75, %broadcast_in_dim3A_502], %mul3A_504 : memref<80x112xf32, #tpu.memory_space<vmem>>[vector<16xi32>, vector<16xi32>], vector<16xf32>,
        %broadcast_in_dim3A_505 = arith.constant 95 : i32
        %broadcast_in_dim3A_506 = vector.broadcast %broadcast_in_dim3A_505 : i32 to vector<16xi32>
        %gather3A_507 = tpu.vector_load_idx %arg25[%add3A_75, %broadcast_in_dim3A_506] : memref<80x112xf32, #tpu.memory_space<vmem>>[vector<16xi32>, vector<16xi32>], vector<16xf32>,
        %mul3A_508 = arith.mulf %gather3A_507, %select_n3A_126 : vector<16xf32>
        tpu.vector_store_idx %arg25[%add3A_75, %broadcast_in_dim3A_506], %mul3A_508 : memref<80x112xf32, #tpu.memory_space<vmem>>[vector<16xi32>, vector<16xi32>], vector<16xf32>,
        %broadcast_in_dim3A_509 = arith.constant 96 : i32
        %broadcast_in_dim3A_510 = vector.broadcast %broadcast_in_dim3A_509 : i32 to vector<16xi32>
        tpu.vector_store_idx %arg25[%add3A_75, %broadcast_in_dim3A_510], %exp3A : memref<80x112xf32, #tpu.memory_space<vmem>>[vector<16xi32>, vector<16xi32>], vector<16xf32>,
        %broadcast_in_dim3A_511 = arith.constant 97 : i32
        %broadcast_in_dim3A_512 = vector.broadcast %broadcast_in_dim3A_511 : i32 to vector<16xi32>
        tpu.vector_store_idx %arg25[%add3A_75, %broadcast_in_dim3A_512], %exp3A_105 : memref<80x112xf32, #tpu.memory_space<vmem>>[vector<16xi32>, vector<16xi32>], vector<16xf32>,
        %broadcast_in_dim3A_513 = arith.constant 98 : i32
        %broadcast_in_dim3A_514 = vector.broadcast %broadcast_in_dim3A_513 : i32 to vector<16xi32>
        tpu.vector_store_idx %arg25[%add3A_75, %broadcast_in_dim3A_514], %exp3A_122 : memref<80x112xf32, #tpu.memory_space<vmem>>[vector<16xi32>, vector<16xi32>], vector<16xf32>,
      }
      %scan3A_70 = arith.constant 5 : i32
      "tpu.region"() ({
        %run_scoped3A = tpu.sem_alloc : memref<!tpu.dma_semaphore, #tpu.memory_space<semaphore_mem>>
        %dma_start3A_71 = arith.constant 0 : i32
        %dma_start3A_72 = arith.constant 0 : i32
        %dma_start3A_73 = tpu.memref_slice %arg26[%dma_start3A_71, %dma_start3A_72] : memref<10000x112xf32, #tpu.memory_space<vmem_shared>> -> memref<10000x112xf32, #tpu.memory_space<vmem_shared>>
        tpu.enqueue_indirect_dma source(%arg25 : memref<80x112xf32, #tpu.memory_space<vmem>>) target(%dma_start3A_73 : memref<10000x112xf32, #tpu.memory_space<vmem_shared>>) offsets(%arg11 : memref<80xi32, #tpu.memory_space<vmem>>) semaphore(%run_scoped3A : memref<!tpu.dma_semaphore, #tpu.memory_space<semaphore_mem>>) {add = true}
        %dma_wait3A_74 = arith.constant 0 : i32
        %dma_wait3A_75 = arith.constant 0 : i32
        %dma_wait3A_76 = tpu.memref_slice %arg26[%dma_wait3A_74, %dma_wait3A_75] : memref<10000x112xf32, #tpu.memory_space<vmem_shared>> -> memref<10000x112xf32, #tpu.memory_space<vmem_shared>>
        tpu.wait_indirect_dma semaphore(%run_scoped3A : memref<!tpu.dma_semaphore, #tpu.memory_space<semaphore_mem>>) src(%arg25 : memref<80x112xf32, #tpu.memory_space<vmem>>) dst(%dma_wait3A_76 : memref<10000x112xf32, #tpu.memory_space<vmem_shared>>)
        tpu.yield
      }) : () -> ()
    }
    %scan3A_6 = arith.constant 250 : i32
    %barrier3A_7 = arith.constant 0 : index
    tpu.barrier barrier_id(%barrier3A_7)
    %mul3A_8 = arith.constant 10000 : i32
    %mul3A_9 = arith.muli %arg0, %mul3A_8 : i32
    %add3A_10 = arith.addi %mul3A_9, %mul3A_0 : i32
    "tpu.region"() ({
      %run_scoped3A = tpu.sem_alloc : memref<!tpu.dma_semaphore, #tpu.memory_space<semaphore_mem>>
      %dma_start3A = arith.constant 0 : i32
      %dma_start3A_11 = tpu.memref_slice %arg10[%add3A_10, %dma_start3A] : memref<20000x112xf32, #tpu.memory_space<hbm>> -> memref<625x112xf32, #tpu.memory_space<hbm>>
      %dma_start3A_12 = arith.constant 0 : i32
      %dma_start3A_13 = tpu.memref_slice %arg26[%mul3A_0, %dma_start3A_12] : memref<10000x112xf32, #tpu.memory_space<vmem_shared>> -> memref<625x112xf32, #tpu.memory_space<vmem_shared>>
      tpu.enqueue_dma source(%dma_start3A_13 : memref<625x112xf32, #tpu.memory_space<vmem_shared>>) target(%dma_start3A_11 : memref<625x112xf32, #tpu.memory_space<hbm>>) target_semaphore(%run_scoped3A : memref<!tpu.dma_semaphore, #tpu.memory_space<semaphore_mem>>)
      %dma_wait3A = arith.constant 0 : i32
      %dma_wait3A_14 = tpu.memref_slice %arg10[%add3A_10, %dma_wait3A] : memref<20000x112xf32, #tpu.memory_space<hbm>> -> memref<625x112xf32, #tpu.memory_space<hbm>>
      %dma_wait3A_15 = arith.constant 0 : i32
      %dma_wait3A_16 = tpu.memref_slice %arg26[%mul3A_0, %dma_wait3A_15] : memref<10000x112xf32, #tpu.memory_space<vmem_shared>> -> memref<625x112xf32, #tpu.memory_space<vmem_shared>>
      tpu.wait_dma2 semaphore(%run_scoped3A : memref<!tpu.dma_semaphore, #tpu.memory_space<semaphore_mem>>) src(%dma_wait3A_16 : memref<625x112xf32, #tpu.memory_space<vmem_shared>>) dst(%dma_wait3A_14 : memref<625x112xf32, #tpu.memory_space<hbm>>)
      tpu.yield
    }) : () -> ()
    return
  }
}

module attributes {stable_mosaic.version = 14 : i64} {
  func.func @_tc_pre(%arg0: i32, %arg1: memref<1000x128xf32, #tpu.memory_space<vmem>>, %arg2: memref<128x192xf32, #tpu.memory_space<vmem>>, %arg3: memref<3x64xf32, #tpu.memory_space<vmem>>, %arg4: memref<3x64xf32, #tpu.memory_space<vmem>>, %arg5: memref<128x128xf32, #tpu.memory_space<vmem>>, %arg6: memref<1x128xf32, #tpu.memory_space<vmem>>, %arg7: memref<2x1000x112xf32, #tpu.memory_space<vmem>>, %arg8: memref<1x1x3000xf32, #tpu.memory_space<vmem>>, %arg9: memref<1x1x3000xf32, #tpu.memory_space<vmem>>, %arg10: memref<2x1000x112xf32, #tpu.memory_space<vmem>>, %arg11: memref<1000x128xf32, #tpu.memory_space<vmem>>) attributes {dimension_semantics = [#tpu.dimension_semantics<arbitrary>], iteration_bounds = array<i64: 10>, scalar_prefetch = 0 : i64, scratch_operands = 0 : i64, tpu.core_type = #tpu.core_type<tc>, window_params = [{transform_indices = @transform_0, window_bounds = array<i64: 1000, 128>}, {pipeline_mode = #tpu.pipeline_mode<synchronous>, transform_indices = @transform_1, window_bounds = array<i64: 128, 192>}, {pipeline_mode = #tpu.pipeline_mode<synchronous>, transform_indices = @transform_2, window_bounds = array<i64: 3, 64>}, {pipeline_mode = #tpu.pipeline_mode<synchronous>, transform_indices = @transform_3, window_bounds = array<i64: 3, 64>}, {pipeline_mode = #tpu.pipeline_mode<synchronous>, transform_indices = @transform_4, window_bounds = array<i64: 128, 128>}, {pipeline_mode = #tpu.pipeline_mode<synchronous>, transform_indices = @transform_5, window_bounds = array<i64: 1, 128>}, {transform_indices = @transform_6, window_bounds = array<i64: 2, 1000, 112>}, {transform_indices = @transform_7, window_bounds = array<i64: 1, 1, 3000>}, {transform_indices = @transform_8, window_bounds = array<i64: 1, 1, 3000>}, {transform_indices = @transform_9, window_bounds = array<i64: 2, 1000, 112>}, {transform_indices = @transform_10, window_bounds = array<i64: 1000, 128>}]} {
    %get3A = arith.constant 0 : index
    %get3A_0 = arith.constant 0 : index
    %get3A_1 = vector.load %arg1[%get3A, %get3A_0] : memref<1000x128xf32, #tpu.memory_space<vmem>>, vector<1000x128xf32>
    %get3A_2 = arith.constant 0 : index
    %get3A_3 = arith.constant 0 : index
    %get3A_4 = vector.load %arg2[%get3A_2, %get3A_3] : memref<128x192xf32, #tpu.memory_space<vmem>>, vector<128x192xf32>
    %dot_general3A = arith.constant dense<0.000000e+00> : vector<1000x192xf32>
    %dot_general3A_5 = tpu.matmul %get3A_1, %get3A_4, %dot_general3A {dimension_numbers = #tpu.dot_dimension_numbers<[1], [0], [0], [1], [0, 0, 1, 1], [], []>, transpose_lhs_hint = false} : vector<1000x128xf32>, vector<128x192xf32>, vector<1000x192xf32> -> vector<1000x192xf32>
    %reshape3A = vector.shape_cast %dot_general3A_5 : vector<1000x192xf32> to vector<1000x3x64xf32>
    %get3A_6 = arith.constant 0 : index
    %get3A_7 = arith.constant 0 : index
    %get3A_8 = vector.load %arg3[%get3A_6, %get3A_7] : memref<3x64xf32, #tpu.memory_space<vmem>>, vector<3x64xf32>
    %broadcast_in_dim3A = vector.shape_cast %get3A_8 : vector<3x64xf32> to vector<1x3x64xf32>
    %mul3A = vector.broadcast %broadcast_in_dim3A : vector<1x3x64xf32> to vector<1000x3x64xf32>
    %mul3A_9 = arith.mulf %reshape3A, %mul3A : vector<1000x3x64xf32>
    %reduce_sum3A = arith.constant dense<0.000000e+00> : vector<1000x3xf32>
    %reduce_sum3A_10 = vector.multi_reduction <add>, %mul3A_9, %reduce_sum3A [2] : vector<1000x3x64xf32> to vector<1000x3xf32>
    %get3A_11 = arith.constant 0 : index
    %get3A_12 = arith.constant 0 : index
    %get3A_13 = vector.load %arg4[%get3A_11, %get3A_12] : memref<3x64xf32, #tpu.memory_space<vmem>>, vector<3x64xf32>
    %broadcast_in_dim3A_14 = vector.shape_cast %get3A_13 : vector<3x64xf32> to vector<1x3x64xf32>
    %mul3A_15 = vector.broadcast %broadcast_in_dim3A_14 : vector<1x3x64xf32> to vector<1000x3x64xf32>
    %mul3A_16 = arith.mulf %reshape3A, %mul3A_15 : vector<1000x3x64xf32>
    %reduce_sum3A_17 = arith.constant dense<0.000000e+00> : vector<1000x3xf32>
    %reduce_sum3A_18 = vector.multi_reduction <add>, %mul3A_16, %reduce_sum3A_17 [2] : vector<1000x3x64xf32> to vector<1000x3xf32>
    %add3A = arith.addf %reduce_sum3A_10, %reduce_sum3A_18 : vector<1000x3xf32>
    %ge3A = arith.constant 0.000000e+00 : f32
    %ge3A_19 = vector.broadcast %ge3A : f32 to vector<1000x3xf32>
    %ge3A_20 = arith.cmpf oge, %add3A, %ge3A_19 : vector<1000x3xf32>
    %mul3A_21 = arith.constant 2.000000e-01 : f32
    %mul3A_22 = vector.broadcast %mul3A_21 : f32 to vector<1000x3xf32>
    %mul3A_23 = arith.mulf %mul3A_22, %add3A : vector<1000x3xf32>
    %select_n3A = arith.select %ge3A_20, %add3A, %mul3A_23 : vector<1000x3xi1>, vector<1000x3xf32>
    %exp3A = math.exp %select_n3A : vector<1000x3xf32>
    %broadcast_in_dim3A_24 = arith.constant 0.000000e+00 : f32
    %broadcast_in_dim3A_25 = vector.broadcast %broadcast_in_dim3A_24 : f32 to vector<1000x16xf32>
    %broadcast_in_dim3A_26 = arith.constant 0.000000e+00 : f32
    %broadcast_in_dim3A_27 = vector.broadcast %broadcast_in_dim3A_26 : f32 to vector<1000x13xf32>
    %slice3A = vector.extract_strided_slice %dot_general3A_5 {offsets = [0, 0], sizes = [1000, 96], strides = [1, 1]} : vector<1000x192xf32> to vector<1000x96xf32>
    %concatenate3A = tpu.concatenate %slice3A, %broadcast_in_dim3A_25 in 1 : vector<1000x96xf32>, vector<1000x16xf32> -> vector<1000x112xf32>
    %slice3A_28 = vector.extract_strided_slice %dot_general3A_5 {offsets = [0, 96], sizes = [1000, 96], strides = [1, 1]} : vector<1000x192xf32> to vector<1000x96xf32>
    %concatenate3A_29 = tpu.concatenate %slice3A_28, %broadcast_in_dim3A_25 in 1 : vector<1000x96xf32>, vector<1000x16xf32> -> vector<1000x112xf32>
    %stack3A = vector.shape_cast %concatenate3A : vector<1000x112xf32> to vector<1x1000x112xf32>
    %stack3A_30 = vector.shape_cast %concatenate3A_29 : vector<1000x112xf32> to vector<1x1000x112xf32>
    %stack3A_31 = tpu.concatenate %stack3A, %stack3A_30 in 0 : vector<1x1000x112xf32>, vector<1x1000x112xf32> -> vector<2x1000x112xf32>
    %swap3A = arith.constant 0 : index
    %swap3A_32 = arith.constant 0 : index
    %swap3A_33 = arith.constant 0 : index
    %swap3A_34 = vector.load %arg7[%swap3A, %swap3A_32, %swap3A_33] : memref<2x1000x112xf32, #tpu.memory_space<vmem>>, vector<2x1000x112xf32>
    tpu.vector_store %arg7[%swap3A, %swap3A_32, %swap3A_33], %stack3A_31 {strides = array<i32>} : memref<2x1000x112xf32, #tpu.memory_space<vmem>>, vector<2x1000x112xf32>,
    %reshape3A_35 = vector.shape_cast %reduce_sum3A_10 : vector<1000x3xf32> to vector<1x1x3000xf32>
    %swap3A_36 = arith.constant 0 : index
    %swap3A_37 = arith.constant 0 : index
    %swap3A_38 = arith.constant 0 : index
    %swap3A_39 = vector.load %arg8[%swap3A_36, %swap3A_37, %swap3A_38] : memref<1x1x3000xf32, #tpu.memory_space<vmem>>, vector<1x1x3000xf32>
    tpu.vector_store %arg8[%swap3A_36, %swap3A_37, %swap3A_38], %reshape3A_35 {strides = array<i32>} : memref<1x1x3000xf32, #tpu.memory_space<vmem>>, vector<1x1x3000xf32>,
    %reshape3A_40 = vector.shape_cast %reduce_sum3A_18 : vector<1000x3xf32> to vector<1x1x3000xf32>
    %swap3A_41 = arith.constant 0 : index
    %swap3A_42 = arith.constant 0 : index
    %swap3A_43 = arith.constant 0 : index
    %swap3A_44 = vector.load %arg9[%swap3A_41, %swap3A_42, %swap3A_43] : memref<1x1x3000xf32, #tpu.memory_space<vmem>>, vector<1x1x3000xf32>
    tpu.vector_store %arg9[%swap3A_41, %swap3A_42, %swap3A_43], %reshape3A_40 {strides = array<i32>} : memref<1x1x3000xf32, #tpu.memory_space<vmem>>, vector<1x1x3000xf32>,
    %broadcast_in_dim3A_45 = vector.shape_cast %exp3A : vector<1000x3xf32> to vector<1000x3x1xf32>
    %mul3A_46 = vector.broadcast %broadcast_in_dim3A_45 : vector<1000x3x1xf32> to vector<1000x3x64xf32>
    %mul3A_47 = arith.mulf %reshape3A, %mul3A_46 : vector<1000x3x64xf32>
    %reshape3A_48 = vector.shape_cast %mul3A_47 : vector<1000x3x64xf32> to vector<1000x192xf32>
    %slice3A_49 = vector.extract_strided_slice %reshape3A_48 {offsets = [0, 0], sizes = [1000, 96], strides = [1, 1]} : vector<1000x192xf32> to vector<1000x96xf32>
    %concatenate3A_50 = tpu.concatenate %slice3A_49, %exp3A, %broadcast_in_dim3A_27 in 1 : vector<1000x96xf32>, vector<1000x3xf32>, vector<1000x13xf32> -> vector<1000x112xf32>
    %slice3A_51 = vector.extract_strided_slice %reshape3A_48 {offsets = [0, 96], sizes = [1000, 96], strides = [1, 1]} : vector<1000x192xf32> to vector<1000x96xf32>
    %concatenate3A_52 = tpu.concatenate %slice3A_51, %exp3A, %broadcast_in_dim3A_27 in 1 : vector<1000x96xf32>, vector<1000x3xf32>, vector<1000x13xf32> -> vector<1000x112xf32>
    %stack3A_53 = vector.shape_cast %concatenate3A_50 : vector<1000x112xf32> to vector<1x1000x112xf32>
    %stack3A_54 = vector.shape_cast %concatenate3A_52 : vector<1000x112xf32> to vector<1x1000x112xf32>
    %stack3A_55 = tpu.concatenate %stack3A_53, %stack3A_54 in 0 : vector<1x1000x112xf32>, vector<1x1000x112xf32> -> vector<2x1000x112xf32>
    %swap3A_56 = arith.constant 0 : index
    %swap3A_57 = arith.constant 0 : index
    %swap3A_58 = arith.constant 0 : index
    %swap3A_59 = vector.load %arg10[%swap3A_56, %swap3A_57, %swap3A_58] : memref<2x1000x112xf32, #tpu.memory_space<vmem>>, vector<2x1000x112xf32>
    tpu.vector_store %arg10[%swap3A_56, %swap3A_57, %swap3A_58], %stack3A_55 {strides = array<i32>} : memref<2x1000x112xf32, #tpu.memory_space<vmem>>, vector<2x1000x112xf32>,
    %get3A_60 = arith.constant 0 : index
    %get3A_61 = arith.constant 0 : index
    %get3A_62 = vector.load %arg5[%get3A_60, %get3A_61] : memref<128x128xf32, #tpu.memory_space<vmem>>, vector<128x128xf32>
    %dot_general3A_63 = arith.constant dense<0.000000e+00> : vector<1000x128xf32>
    %dot_general3A_64 = tpu.matmul %get3A_1, %get3A_62, %dot_general3A_63 {dimension_numbers = #tpu.dot_dimension_numbers<[1], [0], [0], [1], [0, 0, 1, 1], [], []>, transpose_lhs_hint = false} : vector<1000x128xf32>, vector<128x128xf32>, vector<1000x128xf32> -> vector<1000x128xf32>
    %get3A_65 = arith.constant 0 : index
    %get3A_66 = arith.constant 0 : index
    %get3A_67 = vector.load %arg6[%get3A_65, %get3A_66] : memref<1x128xf32, #tpu.memory_space<vmem>>, vector<1x128xf32>
    %add3A_68 = vector.broadcast %get3A_67 : vector<1x128xf32> to vector<1000x128xf32>
    %add3A_69 = arith.addf %dot_general3A_64, %add3A_68 : vector<1000x128xf32>
    %swap3A_70 = arith.constant 0 : index
    %swap3A_71 = arith.constant 0 : index
    %swap3A_72 = vector.load %arg11[%swap3A_70, %swap3A_71] : memref<1000x128xf32, #tpu.memory_space<vmem>>, vector<1000x128xf32>
    tpu.vector_store %arg11[%swap3A_70, %swap3A_71], %add3A_69 {strides = array<i32>} : memref<1000x128xf32, #tpu.memory_space<vmem>>, vector<1000x128xf32>,
    return
  }
  func.func @transform_0(%arg0: i32) -> (i32, i32) {
    %c0_i32 = arith.constant 0 : i32
    %c0_i32_0 = arith.constant 0 : i32
    return %arg0, %c0_i32 : i32, i32
  }
  func.func @transform_1(%arg0: i32) -> (i32, i32) {
    %c0_i32 = arith.constant 0 : i32
    %c0_i32_0 = arith.constant 0 : i32
    %c0_i32_1 = arith.constant 0 : i32
    return %c0_i32, %c0_i32_0 : i32, i32
  }
  func.func @transform_2(%arg0: i32) -> (i32, i32) {
    %c0_i32 = arith.constant 0 : i32
    %c0_i32_0 = arith.constant 0 : i32
    %c0_i32_1 = arith.constant 0 : i32
    return %c0_i32, %c0_i32_0 : i32, i32
  }
  func.func @transform_3(%arg0: i32) -> (i32, i32) {
    %c0_i32 = arith.constant 0 : i32
    %c0_i32_0 = arith.constant 0 : i32
    %c0_i32_1 = arith.constant 0 : i32
    return %c0_i32, %c0_i32_0 : i32, i32
  }
  func.func @transform_4(%arg0: i32) -> (i32, i32) {
    %c0_i32 = arith.constant 0 : i32
    %c0_i32_0 = arith.constant 0 : i32
    %c0_i32_1 = arith.constant 0 : i32
    return %c0_i32, %c0_i32_0 : i32, i32
  }
  func.func @transform_5(%arg0: i32) -> (i32, i32) {
    %c0_i32 = arith.constant 0 : i32
    %c0_i32_0 = arith.constant 0 : i32
    %c0_i32_1 = arith.constant 0 : i32
    return %c0_i32, %c0_i32_0 : i32, i32
  }
  func.func @transform_6(%arg0: i32) -> (i32, i32, i32) {
    %c0_i32 = arith.constant 0 : i32
    %c0_i32_0 = arith.constant 0 : i32
    %c0_i32_1 = arith.constant 0 : i32
    return %c0_i32, %arg0, %c0_i32_0 : i32, i32, i32
  }
  func.func @transform_7(%arg0: i32) -> (i32, i32, i32) {
    %c0_i32 = arith.constant 0 : i32
    %c0_i32_0 = arith.constant 0 : i32
    %c0_i32_1 = arith.constant 0 : i32
    return %arg0, %c0_i32, %c0_i32_0 : i32, i32, i32
  }
  func.func @transform_8(%arg0: i32) -> (i32, i32, i32) {
    %c0_i32 = arith.constant 0 : i32
    %c0_i32_0 = arith.constant 0 : i32
    %c0_i32_1 = arith.constant 0 : i32
    return %arg0, %c0_i32, %c0_i32_0 : i32, i32, i32
  }
  func.func @transform_9(%arg0: i32) -> (i32, i32, i32) {
    %c0_i32 = arith.constant 0 : i32
    %c0_i32_0 = arith.constant 0 : i32
    %c0_i32_1 = arith.constant 0 : i32
    return %c0_i32, %arg0, %c0_i32_0 : i32, i32, i32
  }
  func.func @transform_10(%arg0: i32) -> (i32, i32) {
    %c0_i32 = arith.constant 0 : i32
    %c0_i32_0 = arith.constant 0 : i32
    return %arg0, %c0_i32 : i32, i32
  }
}

module attributes {stable_mosaic.version = 14 : i64} {
  func.func @_tc_mid(%arg0: i32, %arg1: memref<2x1000x112xf32, #tpu.memory_space<vmem>>, %arg2: memref<1x192xf32, #tpu.memory_space<vmem>>, %arg3: memref<192x128xf32, #tpu.memory_space<vmem>>, %arg4: memref<1x128xf32, #tpu.memory_space<vmem>>, %arg5: memref<1x128xf32, #tpu.memory_space<vmem>>, %arg6: memref<2x1000x80xf32, #tpu.memory_space<vmem>>, %arg7: memref<1x1x1000xf32, #tpu.memory_space<vmem>>, %arg8: memref<1x1x1000xf32, #tpu.memory_space<vmem>>, %arg9: memref<2x1000x80xf32, #tpu.memory_space<vmem>>) attributes {dimension_semantics = [#tpu.dimension_semantics<arbitrary>], iteration_bounds = array<i64: 10>, scalar_prefetch = 0 : i64, scratch_operands = 0 : i64, tpu.core_type = #tpu.core_type<tc>, window_params = [{transform_indices = @transform_0, window_bounds = array<i64: 2, 1000, 112>}, {pipeline_mode = #tpu.pipeline_mode<synchronous>, transform_indices = @transform_1, window_bounds = array<i64: 1, 192>}, {pipeline_mode = #tpu.pipeline_mode<synchronous>, transform_indices = @transform_2, window_bounds = array<i64: 192, 128>}, {pipeline_mode = #tpu.pipeline_mode<synchronous>, transform_indices = @transform_3, window_bounds = array<i64: 1, 128>}, {pipeline_mode = #tpu.pipeline_mode<synchronous>, transform_indices = @transform_4, window_bounds = array<i64: 1, 128>}, {transform_indices = @transform_5, window_bounds = array<i64: 2, 1000, 80>}, {transform_indices = @transform_6, window_bounds = array<i64: 1, 1, 1000>}, {transform_indices = @transform_7, window_bounds = array<i64: 1, 1, 1000>}, {transform_indices = @transform_8, window_bounds = array<i64: 2, 1000, 80>}]} {
    %get3A = arith.constant 0 : index
    %get3A_0 = arith.constant 0 : index
    %get3A_1 = arith.constant 0 : index
    %get3A_2 = vector.load %arg1[%get3A, %get3A_0, %get3A_1] : memref<2x1000x112xf32, #tpu.memory_space<vmem>>, vector<1x1000x96xf32>
    %get3A_3 = vector.shape_cast %get3A_2 : vector<1x1000x96xf32> to vector<1000x96xf32>
    %get3A_4 = arith.constant 1 : index
    %get3A_5 = arith.constant 0 : index
    %get3A_6 = arith.constant 0 : index
    %get3A_7 = vector.load %arg1[%get3A_4, %get3A_5, %get3A_6] : memref<2x1000x112xf32, #tpu.memory_space<vmem>>, vector<1x1000x96xf32>
    %get3A_8 = vector.shape_cast %get3A_7 : vector<1x1000x96xf32> to vector<1000x96xf32>
    %concatenate3A = tpu.concatenate %get3A_3, %get3A_8 in 1 : vector<1000x96xf32>, vector<1000x96xf32> -> vector<1000x192xf32>
    %get3A_9 = arith.constant 0 : index
    %get3A_10 = arith.constant 0 : index
    %get3A_11 = arith.constant 96 : index
    %get3A_12 = vector.load %arg1[%get3A_9, %get3A_10, %get3A_11] : memref<2x1000x112xf32, #tpu.memory_space<vmem>>, vector<1x1000x3xf32>
    %get3A_13 = vector.shape_cast %get3A_12 : vector<1x1000x3xf32> to vector<1000x3xf32>
    %reshape3A = vector.shape_cast %concatenate3A : vector<1000x192xf32> to vector<1000x3x64xf32>
    %broadcast_in_dim3A = vector.shape_cast %get3A_13 : vector<1000x3xf32> to vector<1000x3x1xf32>
    %div3A = vector.broadcast %broadcast_in_dim3A : vector<1000x3x1xf32> to vector<1000x3x64xf32>
    %div3A_14 = arith.divf %reshape3A, %div3A : vector<1000x3x64xf32>
    %reshape3A_15 = vector.shape_cast %div3A_14 : vector<1000x3x64xf32> to vector<1000x192xf32>
    %get3A_16 = arith.constant 0 : index
    %get3A_17 = arith.constant 0 : index
    %get3A_18 = vector.load %arg2[%get3A_16, %get3A_17] : memref<1x192xf32, #tpu.memory_space<vmem>>, vector<1x192xf32>
    %add3A = vector.broadcast %get3A_18 : vector<1x192xf32> to vector<1000x192xf32>
    %add3A_19 = arith.addf %reshape3A_15, %add3A : vector<1000x192xf32>
    %get3A_20 = arith.constant 0 : index
    %get3A_21 = arith.constant 0 : index
    %get3A_22 = vector.load %arg3[%get3A_20, %get3A_21] : memref<192x128xf32, #tpu.memory_space<vmem>>, vector<192x128xf32>
    %dot_general3A = arith.constant dense<0.000000e+00> : vector<1000x128xf32>
    %dot_general3A_23 = tpu.matmul %add3A_19, %get3A_22, %dot_general3A {dimension_numbers = #tpu.dot_dimension_numbers<[1], [0], [0], [1], [0, 0, 1, 1], [], []>, transpose_lhs_hint = false} : vector<1000x192xf32>, vector<192x128xf32>, vector<1000x128xf32> -> vector<1000x128xf32>
    %get3A_24 = arith.constant 0 : index
    %get3A_25 = arith.constant 0 : index
    %get3A_26 = vector.load %arg4[%get3A_24, %get3A_25] : memref<1x128xf32, #tpu.memory_space<vmem>>, vector<1x128xf32>
    %mul3A = vector.broadcast %get3A_26 : vector<1x128xf32> to vector<1000x128xf32>
    %mul3A_27 = arith.mulf %dot_general3A_23, %mul3A : vector<1000x128xf32>
    %reduce_sum3A = arith.constant dense<0.000000e+00> : vector<1000xf32>
    %reduce_sum3A_28 = vector.multi_reduction <add>, %mul3A_27, %reduce_sum3A [1] : vector<1000x128xf32> to vector<1000xf32>
    %broadcast_in_dim3A_29 = vector.shape_cast %reduce_sum3A_28 : vector<1000xf32> to vector<1000x1xf32>
    %get3A_30 = arith.constant 0 : index
    %get3A_31 = arith.constant 0 : index
    %get3A_32 = vector.load %arg5[%get3A_30, %get3A_31] : memref<1x128xf32, #tpu.memory_space<vmem>>, vector<1x128xf32>
    %mul3A_33 = vector.broadcast %get3A_32 : vector<1x128xf32> to vector<1000x128xf32>
    %mul3A_34 = arith.mulf %dot_general3A_23, %mul3A_33 : vector<1000x128xf32>
    %reduce_sum3A_35 = arith.constant dense<0.000000e+00> : vector<1000xf32>
    %reduce_sum3A_36 = vector.multi_reduction <add>, %mul3A_34, %reduce_sum3A_35 [1] : vector<1000x128xf32> to vector<1000xf32>
    %broadcast_in_dim3A_37 = vector.shape_cast %reduce_sum3A_36 : vector<1000xf32> to vector<1000x1xf32>
    %add3A_38 = arith.addf %broadcast_in_dim3A_29, %broadcast_in_dim3A_37 : vector<1000x1xf32>
    %ge3A = arith.constant 0.000000e+00 : f32
    %ge3A_39 = vector.broadcast %ge3A : f32 to vector<1000x1xf32>
    %ge3A_40 = arith.cmpf oge, %add3A_38, %ge3A_39 : vector<1000x1xf32>
    %mul3A_41 = arith.constant 2.000000e-01 : f32
    %mul3A_42 = vector.broadcast %mul3A_41 : f32 to vector<1000x1xf32>
    %mul3A_43 = arith.mulf %mul3A_42, %add3A_38 : vector<1000x1xf32>
    %select_n3A = arith.select %ge3A_40, %add3A_38, %mul3A_43 : vector<1000x1xi1>, vector<1000x1xf32>
    %exp3A = math.exp %select_n3A : vector<1000x1xf32>
    %broadcast_in_dim3A_44 = arith.constant 0.000000e+00 : f32
    %broadcast_in_dim3A_45 = vector.broadcast %broadcast_in_dim3A_44 : f32 to vector<1000x16xf32>
    %broadcast_in_dim3A_46 = arith.constant 0.000000e+00 : f32
    %broadcast_in_dim3A_47 = vector.broadcast %broadcast_in_dim3A_46 : f32 to vector<1000x15xf32>
    %slice3A = vector.extract_strided_slice %dot_general3A_23 {offsets = [0, 0], sizes = [1000, 64], strides = [1, 1]} : vector<1000x128xf32> to vector<1000x64xf32>
    %concatenate3A_48 = tpu.concatenate %slice3A, %broadcast_in_dim3A_45 in 1 : vector<1000x64xf32>, vector<1000x16xf32> -> vector<1000x80xf32>
    %slice3A_49 = vector.extract_strided_slice %dot_general3A_23 {offsets = [0, 64], sizes = [1000, 64], strides = [1, 1]} : vector<1000x128xf32> to vector<1000x64xf32>
    %concatenate3A_50 = tpu.concatenate %slice3A_49, %broadcast_in_dim3A_45 in 1 : vector<1000x64xf32>, vector<1000x16xf32> -> vector<1000x80xf32>
    %stack3A = vector.shape_cast %concatenate3A_48 : vector<1000x80xf32> to vector<1x1000x80xf32>
    %stack3A_51 = vector.shape_cast %concatenate3A_50 : vector<1000x80xf32> to vector<1x1000x80xf32>
    %stack3A_52 = tpu.concatenate %stack3A, %stack3A_51 in 0 : vector<1x1000x80xf32>, vector<1x1000x80xf32> -> vector<2x1000x80xf32>
    %swap3A = arith.constant 0 : index
    %swap3A_53 = arith.constant 0 : index
    %swap3A_54 = arith.constant 0 : index
    %swap3A_55 = vector.load %arg6[%swap3A, %swap3A_53, %swap3A_54] : memref<2x1000x80xf32, #tpu.memory_space<vmem>>, vector<2x1000x80xf32>
    tpu.vector_store %arg6[%swap3A, %swap3A_53, %swap3A_54], %stack3A_52 {strides = array<i32>} : memref<2x1000x80xf32, #tpu.memory_space<vmem>>, vector<2x1000x80xf32>,
    %reshape3A_56 = vector.shape_cast %broadcast_in_dim3A_29 : vector<1000x1xf32> to vector<1x1x1000xf32>
    %swap3A_57 = arith.constant 0 : index
    %swap3A_58 = arith.constant 0 : index
    %swap3A_59 = arith.constant 0 : index
    %swap3A_60 = vector.load %arg7[%swap3A_57, %swap3A_58, %swap3A_59] : memref<1x1x1000xf32, #tpu.memory_space<vmem>>, vector<1x1x1000xf32>
    tpu.vector_store %arg7[%swap3A_57, %swap3A_58, %swap3A_59], %reshape3A_56 {strides = array<i32>} : memref<1x1x1000xf32, #tpu.memory_space<vmem>>, vector<1x1x1000xf32>,
    %reshape3A_61 = vector.shape_cast %broadcast_in_dim3A_37 : vector<1000x1xf32> to vector<1x1x1000xf32>
    %swap3A_62 = arith.constant 0 : index
    %swap3A_63 = arith.constant 0 : index
    %swap3A_64 = arith.constant 0 : index
    %swap3A_65 = vector.load %arg8[%swap3A_62, %swap3A_63, %swap3A_64] : memref<1x1x1000xf32, #tpu.memory_space<vmem>>, vector<1x1x1000xf32>
    tpu.vector_store %arg8[%swap3A_62, %swap3A_63, %swap3A_64], %reshape3A_61 {strides = array<i32>} : memref<1x1x1000xf32, #tpu.memory_space<vmem>>, vector<1x1x1000xf32>,
    %mul3A_66 = vector.broadcast %exp3A : vector<1000x1xf32> to vector<1000x128xf32>
    %mul3A_67 = arith.mulf %dot_general3A_23, %mul3A_66 : vector<1000x128xf32>
    %slice3A_68 = vector.extract_strided_slice %mul3A_67 {offsets = [0, 0], sizes = [1000, 64], strides = [1, 1]} : vector<1000x128xf32> to vector<1000x64xf32>
    %concatenate3A_69 = tpu.concatenate %slice3A_68, %exp3A, %broadcast_in_dim3A_47 in 1 : vector<1000x64xf32>, vector<1000x1xf32>, vector<1000x15xf32> -> vector<1000x80xf32>
    %slice3A_70 = vector.extract_strided_slice %mul3A_67 {offsets = [0, 64], sizes = [1000, 64], strides = [1, 1]} : vector<1000x128xf32> to vector<1000x64xf32>
    %concatenate3A_71 = tpu.concatenate %slice3A_70, %exp3A, %broadcast_in_dim3A_47 in 1 : vector<1000x64xf32>, vector<1000x1xf32>, vector<1000x15xf32> -> vector<1000x80xf32>
    %stack3A_72 = vector.shape_cast %concatenate3A_69 : vector<1000x80xf32> to vector<1x1000x80xf32>
    %stack3A_73 = vector.shape_cast %concatenate3A_71 : vector<1000x80xf32> to vector<1x1000x80xf32>
    %stack3A_74 = tpu.concatenate %stack3A_72, %stack3A_73 in 0 : vector<1x1000x80xf32>, vector<1x1000x80xf32> -> vector<2x1000x80xf32>
    %swap3A_75 = arith.constant 0 : index
    %swap3A_76 = arith.constant 0 : index
    %swap3A_77 = arith.constant 0 : index
    %swap3A_78 = vector.load %arg9[%swap3A_75, %swap3A_76, %swap3A_77] : memref<2x1000x80xf32, #tpu.memory_space<vmem>>, vector<2x1000x80xf32>
    tpu.vector_store %arg9[%swap3A_75, %swap3A_76, %swap3A_77], %stack3A_74 {strides = array<i32>} : memref<2x1000x80xf32, #tpu.memory_space<vmem>>, vector<2x1000x80xf32>,
    return
  }
  func.func @transform_0(%arg0: i32) -> (i32, i32, i32) {
    %c0_i32 = arith.constant 0 : i32
    %c0_i32_0 = arith.constant 0 : i32
    %c0_i32_1 = arith.constant 0 : i32
    return %c0_i32, %arg0, %c0_i32_0 : i32, i32, i32
  }
  func.func @transform_1(%arg0: i32) -> (i32, i32) {
    %c0_i32 = arith.constant 0 : i32
    %c0_i32_0 = arith.constant 0 : i32
    %c0_i32_1 = arith.constant 0 : i32
    return %c0_i32, %c0_i32_0 : i32, i32
  }
  func.func @transform_2(%arg0: i32) -> (i32, i32) {
    %c0_i32 = arith.constant 0 : i32
    %c0_i32_0 = arith.constant 0 : i32
    %c0_i32_1 = arith.constant 0 : i32
    return %c0_i32, %c0_i32_0 : i32, i32
  }
  func.func @transform_3(%arg0: i32) -> (i32, i32) {
    %c0_i32 = arith.constant 0 : i32
    %c0_i32_0 = arith.constant 0 : i32
    %c0_i32_1 = arith.constant 0 : i32
    return %c0_i32, %c0_i32_0 : i32, i32
  }
  func.func @transform_4(%arg0: i32) -> (i32, i32) {
    %c0_i32 = arith.constant 0 : i32
    %c0_i32_0 = arith.constant 0 : i32
    %c0_i32_1 = arith.constant 0 : i32
    return %c0_i32, %c0_i32_0 : i32, i32
  }
  func.func @transform_5(%arg0: i32) -> (i32, i32, i32) {
    %c0_i32 = arith.constant 0 : i32
    %c0_i32_0 = arith.constant 0 : i32
    %c0_i32_1 = arith.constant 0 : i32
    return %c0_i32, %arg0, %c0_i32_0 : i32, i32, i32
  }
  func.func @transform_6(%arg0: i32) -> (i32, i32, i32) {
    %c0_i32 = arith.constant 0 : i32
    %c0_i32_0 = arith.constant 0 : i32
    %c0_i32_1 = arith.constant 0 : i32
    return %arg0, %c0_i32, %c0_i32_0 : i32, i32, i32
  }
  func.func @transform_7(%arg0: i32) -> (i32, i32, i32) {
    %c0_i32 = arith.constant 0 : i32
    %c0_i32_0 = arith.constant 0 : i32
    %c0_i32_1 = arith.constant 0 : i32
    return %arg0, %c0_i32, %c0_i32_0 : i32, i32, i32
  }
  func.func @transform_8(%arg0: i32) -> (i32, i32, i32) {
    %c0_i32 = arith.constant 0 : i32
    %c0_i32_0 = arith.constant 0 : i32
    %c0_i32_1 = arith.constant 0 : i32
    return %c0_i32, %arg0, %c0_i32_0 : i32, i32, i32
  }
}

module attributes {stable_mosaic.version = 14 : i64} {
  func.func @_tc_fin_a(%arg0: i32, %arg1: memref<2x1000x80xf32, #tpu.memory_space<vmem>>, %arg2: memref<1x128xf32, #tpu.memory_space<vmem>>, %arg3: memref<1000x128xf32, #tpu.memory_space<vmem>>, %arg4: memref<2x128xf32, #tpu.memory_space<vmem>>) attributes {dimension_semantics = [#tpu.dimension_semantics<arbitrary>], iteration_bounds = array<i64: 10>, scalar_prefetch = 0 : i64, scratch_operands = 0 : i64, tpu.core_type = #tpu.core_type<tc>, window_params = [{transform_indices = @transform_0, window_bounds = array<i64: 2, 1000, 80>}, {pipeline_mode = #tpu.pipeline_mode<synchronous>, transform_indices = @transform_1, window_bounds = array<i64: 1, 128>}, {transform_indices = @transform_2, window_bounds = array<i64: 1000, 128>}, {pipeline_mode = #tpu.pipeline_mode<synchronous>, transform_indices = @transform_3, window_bounds = array<i64: 2, 128>}]} {
    %get3A = arith.constant 0 : index
    %get3A_0 = arith.constant 0 : index
    %get3A_1 = arith.constant 0 : index
    %get3A_2 = vector.load %arg1[%get3A, %get3A_0, %get3A_1] : memref<2x1000x80xf32, #tpu.memory_space<vmem>>, vector<1x1000x64xf32>
    %get3A_3 = vector.shape_cast %get3A_2 : vector<1x1000x64xf32> to vector<1000x64xf32>
    %get3A_4 = arith.constant 1 : index
    %get3A_5 = arith.constant 0 : index
    %get3A_6 = arith.constant 0 : index
    %get3A_7 = vector.load %arg1[%get3A_4, %get3A_5, %get3A_6] : memref<2x1000x80xf32, #tpu.memory_space<vmem>>, vector<1x1000x64xf32>
    %get3A_8 = vector.shape_cast %get3A_7 : vector<1x1000x64xf32> to vector<1000x64xf32>
    %concatenate3A = tpu.concatenate %get3A_3, %get3A_8 in 1 : vector<1000x64xf32>, vector<1000x64xf32> -> vector<1000x128xf32>
    %get3A_9 = arith.constant 0 : index
    %get3A_10 = arith.constant 0 : index
    %get3A_11 = arith.constant 64 : index
    %get3A_12 = vector.load %arg1[%get3A_9, %get3A_10, %get3A_11] : memref<2x1000x80xf32, #tpu.memory_space<vmem>>, vector<1x1000x1xf32>
    %get3A_13 = vector.shape_cast %get3A_12 : vector<1x1000x1xf32> to vector<1000x1xf32>
    %div3A = vector.broadcast %get3A_13 : vector<1000x1xf32> to vector<1000x128xf32>
    %div3A_14 = arith.divf %concatenate3A, %div3A : vector<1000x128xf32>
    %get3A_15 = arith.constant 0 : index
    %get3A_16 = arith.constant 0 : index
    %get3A_17 = vector.load %arg2[%get3A_15, %get3A_16] : memref<1x128xf32, #tpu.memory_space<vmem>>, vector<1x128xf32>
    %add3A = vector.broadcast %get3A_17 : vector<1x128xf32> to vector<1000x128xf32>
    %add3A_18 = arith.addf %div3A_14, %add3A : vector<1000x128xf32>
    %swap3A = arith.constant 0 : index
    %swap3A_19 = arith.constant 0 : index
    %swap3A_20 = vector.load %arg3[%swap3A, %swap3A_19] : memref<1000x128xf32, #tpu.memory_space<vmem>>, vector<1000x128xf32>
    tpu.vector_store %arg3[%swap3A, %swap3A_19], %add3A_18 {strides = array<i32>} : memref<1000x128xf32, #tpu.memory_space<vmem>>, vector<1000x128xf32>,
    %eq3A = arith.constant 0 : i32
    %eq3A_21 = arith.cmpi eq, %arg0, %eq3A : i32
    %convert_element_type3A = arith.extui %eq3A_21 : i1 to i32
    %cond3A = arith.constant 0 : i32
    %cond3A_22 = arith.cmpi ne, %convert_element_type3A, %cond3A : i32
    scf.if %cond3A_22 {
      %broadcast_in_dim3A = arith.constant 0.000000e+00 : f32
      %broadcast_in_dim3A_35 = vector.broadcast %broadcast_in_dim3A : f32 to vector<2x128xf32>
      %swap3A_36 = arith.constant 0 : index
      %swap3A_37 = arith.constant 0 : index
      %swap3A_38 = vector.load %arg4[%swap3A_36, %swap3A_37] : memref<2x128xf32, #tpu.memory_space<vmem>>, vector<2x128xf32>
      tpu.vector_store %arg4[%swap3A_36, %swap3A_37], %broadcast_in_dim3A_35 {strides = array<i32>} : memref<2x128xf32, #tpu.memory_space<vmem>>, vector<2x128xf32>,
    } else {
    }
    %get3A_23 = arith.constant 0 : index
    %get3A_24 = arith.constant 0 : index
    %get3A_25 = vector.load %arg4[%get3A_23, %get3A_24] : memref<2x128xf32, #tpu.memory_space<vmem>>, vector<2x128xf32>
    %reduce_sum3A = arith.constant dense<0.000000e+00> : vector<128xf32>
    %reduce_sum3A_26 = vector.multi_reduction <add>, %add3A_18, %reduce_sum3A [0] : vector<1000x128xf32> to vector<128xf32>
    %mul3A = arith.mulf %add3A_18, %add3A_18 : vector<1000x128xf32>
    %reduce_sum3A_27 = arith.constant dense<0.000000e+00> : vector<128xf32>
    %reduce_sum3A_28 = vector.multi_reduction <add>, %mul3A, %reduce_sum3A_27 [0] : vector<1000x128xf32> to vector<128xf32>
    %stack3A = vector.shape_cast %reduce_sum3A_26 : vector<128xf32> to vector<1x128xf32>
    %stack3A_29 = vector.shape_cast %reduce_sum3A_28 : vector<128xf32> to vector<1x128xf32>
    %stack3A_30 = tpu.concatenate %stack3A, %stack3A_29 in 0 : vector<1x128xf32>, vector<1x128xf32> -> vector<2x128xf32>
    %add3A_31 = arith.addf %get3A_25, %stack3A_30 : vector<2x128xf32>
    %swap3A_32 = arith.constant 0 : index
    %swap3A_33 = arith.constant 0 : index
    %swap3A_34 = vector.load %arg4[%swap3A_32, %swap3A_33] : memref<2x128xf32, #tpu.memory_space<vmem>>, vector<2x128xf32>
    tpu.vector_store %arg4[%swap3A_32, %swap3A_33], %add3A_31 {strides = array<i32>} : memref<2x128xf32, #tpu.memory_space<vmem>>, vector<2x128xf32>,
    return
  }
  func.func @transform_0(%arg0: i32) -> (i32, i32, i32) {
    %c0_i32 = arith.constant 0 : i32
    %c0_i32_0 = arith.constant 0 : i32
    %c0_i32_1 = arith.constant 0 : i32
    return %c0_i32, %arg0, %c0_i32_0 : i32, i32, i32
  }
  func.func @transform_1(%arg0: i32) -> (i32, i32) {
    %c0_i32 = arith.constant 0 : i32
    %c0_i32_0 = arith.constant 0 : i32
    %c0_i32_1 = arith.constant 0 : i32
    return %c0_i32, %c0_i32_0 : i32, i32
  }
  func.func @transform_2(%arg0: i32) -> (i32, i32) {
    %c0_i32 = arith.constant 0 : i32
    %c0_i32_0 = arith.constant 0 : i32
    return %arg0, %c0_i32 : i32, i32
  }
  func.func @transform_3(%arg0: i32) -> (i32, i32) {
    %c0_i32 = arith.constant 0 : i32
    %c0_i32_0 = arith.constant 0 : i32
    %c0_i32_1 = arith.constant 0 : i32
    return %c0_i32, %c0_i32_0 : i32, i32
  }
}

module attributes {stable_mosaic.version = 14 : i64} {
  func.func @_tc_fin_b(%arg0: i32, %arg1: memref<1000x128xf32, #tpu.memory_space<vmem>>, %arg2: memref<2x128xf32, #tpu.memory_space<vmem>>, %arg3: memref<1x128xf32, #tpu.memory_space<vmem>>, %arg4: memref<1x128xf32, #tpu.memory_space<vmem>>, %arg5: memref<1000x128xf32, #tpu.memory_space<vmem>>, %arg6: memref<1000x128xf32, #tpu.memory_space<vmem>>) attributes {dimension_semantics = [#tpu.dimension_semantics<arbitrary>], iteration_bounds = array<i64: 10>, scalar_prefetch = 0 : i64, scratch_operands = 0 : i64, tpu.core_type = #tpu.core_type<tc>, window_params = [{transform_indices = @transform_0, window_bounds = array<i64: 1000, 128>}, {pipeline_mode = #tpu.pipeline_mode<synchronous>, transform_indices = @transform_1, window_bounds = array<i64: 2, 128>}, {pipeline_mode = #tpu.pipeline_mode<synchronous>, transform_indices = @transform_2, window_bounds = array<i64: 1, 128>}, {pipeline_mode = #tpu.pipeline_mode<synchronous>, transform_indices = @transform_3, window_bounds = array<i64: 1, 128>}, {transform_indices = @transform_4, window_bounds = array<i64: 1000, 128>}, {transform_indices = @transform_5, window_bounds = array<i64: 1000, 128>}]} {
    %get3A = arith.constant 0 : index
    %get3A_0 = arith.constant 0 : index
    %get3A_1 = vector.load %arg1[%get3A, %get3A_0] : memref<1000x128xf32, #tpu.memory_space<vmem>>, vector<1000x128xf32>
    %get3A_2 = arith.constant 0 : index
    %get3A_3 = arith.constant 0 : index
    %get3A_4 = vector.load %arg2[%get3A_2, %get3A_3] : memref<2x128xf32, #tpu.memory_space<vmem>>, vector<1x128xf32>
    %div3A = arith.constant 1.000000e+04 : f32
    %div3A_5 = vector.broadcast %div3A : f32 to vector<1x128xf32>
    %div3A_6 = arith.divf %get3A_4, %div3A_5 : vector<1x128xf32>
    %get3A_7 = arith.constant 1 : index
    %get3A_8 = arith.constant 0 : index
    %get3A_9 = vector.load %arg2[%get3A_7, %get3A_8] : memref<2x128xf32, #tpu.memory_space<vmem>>, vector<1x128xf32>
    %div3A_10 = arith.constant 1.000000e+04 : f32
    %div3A_11 = vector.broadcast %div3A_10 : f32 to vector<1x128xf32>
    %div3A_12 = arith.divf %get3A_9, %div3A_11 : vector<1x128xf32>
    %mul3A = arith.mulf %div3A_6, %div3A_6 : vector<1x128xf32>
    %sub3A = arith.subf %div3A_12, %mul3A : vector<1x128xf32>
    %sub3A_13 = vector.broadcast %div3A_6 : vector<1x128xf32> to vector<1000x128xf32>
    %sub3A_14 = arith.subf %get3A_1, %sub3A_13 : vector<1000x128xf32>
    %add3A = arith.constant 9.99999974E-6 : f32
    %add3A_15 = vector.broadcast %add3A : f32 to vector<1x128xf32>
    %add3A_16 = arith.addf %sub3A, %add3A_15 : vector<1x128xf32>
    %sqrt3A = math.sqrt %add3A_16 : vector<1x128xf32>
    %div3A_17 = vector.broadcast %sqrt3A : vector<1x128xf32> to vector<1000x128xf32>
    %div3A_18 = arith.divf %sub3A_14, %div3A_17 : vector<1000x128xf32>
    %get3A_19 = arith.constant 0 : index
    %get3A_20 = arith.constant 0 : index
    %get3A_21 = vector.load %arg3[%get3A_19, %get3A_20] : memref<1x128xf32, #tpu.memory_space<vmem>>, vector<1x128xf32>
    %mul3A_22 = vector.broadcast %get3A_21 : vector<1x128xf32> to vector<1000x128xf32>
    %mul3A_23 = arith.mulf %div3A_18, %mul3A_22 : vector<1000x128xf32>
    %get3A_24 = arith.constant 0 : index
    %get3A_25 = arith.constant 0 : index
    %get3A_26 = vector.load %arg4[%get3A_24, %get3A_25] : memref<1x128xf32, #tpu.memory_space<vmem>>, vector<1x128xf32>
    %add3A_27 = vector.broadcast %get3A_26 : vector<1x128xf32> to vector<1000x128xf32>
    %add3A_28 = arith.addf %mul3A_23, %add3A_27 : vector<1000x128xf32>
    %max3A = arith.constant 0.000000e+00 : f32
    %max3A_29 = vector.broadcast %max3A : f32 to vector<1000x128xf32>
    %max3A_30 = arith.maximumf %add3A_28, %max3A_29 : vector<1000x128xf32>
    %get3A_31 = arith.constant 0 : index
    %get3A_32 = arith.constant 0 : index
    %get3A_33 = vector.load %arg5[%get3A_31, %get3A_32] : memref<1000x128xf32, #tpu.memory_space<vmem>>, vector<1000x128xf32>
    %add3A_34 = arith.addf %max3A_30, %get3A_33 : vector<1000x128xf32>
    %swap3A = arith.constant 0 : index
    %swap3A_35 = arith.constant 0 : index
    %swap3A_36 = vector.load %arg6[%swap3A, %swap3A_35] : memref<1000x128xf32, #tpu.memory_space<vmem>>, vector<1000x128xf32>
    tpu.vector_store %arg6[%swap3A, %swap3A_35], %add3A_34 {strides = array<i32>} : memref<1000x128xf32, #tpu.memory_space<vmem>>, vector<1000x128xf32>,
    return
  }
  func.func @transform_0(%arg0: i32) -> (i32, i32) {
    %c0_i32 = arith.constant 0 : i32
    %c0_i32_0 = arith.constant 0 : i32
    return %arg0, %c0_i32 : i32, i32
  }
  func.func @transform_1(%arg0: i32) -> (i32, i32) {
    %c0_i32 = arith.constant 0 : i32
    %c0_i32_0 = arith.constant 0 : i32
    %c0_i32_1 = arith.constant 0 : i32
    return %c0_i32, %c0_i32_0 : i32, i32
  }
  func.func @transform_2(%arg0: i32) -> (i32, i32) {
    %c0_i32 = arith.constant 0 : i32
    %c0_i32_0 = arith.constant 0 : i32
    %c0_i32_1 = arith.constant 0 : i32
    return %c0_i32, %c0_i32_0 : i32, i32
  }
  func.func @transform_3(%arg0: i32) -> (i32, i32) {
    %c0_i32 = arith.constant 0 : i32
    %c0_i32_0 = arith.constant 0 : i32
    %c0_i32_1 = arith.constant 0 : i32
    return %c0_i32, %c0_i32_0 : i32, i32
  }
  func.func @transform_4(%arg0: i32) -> (i32, i32) {
    %c0_i32 = arith.constant 0 : i32
    %c0_i32_0 = arith.constant 0 : i32
    return %arg0, %c0_i32 : i32, i32
  }
  func.func @transform_5(%arg0: i32) -> (i32, i32) {
    %c0_i32 = arith.constant 0 : i32
    %c0_i32_0 = arith.constant 0 : i32
    return %arg0, %c0_i32 : i32, i32
  }
}

</mosaic_0001>

<sc_bundles>
// kernel: kernel.11.cloned.1.call-start
scs
__scs_entry_jumppad:
0x0: {  	(pc) =	sbr.rel $0x88, $3  }
0x1: {  	(tag) =	ssettag $0x0;
	lr =	simm.s32 $0x1  }
0x2: {  	[smem:$0x3F93] =	sst lr;
	_ =	strace $0xD0000000  }
0x3: {  	_ = 	snop  }
0x4: {  	_ = 	snop  }
0x5: {  	_ = 	snop  }
0x6: {  	_ = 	snop  }
0x7: {  	_ = 	snop  }
__scs_overlays_trampoline_lowered:
0x8: {  	[smem:$0x3FA2] =	sst s0  }
0x9: {  	[smem:$0x3FA3] =	sst s1  }
0xa: {  	[smem:$0x3FA4] =	sst s2  }
0xb: {  	[smem:$0x3FA5] =	sst s3  }
0xc: {  	[smem:$0x3FA6] =	sst s4  }
0xd: {  	[smem:$0x3FA7] =	sst s5  }
0xe: {  	[smem:$0x3FA8] =	sst s6  }
0xf: {  	[smem:$0x3FA9] =	sst s7  }
0x10: {  	[smem:$0x3FAA] =	sst s8  }
0x11: {  	[smem:$0x3FAB] =	sst s9;
	s0 =	simm.s32 @!p0 $0x0  }
0x12: {  	s1 =	sld [smem:$0x3F91];
	s0 =	simm.s32 @p0 $0x1  }
0x13: {  	[smem:$0x3FAC] =	sst s0;
	s0 =	simm.s32 @!p1 $0x0  }
0x14: {  	s2 =	sld [smem:$0x3F90];
	s0 =	simm.s32 @p1 $0x1  }
0x15: {  	[smem:$0x3FAD] =	sst s0;
	s0 =	simm.s32 @!p2 $0x0  }
0x16: {  	s3 =	sld [smem:$0x3FDB];
	s0 =	simm.s32 @p2 $0x1  }
0x17: {  	s4 =	simm.s32 $0x1BF5;
	[smem:$0x3FAF] =	sst s0  }
0x18: {  	s0 =	sld [smem:$0x3F92];
	_ =	swait.ge [sflag:s4], $0x0  }
0x19: {  	s7 =	sld [smem:$0x3F93]  }
0x1a: {  	s8 =	sadd.s32 $0xFFFFE003, lr  }
0x1b: {  	s9 =	sadd.s32 $0xFFFFFEF7, lr;
	s5 =	simm.s32 $0xFFFFFFFF;
	p2 =	slt.u32 s8, $0xFFFFF086  }
0x1c: {  	p1 =	slt.u32 s9, $0xF7A;
	s5 =	simm.s32 @!p2 $0x0  }
0x1d: {  	s5 =	simm.s32 @p1 $0x1;
	p0 =	seq.s32 s7, s2  }
0x1e: {  	s7 =	smul.u32 @!p0 $0xF7A, s2;
	p2 =	seq.s32 @!p0 s5, $0x0  }
0x1f: {  	s9 =	smul.u32 $0xF7A, s1;
	s8 =	simm.s32 @!p0 $0x1BF5;
	p2 =	por !p2, p0  }
0x20: {  	[sflag:s8] =	ssyncset.s32 @!p0 $0xFFFFF086;
	s6 =	sadd.s32 @!p0 s3, s7;
	s7 =	simm.s32 @!p0 $0x108  }
0x21: {  	s3 =	sadd.s32 s3, s9;
	s6 =	sadd.s32 @!p0 $0x88, s6;
	s7 =	simm.s32 @p2 $0x1082  }
0x22: {  	[simem:s7], [sflag:s8] =	dma.local @!p0 [hbm:s6], $0xF7A  }
0x23: {  	s9 =	sor.u32 $0xD0000000, s2;
	s6 =	simm.s32 $0x108;
	_ =	swait.ge @!p0 [sflag:s8], $0x0  }
0x24: {  	s3 =	sadd.s32 $0x88, s3;
	s6 =	simm.s32 @!p1 $0x1082;
	[sflag:s4] =	ssyncset.s32 $0xFFFFF086  }
0x25: {  	[simem:s6], [sflag:s4] =	dma.local [hbm:s3], $0xF7A  }
0x26: {  	[smem:$0x3F93] =	sst s1;
	(tag) =	ssettag s2;
	_ =	strace s9  }
0x27: {  	s1 =	sld [smem:$0x3FA3]  }
0x28: {  	s2 =	sld [smem:$0x3FA4]  }
0x29: {  	s4 =	sld [smem:$0x3FA6]  }
0x2a: {  	p0 =	seq.s32 s5, $0x0;
	s5 =	sld [smem:$0x3FA7]  }
0x2b: {  	s6 =	sld [smem:$0x3FA8]  }
0x2c: {  	s7 =	sld [smem:$0x3FA9]  }
0x2d: {  	s3 =	simm.s32 $0x108;
	s8 =	sld [smem:$0x3FAA]  }
0x2e: {  	s3 =	simm.s32 @!p0 $0x1082;
	s9 =	sld [smem:$0x3FAB]  }
0x2f: {  	lr =	sadd.s32 s0, s3;
	s0 =	sld [smem:$0x3FA2]  }
0x30: {  	s3 =	sld [smem:$0x3FA5]  }
0x31: {  	[smem:$0x3FAE] =	sst s10  }
0x32: {  	s10 =	sld [smem:$0x3FAC];
	_ =	sdelay $0x3  }
0x33: {  	p0 =	seq.s32 s10, $0x1;
	s10 =	sld [smem:$0x3FAE];
	_ =	sdelay $0x3  }
0x34: {  	[smem:$0x3FAE] =	sst s10  }
0x35: {  	s10 =	sld [smem:$0x3FAD];
	_ =	sdelay $0x3  }
0x36: {  	p1 =	seq.s32 s10, $0x1;
	s10 =	sld [smem:$0x3FAE];
	_ =	sdelay $0x3  }
0x37: {  	[smem:$0x3FAE] =	sst s10  }
0x38: {  	s10 =	sld [smem:$0x3FAF]  }
0x39: {  	_ = 	snop;
	(pc) =	sbr.ind lr, $3  }
0x3a: {  	_ = 	snop  }
0x3b: {  	_ = 	snop  }
0x3c: {  	p2 =	seq.s32 s10, $0x1;
	s10 =	sld [smem:$0x3FAE]  }
0x3d: {  	_ =	shalt  }
0x3e: {  	_ =	shalt  }
0x3f: {  	_ =	shalt  }
0x40: {  	_ =	shalt  }
0x41: {  	_ =	shalt  }
0x42: {  	_ =	shalt  }
0x43: {  	_ =	shalt  }
0x44: {  	_ =	shalt  }
0x45: {  	_ =	shalt  }
0x46: {  	_ =	shalt  }
0x47: {  	_ =	shalt  }
0x48: {  	_ =	shalt  }
0x49: {  	_ =	shalt  }
0x4a: {  	_ =	shalt  }
0x4b: {  	_ =	shalt  }
0x4c: {  	_ =	shalt  }
0x4d: {  	_ =	shalt  }
0x4e: {  	_ =	shalt  }
0x4f: {  	_ =	shalt  }
0x50: {  	_ =	shalt  }
0x51: {  	_ =	shalt  }
0x52: {  	_ =	shalt  }
0x53: {  	_ =	shalt  }
0x54: {  	_ =	shalt  }
0x55: {  	_ =	shalt  }
0x56: {  	_ =	shalt  }
0x57: {  	_ =	shalt  }
0x58: {  	_ =	shalt  }
0x59: {  	_ =	shalt  }
0x5a: {  	_ =	shalt  }
0x5b: {  	_ =	shalt  }
0x5c: {  	_ =	shalt  }
0x5d: {  	_ =	shalt  }
0x5e: {  	_ =	shalt  }
0x5f: {  	_ =	shalt  }
0x60: {  	_ =	shalt  }
0x61: {  	_ =	shalt  }
0x62: {  	_ =	shalt  }
0x63: {  	_ =	shalt  }
0x64: {  	_ =	shalt  }
0x65: {  	_ =	shalt  }
0x66: {  	_ =	shalt  }
0x67: {  	_ =	shalt  }
0x68: {  	_ =	shalt  }
0x69: {  	_ =	shalt  }
0x6a: {  	_ =	shalt  }
0x6b: {  	_ =	shalt  }
0x6c: {  	_ =	shalt  }
0x6d: {  	_ =	shalt  }
0x6e: {  	_ =	shalt  }
0x6f: {  	_ =	shalt  }
0x70: {  	_ =	shalt  }
0x71: {  	_ =	shalt  }
0x72: {  	_ =	shalt  }
0x73: {  	_ =	shalt  }
0x74: {  	_ =	shalt  }
0x75: {  	_ =	shalt  }
0x76: {  	_ =	shalt  }
0x77: {  	_ =	shalt  }
0x78: {  	_ =	shalt  }
0x79: {  	_ =	shalt  }
0x7a: {  	_ =	shalt  }
0x7b: {  	_ =	shalt  }
0x7c: {  	_ =	shalt  }
0x7d: {  	_ =	shalt  }
0x7e: {  	_ =	shalt  }
0x7f: {  	_ =	shalt  }
0x80: {  	_ =	shalt  }
0x81: {  	_ =	shalt  }
0x82: {  	_ =	shalt  }
0x83: {  	_ =	shalt  }
0x84: {  	_ =	shalt  }
0x85: {  	_ =	shalt  }
0x86: {  	_ =	shalt  }
0x87: {  	_ =	shalt  }
.Lfunc_end0:
.L_simem_size_0:
called_computation.1_lowered:
.L_overlay_start_0:
0x88: {  	s2 =	sld [smem:$0x3FD9]  }
0x89: {  	s3 =	sld [smem:$0x3FFE];
	_ =	sdelay $0x1  }
0x8a: {  	s1 =	srdreg.scid  }
0x8b: {  	s0 =	sand.u32 $0x1, s1  }
0x8c: {  	s17 =	sshll.u32 s0, $0xA;
	s2 =	sadd.s32 s3, s2  }
0x8d: {  	s2 =	sadd.s32 s2, s17  }
0x8e: {  	[smem:$0x3FBA] =	sst s2  }
0x8f: {  	_ = 	snop  }
0x90: {  	s2 =	sld [smem:$0x3FD0];
	(tm) =	ssettm $0x1  }
0x91: {  	s18 =	sld [smem:$0x3FFB];
	_ =	sdelay $0x3  }
0x92: {  	_ =	strace s18  }
0x93: {  	s3 =	sld [smem:$0x3FFC];
	_ =	sdelay $0x3  }
0x94: {  	_ =	strace s3  }
0x95: {  	s3 =	sld [smem:$0x3FFD];
	_ =	sdelay $0x3  }
0x96: {  	_ =	strace s3  }
0x97: {  	_ =	strace $0x8FFFFFFF  }
0x98: {  	s19 =	sld [smem:$0x3FDB];
	_ =	sdelay $0x1  }
0x99: {  	s4 =	simm.s32 $_scs_section_size  }
0x9a: {  	s5 =	simm.s32 $_size__tile_overlayer_lowered;
	s6 =	simm.s32 $_tile_overlayer_lowered  }
0x9b: {  	s22 =	simm.s32 $0x1BFF;
	s21 =	sshll.u32 s6, $0x1;
	s3 =	sadd.s32 s4, s19  }
0x9c: {  	s7 =	simm.s32 $0x0;
	s20 =	sshll.u32 s5, $0x1;
	s5 =	sadd.s32 s21, s3  }
0x9d: {  	[timem:s7], [sflag:s22] =	dma.local [hbm:s5], s20  }
0x9e: {  	_ =	swait.ge [sflag:s22], s20  }
0x9f: {  	s4 =	ssub.s32 $0x0, s20;
	[sflag:s22] =	ssyncset.done $0x0  }
0xa0: {  	[sflag:s22] =	ssyncadd.s32 s4;
	_ =	sdelay $0x1  }
0xa1: {  	s23 =	simm.s32 $0x1B8B  }
0xa2: {  	_ =	swait.ge [sflag:s23], $0x1  }
0xa3: {  	[sflag:s23] =	ssyncset.done $0x0  }
0xa4: {  	s25 =	simm.s32 $0x1B8E;
	s24 =	sld [smem:$0x3FFE];
	[sflag:s23] =	ssyncadd.s32 $0xFFFFFFFF  }
0xa5: {  	s26 =	simm.s32 $execute0_lowered;
	[smem:$0x3FD2] =	sst s25  }
0xa6: {  	s5 =	sshll.u32 s26, $0x1;
	_ =	strace $0x80000049;
	[dreg:$0x1] =	wrdreg $0xFFFFFFFF  }
0xa7: {  	s28 =	simm.s32 $_size_execute0_lowered;
	s3 =	sadd.s32 s3, s5;
	[dreg:$0x0] =	wrdreg $0x0  }
0xa8: {  	s5 =	sshll.u32 s28, $0x1;
	[dreg:$0x2] =	wrdreg s3  }
0xa9: {  	[dreg:$0x3] =	wrdreg s5  }
0xaa: {  	[dreg:$0x4] =	wrdreg $0xC0  }
0xab: {  	_ =	task [dreg:s7], $0x5FFFF  }
0xac: {  	[dreg:$0x1] =	wrdreg $0xFFFFFFFF  }
0xad: {  	[dreg:$0x0] =	wrdreg $0x60  }
0xae: {  	[dreg:$0x2] =	wrdreg s24  }
0xaf: {  	[dreg:$0x3] =	wrdreg s2  }
0xb0: {  	[dreg:$0x4] =	wrdreg $0x1AE00  }
0xb1: {  	[dreg:$0x5] =	wrdreg $0x9  }
0xb2: {  	_ =	task.clear_ibuf [dreg:s7], $0x6FFFF;
	_ =	strace $0x90000049  }
0xb3: {  	s29 =	simm.s32 $0x9;
	_ =	strace $0x8000004B  }
0xb4: {  	_ =	swait.ge [sflag:s29], $0x1  }
0xb5: {  	[sflag:s29] =	ssyncadd.s32 $0xFFFFFFFF  }
0xb6: {  	_ =	strace $0x9000004B  }
0xb7: {  	_ =	sfence  }
0xb8: {  	s30 =	sld [smem:$0x0];
	_ =	sdelay $0x2  }
0xb9: {  	s31 =	sshll.u32 s1, $0xD;
	s1 =	sshrl.u32 s1, $0x2  }
0xba: {  	s3 =	sand.u32 $0x4000, s31;
	s1 =	sadd.s32 s1, s30  }
0xbb: {  	s0 =	sor.u32 s3, s0;
	s1 =	sshll.u32 s1, $0x11  }
0xbc: {  	s0 =	sor.u32 s1, s0  }
0xbd: {  	s0 =	sadd.s32 $0x8F2B, s0  }
0xbe: {  	[sflag:s0] =	ssyncadd.remote.s32 $0x1  }
0xbf: {  	_ =	sfence.sel $0xFFFF  }
0xc0: {  	[dreg:$0x0] =	wrdreg $0xFFFFFFFF;
	(pc) =	sbr.abs _section_cstart, $3  }
0xc1: {  	[dreg:$0x1] =	wrdreg $0xFFFFFFFF  }
0xc2: {  	_ =	task.clear_ibuf [dreg:s7], $0x2FFFF;
	_ =	strace $0x9FFFFFFF  }
0xc3: {  	(tm) =	ssettm $0x7FFFFFFF  }
tec
execute0_lowered:
.L_overlay_start_1:
0x0: {  	(tag) =	ssettag $0x1  }
0x1: {  	v0 =	vlaneseq.u32  }
0x2: {  	v0 =	vmul.u32 $0x50, v0;
	_ =	sdelay $0x1  }
0x3: {  	v1 =	vor.u32 $0x2, v0  }
0x4: {  	[tilespmem:$0x1FC20] =	vst v1;
	v1 =	vor.u32 $0x3, v0  }
0x5: {  	[tilespmem:$0x1FC30] =	vst v1;
	v1 =	vor.u32 $0x4, v0  }
0x6: {  	[tilespmem:$0x1FC40] =	vst v1;
	v1 =	vor.u32 $0x5, v0  }
0x7: {  	[tilespmem:$0x1FC50] =	vst v1;
	v1 =	vor.u32 $0x6, v0  }
0x8: {  	[tilespmem:$0x1FC60] =	vst v1;
	v1 =	vor.u32 $0x7, v0  }
0x9: {  	[tilespmem:$0x1FC70] =	vst v1;
	v1 =	vor.u32 $0x8, v0  }
0xa: {  	[tilespmem:$0x1FC80] =	vst v1;
	v1 =	vor.u32 $0x9, v0  }
0xb: {  	[tilespmem:$0x1FC90] =	vst v1;
	v1 =	vor.u32 $0xA, v0  }
0xc: {  	[tilespmem:$0x1FCA0] =	vst v1;
	v1 =	vor.u32 $0xB, v0  }
0xd: {  	[tilespmem:$0x1FCB0] =	vst v1;
	v1 =	vor.u32 $0xC, v0  }
0xe: {  	[tilespmem:$0x1FCC0] =	vst v1;
	v1 =	vor.u32 $0xD, v0  }
0xf: {  	[tilespmem:$0x1FCD0] =	vst v1;
	v1 =	vor.u32 $0xE, v0  }
0x10: {  	[tilespmem:$0x1FCE0] =	vst v1;
	v1 =	vor.u32 $0xF, v0  }
0x11: {  	[tilespmem:$0x1FCF0] =	vst v1;
	v1 =	vadd.s32 $0x10, v0  }
0x12: {  	[tilespmem:$0x1FD00] =	vst v1;
	v1 =	vadd.s32 $0x11, v0  }
0x13: {  	[tilespmem:$0x1FD10] =	vst v1;
	v1 =	vadd.s32 $0x12, v0  }
0x14: {  	[tilespmem:$0x1FD20] =	vst v1;
	v1 =	vadd.s32 $0x13, v0  }
0x15: {  	[tilespmem:$0x1FD30] =	vst v1;
	v1 =	vadd.s32 $0x14, v0  }
0x16: {  	[tilespmem:$0x1FD40] =	vst v1;
	v1 =	vadd.s32 $0x15, v0  }
0x17: {  	[tilespmem:$0x1FD50] =	vst v1;
	v1 =	vadd.s32 $0x16, v0  }
0x18: {  	[tilespmem:$0x1FD60] =	vst v1;
	v1 =	vadd.s32 $0x17, v0  }
0x19: {  	[tilespmem:$0x1FD70] =	vst v1;
	v1 =	vadd.s32 $0x18, v0  }
0x1a: {  	[tilespmem:$0x1FD80] =	vst v1;
	v1 =	vadd.s32 $0x19, v0  }
0x1b: {  	[tilespmem:$0x1FD90] =	vst v1;
	v1 =	vadd.s32 $0x1A, v0  }
0x1c: {  	[tilespmem:$0x1FDA0] =	vst v1;
	v1 =	vadd.s32 $0x1B, v0  }
0x1d: {  	s11 =	rddreg [dreg:$0x0];
	[tilespmem:$0x1FDB0] =	vst v1;
	v1 =	vadd.s32 $0x1C, v0  }
0x1e: {  	s0 =	rddreg [dreg:$0x1];
	[tilespmem:$0x1FDC0] =	vst v1;
	v1 =	vadd.s32 $0x1D, v0  }
0x1f: {  	s2 =	rddreg [dreg:$0x2];
	s3 =	simm.s32 $0x0;
	[tilespmem:$0x1FDD0] =	vst v1;
	v1 =	vadd.s32 $0x1E, v0  }
0x20: {  	[smem:$0x7FF] =	sst s3;
	[tilespmem:$0x1FDE0] =	vst v1;
	v1 =	vadd.s32 $0x1F, v0  }
0x21: {  	s1 =	rddreg [dreg:$0x3];
	_ =	strace $0x8000004A;
	[tilespmem:$0x1FDF0] =	vst v1;
	v1 =	vadd.s32 $0x20, v0  }
0x22: {  	[tilespmem:$0x1FE00] =	vst v1;
	v1 =	vadd.s32 $0x21, v0  }
0x23: {  	[tilespmem:$0x1FE10] =	vst v1;
	v1 =	vadd.s32 $0x22, v0  }
0x24: {  	[tilespmem:$0x1FE20] =	vst v1;
	v1 =	vadd.s32 $0x23, v0  }
0x25: {  	[tilespmem:$0x1FE30] =	vst v1;
	v1 =	vadd.s32 $0x24, v0  }
0x26: {  	[tilespmem:$0x1FE40] =	vst v1;
	v1 =	vadd.s32 $0x25, v0  }
0x27: {  	[tilespmem:$0x1FE50] =	vst v1;
	v1 =	vadd.s32 $0x26, v0  }
0x28: {  	[tilespmem:$0x1FE60] =	vst v1;
	v1 =	vadd.s32 $0x27, v0  }
0x29: {  	[tilespmem:$0x1FE70] =	vst v1;
	v1 =	vadd.s32 $0x28, v0  }
0x2a: {  	[tilespmem:$0x1FE80] =	vst v1;
	v1 =	vadd.s32 $0x29, v0  }
0x2b: {  	[tilespmem:$0x1FE90] =	vst v1;
	v1 =	vadd.s32 $0x2A, v0  }
0x2c: {  	[tilespmem:$0x1FEA0] =	vst v1;
	v1 =	vadd.s32 $0x2B, v0  }
0x2d: {  	[tilespmem:$0x1FEB0] =	vst v1;
	v1 =	vadd.s32 $0x2C, v0  }
0x2e: {  	[tilespmem:$0x1FEC0] =	vst v1;
	v1 =	vadd.s32 $0x2D, v0  }
0x2f: {  	[tilespmem:$0x1FED0] =	vst v1;
	v1 =	vadd.s32 $0x2E, v0  }
0x30: {  	[tilespmem:$0x1FEE0] =	vst v1;
	v1 =	vadd.s32 $0x2F, v0  }
0x31: {  	[tilespmem:$0x1FEF0] =	vst v1;
	v1 =	vadd.s32 $0x30, v0  }
0x32: {  	[tilespmem:$0x1FF00] =	vst v1;
	v1 =	vadd.s32 $0x31, v0  }
0x33: {  	[tilespmem:$0x1FF10] =	vst v1;
	v1 =	vadd.s32 $0x32, v0  }
0x34: {  	[tilespmem:$0x1FF20] =	vst v1;
	v1 =	vadd.s32 $0x33, v0  }
0x35: {  	[tilespmem:$0x1FF30] =	vst v1;
	v1 =	vadd.s32 $0x34, v0  }
0x36: {  	s4 =	srdreg.scid;
	[tilespmem:$0x1FF40] =	vst v1;
	v1 =	vadd.s32 $0x35, v0  }
0x37: {  	s19 =	simm.s32 $0x50;
	s20 =	simm.s32 $0xA0;
	s21 =	simm.s32 $0xF0;
	[tilespmem:$0x1FF50] =	vst v1;
	v1 =	vadd.s32 $0x36, v0  }
0x38: {  	s22 =	simm.s32 $0x1E0;
	s23 =	simm.s32 $0x1;
	s24 =	simm.s32 $0x0;
	[tilespmem:$0x1FF60] =	vst v1;
	v1 =	vadd.s32 $0x37, v0  }
0x39: {  	s14 =	sand.u32 $0x1, s4;
	s4 =	stileid.u32;
	s5 =	sadd.s32 $0x6D400, s11;
	[tilespmem:$0x1FF70] =	vst v1;
	v1 =	vadd.s32 $0x38, v0  }
0x3a: {  	s6 =	sadd.s32 $0x9E200, s11;
	s7 =	sadd.s32 $0x15200, s11;
	s12 =	smul.u32 $0x186A0, s14;
	[tilespmem:$0x1FF80] =	vst v1;
	v1 =	vadd.s32 $0x39, v0  }
0x3b: {  	s8 =	sadd.s32 $0x28C00, s11;
	s9 =	sadd.s32 $0xB400, s11;
	s13 =	smul.u32 $0x186A, s4;
	[tilespmem:$0x1FF90] =	vst v1;
	v1 =	vadd.s32 $0x3A, v0  }
0x3c: {  	s10 =	sadd.s32 $0x1600, s11;
	s15 =	smul.u32 $0x30D40, s4;
	s16 =	ssub.s32 $0x2, s14;
	[tilespmem:$0x1FFA0] =	vst v1;
	v1 =	vadd.s32 $0x3B, v0  }
0x3d: {  	s31 =	sshll.u32 s4, $0x6;
	s14 =	smul.u32 $0x4E200, s14;
	s30 =	sshrl.u32 s16, $0x1;
	[tilespmem:$0x1FFB0] =	vst v1;
	v1 =	vadd.s32 $0x3C, v0  }
0x3e: {  	s12 =	sadd.s32 s13, s12;
	s15 =	sshrl.u32 s15, $0x2;
	s16 =	ssub.s32 s16, s30;
	[tilespmem:$0x1FFC0] =	vst v1;
	v1 =	vadd.s32 $0x3D, v0  }
0x3f: {  	s13 =	sor.u32 $0x1C02, s31;
	s17 =	sadd.s32 s12, s11;
	s18 =	sadd.s32 s15, s2;
	[tilespmem:$0x1FFD0] =	vst v1;
	v1 =	vadd.s32 $0x3E, v0  }
0x40: {  	s12 =	smul.u32 $0x4E20, s4;
	s16 =	smax.u32 s16, $0x1;
	s11 =	sadd.s32 $0x3C600, s17;
	[tilespmem:$0x1FFE0] =	vst v1;
	v1 =	vadd.s32 $0x3F, v0  }
0x41: {  	v6 =	vor.u32 $0x1, v0;
	s15 =	sadd.s32 $0x9E800, s17;
	s17 =	sshrl.u32 s18, $0x3;
	s18 =	simm.s32 $0x2;
	[tilespmem:$0x1FFF0] =	vst v1  }
.LBB2_1:
0x42: {  	[spmem:s17], [sflag:s13] =	dma.local [hbm:s11], $0x186A  }
0x43: {  	_ =	swait.ge [sflag:s18], $0x186A  }
0x44: {  	[sflag:s18] =	ssyncset.done $0x0  }
0x45: {  	[sflag:s18] =	ssyncadd.s32 $0xFFFFE796  }
0x46: {  	s25 =	simm.s32 $0x0;
	[bflag:$0x0] =	sbarrier.arrive $0xFFFF  }
.LBB2_2:
0x47: {  	s26 =	smul.u32 $0x50, s25;
	_ =	sdelay $0x1  }
0x48: {  	s28 =	sadd.s32 s12, s26  }
0x49: {  	s29 =	sshrl.u32 s28, $0x3  }
0x4a: {  	s31 =	sadd.s32 s7, s29  }
0x4b: {  	s26 =	simm.s32 $0x0;
	s30 =	sadd.s32 $0x9C40, s31  }
0x4c: {  	[tilespmem:s26], [sflag:$0x2] =	stream.linear.gather [hbm4b:s30+s26], $0x50, $0x38;
	[tilespmem:$0xDE30] =	vst v63  }
0x4d: {  	s28 =	sadd.s32 s14, s28;
	_ =	swait.ge [sflag:s18], $0x50  }
0x4e: {  	s28 =	sshrl.u32 s28, $0x3;
	[sflag:s18] =	ssyncset.done $0x0  }
0x4f: {  	s28 =	sadd.s32 s8, s28;
	[sflag:s18] =	ssyncadd.s32 $0xFFFFFFB0  }
0x50: {  	[tilespmem:s19], [sflag:$0x2] =	stream.linear.gather [hbm4b:s28+s26], $0x50, $0x38;
	[tilespmem:$0xDE30] =	vst v63  }
0x51: {  	_ =	swait.ge [sflag:s18], $0x50  }
0x52: {  	[sflag:s18] =	ssyncset.done $0x0  }
0x53: {  	s28 =	sadd.s32 s9, s29;
	[sflag:s18] =	ssyncadd.s32 $0xFFFFFFB0  }
0x54: {  	[tilespmem:s20], [sflag:$0x2] =	stream.linear.gather [hbm4b:s28+s26], $0x50, $0x38;
	[tilespmem:$0xDE30] =	vst v63  }
0x55: {  	_ =	swait.ge [sflag:s18], $0x50  }
0x56: {  	[sflag:s18] =	ssyncset.done $0x0  }
0x57: {  	s28 =	sadd.s32 s10, s29;
	[sflag:s18] =	ssyncadd.s32 $0xFFFFFFB0  }
0x58: {  	[tilespmem:s21], [sflag:$0x2] =	stream.linear.gather [hbm4b:s28+s26], $0x50, $0x38;
	[tilespmem:$0xDE30] =	vst v63  }
0x59: {  	_ =	swait.ge [sflag:s18], $0x50  }
0x5a: {  	[sflag:s18] =	ssyncset.done $0x0  }
0x5b: {  	[sflag:s18] =	ssyncadd.s32 $0xFFFFFFB0  }
0x5c: {  	[tilespmem:s22], [sflag:$0x1] =	stream.indirect.gather [hbm4b:s5+s19], $0x50, s19, s19, $0xb8;
	[tilespmem:$0xDE30] =	vst v63  }
0x5d: {  	s28 =	simm.s32 $0x140  }
0x5e: {  	[tilespmem:s28], [sflag:$0x1] =	stream.indirect.gather [hbm4b:s0+s19], $0x1, s20, s19, $0xb8;
	[tilespmem:$0xDE30] =	vst v63  }
0x5f: {  	s29 =	simm.s32 $0x190  }
0x60: {  	[tilespmem:s29], [sflag:$0x1] =	stream.indirect.gather [hbm4b:s6+s19], $0x1, s21, s19, $0xb8;
	[tilespmem:$0xDE30] =	vst v63  }
0x61: {  	_ =	swait.ge [sflag:s23], $0x50  }
0x62: {  	[sflag:s23] =	ssyncset.done $0x0  }
0x63: {  	[sflag:s23] =	ssyncadd.s32 $0xFFFFFFB0  }
0x64: {  	_ =	swait.ge [sflag:s23], $0x50  }
0x65: {  	[sflag:s23] =	ssyncset.done $0x0  }
0x66: {  	[sflag:s23] =	ssyncadd.s32 $0xFFFFFFB0  }
0x67: {  	_ =	swait.ge [sflag:s23], $0x1900  }
0x68: {  	v12 =	vld [tilespmem:$0x1FC70]  }
0x69: {  	v13 =	vld [tilespmem:$0x1FC80]  }
0x6a: {  	v14 =	vld [tilespmem:$0x1FC90]  }
0x6b: {  	v15 =	vld [tilespmem:$0x1FCA0]  }
0x6c: {  	v16 =	vld [tilespmem:$0x1FCB0]  }
0x6d: {  	v17 =	vld [tilespmem:$0x1FCC0]  }
0x6e: {  	v18 =	vld [tilespmem:$0x1FCD0]  }
0x6f: {  	v19 =	vld [tilespmem:$0x1FCE0]  }
0x70: {  	v20 =	vld [tilespmem:$0x1FCF0]  }
0x71: {  	v21 =	vld [tilespmem:$0x1FD00]  }
0x72: {  	v22 =	vld [tilespmem:$0x1FD10]  }
0x73: {  	v23 =	vld [tilespmem:$0x1FD20]  }
0x74: {  	v24 =	vld [tilespmem:$0x1FD30]  }
0x75: {  	v25 =	vld [tilespmem:$0x1FD40]  }
0x76: {  	v26 =	vld [tilespmem:$0x1FD50]  }
0x77: {  	v27 =	vld [tilespmem:$0x1FD60]  }
0x78: {  	v28 =	vld [tilespmem:$0x1FD70]  }
0x79: {  	v29 =	vld [tilespmem:$0x1FD80]  }
0x7a: {  	v30 =	vld [tilespmem:$0x1FD90]  }
0x7b: {  	v31 =	vld [tilespmem:$0x1FDA0]  }
0x7c: {  	v32 =	vld [tilespmem:$0x1FDB0]  }
0x7d: {  	v33 =	vld [tilespmem:$0x1FDC0]  }
0x7e: {  	v34 =	vld [tilespmem:$0x1FDD0]  }
0x7f: {  	v35 =	vld [tilespmem:$0x1FDE0]  }
0x80: {  	v36 =	vld [tilespmem:$0x1FDF0]  }
0x81: {  	v37 =	vld [tilespmem:$0x1FE00]  }
0x82: {  	v38 =	vld [tilespmem:$0x1FE10]  }
0x83: {  	v39 =	vld [tilespmem:$0x1FE20]  }
0x84: {  	v40 =	vld [tilespmem:$0x1FE30]  }
0x85: {  	v41 =	vld [tilespmem:$0x1FE40]  }
0x86: {  	v42 =	vld [tilespmem:$0x1FE50]  }
0x87: {  	v43 =	vld [tilespmem:$0x1FE60]  }
0x88: {  	v44 =	vld [tilespmem:$0x1FE70]  }
0x89: {  	v45 =	vld [tilespmem:$0x1FE80]  }
0x8a: {  	v46 =	vld [tilespmem:$0x1FE90]  }
0x8b: {  	v47 =	vld [tilespmem:$0x1FEA0]  }
0x8c: {  	v48 =	vld [tilespmem:$0x1FEB0]  }
0x8d: {  	v49 =	vld [tilespmem:$0x1FEC0]  }
0x8e: {  	v50 =	vld [tilespmem:$0x1FED0]  }
0x8f: {  	v51 =	vld [tilespmem:$0x1FEE0]  }
0x90: {  	v52 =	vld [tilespmem:$0x1FEF0]  }
0x91: {  	v53 =	vld [tilespmem:$0x1FF00]  }
0x92: {  	v54 =	vld [tilespmem:$0x1FF10]  }
0x93: {  	v55 =	vld [tilespmem:$0x1FF20]  }
0x94: {  	v56 =	vld [tilespmem:$0x1FF30]  }
0x95: {  	v57 =	vld [tilespmem:$0x1FF40]  }
0x96: {  	v58 =	vld [tilespmem:$0x1FF50]  }
0x97: {  	v59 =	vld [tilespmem:$0x1FF60]  }
0x98: {  	v60 =	vld [tilespmem:$0x1FF70]  }
0x99: {  	v61 =	vld [tilespmem:$0x1FF80]  }
0x9a: {  	v62 =	vld [tilespmem:$0x1FF90]  }
0x9b: {  	v63 =	vld [tilespmem:$0x1FFA0]  }
0x9c: {  	v7 =	vld [tilespmem:$0x1FFB0]  }
0x9d: {  	v8 =	vld [tilespmem:$0x1FFC0]  }
0x9e: {  	v9 =	vld [tilespmem:$0x1FFD0]  }
0x9f: {  	[sflag:s23] =	ssyncset.done $0x0;
	v10 =	vld [tilespmem:$0x1FFE0]  }
0xa0: {  	v11 =	vld [tilespmem:$0x1FFF0];
	[sflag:s23] =	ssyncadd.s32 $0xFFFFE700  }
.LBB2_3:
0xa1: {  	v1 =	vld [tilespmem:s28+$0x0]  }
0xa2: {  	v2 =	vld [tilespmem:s29+$0x0];
	_ =	sdelay $0x4  }
0xa3: {  	v1 =	vadd.f32 v2, v1;
	_ =	sdelay $0x1  }
0xa4: {  	v2 =	vmov s26;
	v3 =	vmul.f32 $2.000000030e-01, v1  }
0xa5: {  	v2 =	vmul.u32 $0x50, v2;
	vm0 =	vge.f32 v1, $0.0e+00  }
0xa6: {  	v1 =	vsel vm0, v1, v3  }
0xa7: {  	v3 =	vmul.f32 $1.442695020e+00, v1;
	v1 =	vbroadcast v2, $0x0;
	_ =	sdelay $0x1  }
0xa8: {  	(erf) = vpow2.f32 v3;
	v3 =	vadd.s32 v0, v1;
	_ =	sdelay $0x4  }
0xa9: {  	v4 =	vld.idx.msk [tilespmem:v3+s22+$0x0], $0xffff;
	_ =	sdelay $0x3  }
0xaa: {  	v5 =	vadd.s32 v6, v1;
	v2 =	vpop (erf)  }
0xab: {  	v4 =	vmul.f32 v2, v4;
	_ =	sdelay $0x1  }
0xac: {  	[tilespmem:v3+s22+$0x0] =	vst.idx.msk $0xffff, v4;
	v4 =	vld [tilespmem:$0x1FC20];
	_ =	sdelay $0x1  }
0xad: {  	v3 =	vld.idx.msk [tilespmem:v5+s22+$0x0], $0xffff;
	_ =	sdelay $0x2  }
0xae: {  	v4 =	vadd.s32 v4, v1;
	_ =	sdelay $0x1  }
0xaf: {  	v3 =	vmul.f32 v2, v3;
	_ =	sdelay $0x1  }
0xb0: {  	[tilespmem:v5+s22+$0x0] =	vst.idx.msk $0xffff, v3;
	v5 =	vld [tilespmem:$0x1FC30]  }
0xb1: {  	v3 =	vld.idx.msk [tilespmem:v4+s22+$0x0], $0xffff;
	_ =	sdelay $0x3  }
0xb2: {  	v5 =	vadd.s32 v5, v1  }
0xb3: {  	v3 =	vmul.f32 v2, v3;
	_ =	sdelay $0x1  }
0xb4: {  	[tilespmem:v4+s22+$0x0] =	vst.idx.msk $0xffff, v3;
	v4 =	vld [tilespmem:$0x1FC40];
	_ =	sdelay $0x1  }
0xb5: {  	v3 =	vld.idx.msk [tilespmem:v5+s22+$0x0], $0xffff;
	_ =	sdelay $0x2  }
0xb6: {  	v4 =	vadd.s32 v4, v1;
	_ =	sdelay $0x1  }
0xb7: {  	v3 =	vmul.f32 v3, v2;
	_ =	sdelay $0x1  }
0xb8: {  	[tilespmem:v5+s22+$0x0] =	vst.idx.msk $0xffff, v3;
	v5 =	vld [tilespmem:$0x1FC50]  }
0xb9: {  	v3 =	vld.idx.msk [tilespmem:v4+s22+$0x0], $0xffff;
	_ =	sdelay $0x3  }
0xba: {  	v5 =	vadd.s32 v5, v1  }
0xbb: {  	v3 =	vmul.f32 v3, v2;
	_ =	sdelay $0x1  }
0xbc: {  	[tilespmem:v4+s22+$0x0] =	vst.idx.msk $0xffff, v3;
	v4 =	vld [tilespmem:$0x1FC60];
	_ =	sdelay $0x1  }
0xbd: {  	v3 =	vld.idx.msk [tilespmem:v5+s22+$0x0], $0xffff;
	_ =	sdelay $0x2  }
0xbe: {  	v4 =	vadd.s32 v4, v1;
	_ =	sdelay $0x1  }
0xbf: {  	v3 =	vmul.f32 v3, v2;
	_ =	sdelay $0x1  }
0xc0: {  	[tilespmem:v5+s22+$0x0] =	vst.idx.msk $0xffff, v3  }
0xc1: {  	v3 =	vld.idx.msk [tilespmem:v4+s22+$0x0], $0xffff;
	_ =	sdelay $0x2  }
0xc2: {  	v5 =	vadd.s32 v12, v1;
	_ =	sdelay $0x1  }
0xc3: {  	v3 =	vmul.f32 v3, v2;
	_ =	sdelay $0x1  }
0xc4: {  	[tilespmem:v4+s22+$0x0] =	vst.idx.msk $0xffff, v3  }
0xc5: {  	v3 =	vld.idx.msk [tilespmem:v5+s22+$0x0], $0xffff;
	_ =	sdelay $0x2  }
0xc6: {  	v4 =	vadd.s32 v13, v1;
	_ =	sdelay $0x1  }
0xc7: {  	v3 =	vmul.f32 v3, v2;
	_ =	sdelay $0x1  }
0xc8: {  	[tilespmem:v5+s22+$0x0] =	vst.idx.msk $0xffff, v3  }
0xc9: {  	v3 =	vld.idx.msk [tilespmem:v4+s22+$0x0], $0xffff;
	_ =	sdelay $0x2  }
0xca: {  	v5 =	vadd.s32 v14, v1;
	_ =	sdelay $0x1  }
0xcb: {  	v3 =	vmul.f32 v3, v2;
	_ =	sdelay $0x1  }
0xcc: {  	[tilespmem:v4+s22+$0x0] =	vst.idx.msk $0xffff, v3  }
0xcd: {  	v3 =	vld.idx.msk [tilespmem:v5+s22+$0x0], $0xffff;
	_ =	sdelay $0x2  }
0xce: {  	v4 =	vadd.s32 v15, v1;
	_ =	sdelay $0x1  }
0xcf: {  	v3 =	vmul.f32 v3, v2;
	_ =	sdelay $0x1  }
0xd0: {  	[tilespmem:v5+s22+$0x0] =	vst.idx.msk $0xffff, v3  }
0xd1: {  	v3 =	vld.idx.msk [tilespmem:v4+s22+$0x0], $0xffff;
	_ =	sdelay $0x2  }
0xd2: {  	v5 =	vadd.s32 v16, v1;
	_ =	sdelay $0x1  }
0xd3: {  	v3 =	vmul.f32 v3, v2;
	_ =	sdelay $0x1  }
0xd4: {  	[tilespmem:v4+s22+$0x0] =	vst.idx.msk $0xffff, v3  }
0xd5: {  	v3 =	vld.idx.msk [tilespmem:v5+s22+$0x0], $0xffff;
	_ =	sdelay $0x2  }
0xd6: {  	v4 =	vadd.s32 v17, v1;
	_ =	sdelay $0x1  }
0xd7: {  	v3 =	vmul.f32 v3, v2;
	_ =	sdelay $0x1  }
0xd8: {  	[tilespmem:v5+s22+$0x0] =	vst.idx.msk $0xffff, v3  }
0xd9: {  	v3 =	vld.idx.msk [tilespmem:v4+s22+$0x0], $0xffff;
	_ =	sdelay $0x2  }
0xda: {  	v5 =	vadd.s32 v18, v1;
	_ =	sdelay $0x1  }
0xdb: {  	v3 =	vmul.f32 v3, v2;
	_ =	sdelay $0x1  }
0xdc: {  	[tilespmem:v4+s22+$0x0] =	vst.idx.msk $0xffff, v3  }
0xdd: {  	v3 =	vld.idx.msk [tilespmem:v5+s22+$0x0], $0xffff;
	_ =	sdelay $0x2  }
0xde: {  	v4 =	vadd.s32 v19, v1;
	_ =	sdelay $0x1  }
0xdf: {  	v3 =	vmul.f32 v3, v2;
	_ =	sdelay $0x1  }
0xe0: {  	[tilespmem:v5+s22+$0x0] =	vst.idx.msk $0xffff, v3  }
0xe1: {  	v3 =	vld.idx.msk [tilespmem:v4+s22+$0x0], $0xffff;
	_ =	sdelay $0x2  }
0xe2: {  	v5 =	vadd.s32 v20, v1;
	_ =	sdelay $0x1  }
0xe3: {  	v3 =	vmul.f32 v3, v2;
	_ =	sdelay $0x1  }
0xe4: {  	[tilespmem:v4+s22+$0x0] =	vst.idx.msk $0xffff, v3  }
0xe5: {  	v3 =	vld.idx.msk [tilespmem:v5+s22+$0x0], $0xffff;
	_ =	sdelay $0x2  }
0xe6: {  	v4 =	vadd.s32 v21, v1;
	_ =	sdelay $0x1  }
0xe7: {  	v3 =	vmul.f32 v3, v2;
	_ =	sdelay $0x1  }
0xe8: {  	[tilespmem:v5+s22+$0x0] =	vst.idx.msk $0xffff, v3  }
0xe9: {  	v3 =	vld.idx.msk [tilespmem:v4+s22+$0x0], $0xffff;
	_ =	sdelay $0x2  }
0xea: {  	v5 =	vadd.s32 v22, v1;
	_ =	sdelay $0x1  }
0xeb: {  	v3 =	vmul.f32 v3, v2;
	_ =	sdelay $0x1  }
0xec: {  	[tilespmem:v4+s22+$0x0] =	vst.idx.msk $0xffff, v3  }
0xed: {  	v3 =	vld.idx.msk [tilespmem:v5+s22+$0x0], $0xffff;
	_ =	sdelay $0x2  }
0xee: {  	v4 =	vadd.s32 v23, v1;
	_ =	sdelay $0x1  }
0xef: {  	v3 =	vmul.f32 v3, v2;
	_ =	sdelay $0x1  }
0xf0: {  	[tilespmem:v5+s22+$0x0] =	vst.idx.msk $0xffff, v3  }
0xf1: {  	v3 =	vld.idx.msk [tilespmem:v4+s22+$0x0], $0xffff;
	_ =	sdelay $0x2  }
0xf2: {  	v5 =	vadd.s32 v24, v1;
	_ =	sdelay $0x1  }
0xf3: {  	v3 =	vmul.f32 v3, v2;
	_ =	sdelay $0x1  }
0xf4: {  	[tilespmem:v4+s22+$0x0] =	vst.idx.msk $0xffff, v3  }
0xf5: {  	v3 =	vld.idx.msk [tilespmem:v5+s22+$0x0], $0xffff;
	_ =	sdelay $0x2  }
0xf6: {  	v4 =	vadd.s32 v25, v1;
	_ =	sdelay $0x1  }
0xf7: {  	v3 =	vmul.f32 v3, v2;
	_ =	sdelay $0x1  }
0xf8: {  	[tilespmem:v5+s22+$0x0] =	vst.idx.msk $0xffff, v3  }
0xf9: {  	v3 =	vld.idx.msk [tilespmem:v4+s22+$0x0], $0xffff;
	_ =	sdelay $0x2  }
0xfa: {  	v5 =	vadd.s32 v26, v1;
	_ =	sdelay $0x1  }
0xfb: {  	v3 =	vmul.f32 v3, v2;
	_ =	sdelay $0x1  }
0xfc: {  	[tilespmem:v4+s22+$0x0] =	vst.idx.msk $0xffff, v3  }
0xfd: {  	v3 =	vld.idx.msk [tilespmem:v5+s22+$0x0], $0xffff;
	_ =	sdelay $0x2  }
0xfe: {  	v4 =	vadd.s32 v27, v1;
	_ =	sdelay $0x1  }
0xff: {  	v3 =	vmul.f32 v3, v2;
	_ =	sdelay $0x1  }
0x100: {  	[tilespmem:v5+s22+$0x0] =	vst.idx.msk $0xffff, v3  }
0x101: {  	v3 =	vld.idx.msk [tilespmem:v4+s22+$0x0], $0xffff;
	_ =	sdelay $0x2  }
0x102: {  	v5 =	vadd.s32 v28, v1;
	_ =	sdelay $0x1  }
0x103: {  	v3 =	vmul.f32 v3, v2;
	_ =	sdelay $0x1  }
0x104: {  	[tilespmem:v4+s22+$0x0] =	vst.idx.msk $0xffff, v3  }
0x105: {  	v3 =	vld.idx.msk [tilespmem:v5+s22+$0x0], $0xffff;
	_ =	sdelay $0x2  }
0x106: {  	v4 =	vadd.s32 v29, v1;
	_ =	sdelay $0x1  }
0x107: {  	v3 =	vmul.f32 v3, v2;
	_ =	sdelay $0x1  }
0x108: {  	[tilespmem:v5+s22+$0x0] =	vst.idx.msk $0xffff, v3  }
0x109: {  	v3 =	vld.idx.msk [tilespmem:v4+s22+$0x0], $0xffff;
	_ =	sdelay $0x2  }
0x10a: {  	v5 =	vadd.s32 v30, v1;
	_ =	sdelay $0x1  }
0x10b: {  	v3 =	vmul.f32 v3, v2;
	_ =	sdelay $0x1  }
0x10c: {  	[tilespmem:v4+s22+$0x0] =	vst.idx.msk $0xffff, v3  }
0x10d: {  	v3 =	vld.idx.msk [tilespmem:v5+s22+$0x0], $0xffff;
	_ =	sdelay $0x2  }
0x10e: {  	v4 =	vadd.s32 v31, v1;
	_ =	sdelay $0x1  }
0x10f: {  	v3 =	vmul.f32 v3, v2;
	_ =	sdelay $0x1  }
0x110: {  	[tilespmem:v5+s22+$0x0] =	vst.idx.msk $0xffff, v3  }
0x111: {  	v3 =	vld.idx.msk [tilespmem:v4+s22+$0x0], $0xffff;
	_ =	sdelay $0x2  }
0x112: {  	v5 =	vadd.s32 v32, v1;
	_ =	sdelay $0x1  }
0x113: {  	v3 =	vmul.f32 v3, v2;
	_ =	sdelay $0x1  }
0x114: {  	[tilespmem:v4+s22+$0x0] =	vst.idx.msk $0xffff, v3  }
0x115: {  	v3 =	vld.idx.msk [tilespmem:v5+s22+$0x0], $0xffff;
	_ =	sdelay $0x2  }
0x116: {  	v4 =	vadd.s32 v33, v1;
	_ =	sdelay $0x1  }
0x117: {  	v3 =	vmul.f32 v3, v2;
	_ =	sdelay $0x1  }
0x118: {  	[tilespmem:v5+s22+$0x0] =	vst.idx.msk $0xffff, v3  }
0x119: {  	v3 =	vld.idx.msk [tilespmem:v4+s22+$0x0], $0xffff;
	_ =	sdelay $0x2  }
0x11a: {  	v5 =	vadd.s32 v34, v1;
	_ =	sdelay $0x1  }
0x11b: {  	v3 =	vmul.f32 v3, v2;
	_ =	sdelay $0x1  }
0x11c: {  	[tilespmem:v4+s22+$0x0] =	vst.idx.msk $0xffff, v3  }
0x11d: {  	v3 =	vld.idx.msk [tilespmem:v5+s22+$0x0], $0xffff;
	_ =	sdelay $0x2  }
0x11e: {  	v4 =	vadd.s32 v35, v1;
	_ =	sdelay $0x1  }
0x11f: {  	v3 =	vmul.f32 v3, v2;
	_ =	sdelay $0x1  }
0x120: {  	[tilespmem:v5+s22+$0x0] =	vst.idx.msk $0xffff, v3  }
0x121: {  	v3 =	vld.idx.msk [tilespmem:v4+s22+$0x0], $0xffff;
	_ =	sdelay $0x2  }
0x122: {  	v5 =	vadd.s32 v36, v1;
	_ =	sdelay $0x1  }
0x123: {  	v3 =	vmul.f32 v3, v2;
	_ =	sdelay $0x1  }
0x124: {  	[tilespmem:v4+s22+$0x0] =	vst.idx.msk $0xffff, v3  }
0x125: {  	v3 =	vld.idx.msk [tilespmem:v5+s22+$0x0], $0xffff;
	_ =	sdelay $0x2  }
0x126: {  	v4 =	vadd.s32 v37, v1;
	_ =	sdelay $0x1  }
0x127: {  	v3 =	vmul.f32 v3, v2;
	_ =	sdelay $0x1  }
0x128: {  	[tilespmem:v5+s22+$0x0] =	vst.idx.msk $0xffff, v3  }
0x129: {  	v3 =	vld.idx.msk [tilespmem:v4+s22+$0x0], $0xffff;
	_ =	sdelay $0x2  }
0x12a: {  	v5 =	vadd.s32 v38, v1;
	_ =	sdelay $0x1  }
0x12b: {  	v3 =	vmul.f32 v3, v2;
	_ =	sdelay $0x1  }
0x12c: {  	[tilespmem:v4+s22+$0x0] =	vst.idx.msk $0xffff, v3  }
0x12d: {  	v3 =	vld.idx.msk [tilespmem:v5+s22+$0x0], $0xffff;
	_ =	sdelay $0x2  }
0x12e: {  	v4 =	vadd.s32 v39, v1;
	_ =	sdelay $0x1  }
0x12f: {  	v3 =	vmul.f32 v3, v2;
	_ =	sdelay $0x1  }
0x130: {  	[tilespmem:v5+s22+$0x0] =	vst.idx.msk $0xffff, v3  }
0x131: {  	v3 =	vld.idx.msk [tilespmem:v4+s22+$0x0], $0xffff;
	_ =	sdelay $0x2  }
0x132: {  	v5 =	vadd.s32 v40, v1;
	_ =	sdelay $0x1  }
0x133: {  	v3 =	vmul.f32 v3, v2;
	_ =	sdelay $0x1  }
0x134: {  	[tilespmem:v4+s22+$0x0] =	vst.idx.msk $0xffff, v3  }
0x135: {  	v3 =	vld.idx.msk [tilespmem:v5+s22+$0x0], $0xffff;
	_ =	sdelay $0x2  }
0x136: {  	v4 =	vadd.s32 v41, v1;
	_ =	sdelay $0x1  }
0x137: {  	v3 =	vmul.f32 v3, v2;
	_ =	sdelay $0x1  }
0x138: {  	[tilespmem:v5+s22+$0x0] =	vst.idx.msk $0xffff, v3  }
0x139: {  	v3 =	vld.idx.msk [tilespmem:v4+s22+$0x0], $0xffff;
	_ =	sdelay $0x2  }
0x13a: {  	v5 =	vadd.s32 v42, v1;
	_ =	sdelay $0x1  }
0x13b: {  	v3 =	vmul.f32 v3, v2;
	_ =	sdelay $0x1  }
0x13c: {  	[tilespmem:v4+s22+$0x0] =	vst.idx.msk $0xffff, v3  }
0x13d: {  	v3 =	vld.idx.msk [tilespmem:v5+s22+$0x0], $0xffff;
	_ =	sdelay $0x2  }
0x13e: {  	v4 =	vadd.s32 v43, v1;
	_ =	sdelay $0x1  }
0x13f: {  	v3 =	vmul.f32 v3, v2;
	_ =	sdelay $0x1  }
0x140: {  	[tilespmem:v5+s22+$0x0] =	vst.idx.msk $0xffff, v3  }
0x141: {  	v3 =	vld.idx.msk [tilespmem:v4+s22+$0x0], $0xffff;
	_ =	sdelay $0x2  }
0x142: {  	v5 =	vadd.s32 v44, v1;
	_ =	sdelay $0x1  }
0x143: {  	v3 =	vmul.f32 v3, v2;
	_ =	sdelay $0x1  }
0x144: {  	[tilespmem:v4+s22+$0x0] =	vst.idx.msk $0xffff, v3  }
0x145: {  	v3 =	vld.idx.msk [tilespmem:v5+s22+$0x0], $0xffff;
	_ =	sdelay $0x2  }
0x146: {  	v4 =	vadd.s32 v45, v1;
	_ =	sdelay $0x1  }
0x147: {  	v3 =	vmul.f32 v3, v2;
	_ =	sdelay $0x1  }
0x148: {  	[tilespmem:v5+s22+$0x0] =	vst.idx.msk $0xffff, v3  }
0x149: {  	v3 =	vld.idx.msk [tilespmem:v4+s22+$0x0], $0xffff;
	_ =	sdelay $0x2  }
0x14a: {  	v5 =	vadd.s32 v46, v1;
	_ =	sdelay $0x1  }
0x14b: {  	v3 =	vmul.f32 v3, v2;
	_ =	sdelay $0x1  }
0x14c: {  	[tilespmem:v4+s22+$0x0] =	vst.idx.msk $0xffff, v3  }
0x14d: {  	v3 =	vld.idx.msk [tilespmem:v5+s22+$0x0], $0xffff;
	_ =	sdelay $0x2  }
0x14e: {  	v4 =	vadd.s32 v47, v1;
	_ =	sdelay $0x1  }
0x14f: {  	v3 =	vmul.f32 v3, v2;
	_ =	sdelay $0x1  }
0x150: {  	[tilespmem:v5+s22+$0x0] =	vst.idx.msk $0xffff, v3  }
0x151: {  	v3 =	vld.idx.msk [tilespmem:v4+s22+$0x0], $0xffff;
	_ =	sdelay $0x2  }
0x152: {  	v5 =	vadd.s32 v48, v1;
	_ =	sdelay $0x1  }
0x153: {  	v3 =	vmul.f32 v3, v2;
	_ =	sdelay $0x1  }
0x154: {  	[tilespmem:v4+s22+$0x0] =	vst.idx.msk $0xffff, v3  }
0x155: {  	v3 =	vld.idx.msk [tilespmem:v5+s22+$0x0], $0xffff;
	_ =	sdelay $0x2  }
0x156: {  	v4 =	vadd.s32 v49, v1;
	_ =	sdelay $0x1  }
0x157: {  	v3 =	vmul.f32 v3, v2;
	_ =	sdelay $0x1  }
0x158: {  	[tilespmem:v5+s22+$0x0] =	vst.idx.msk $0xffff, v3  }
0x159: {  	v3 =	vld.idx.msk [tilespmem:v4+s22+$0x0], $0xffff;
	_ =	sdelay $0x2  }
0x15a: {  	v5 =	vadd.s32 v50, v1;
	_ =	sdelay $0x1  }
0x15b: {  	v3 =	vmul.f32 v3, v2;
	_ =	sdelay $0x1  }
0x15c: {  	[tilespmem:v4+s22+$0x0] =	vst.idx.msk $0xffff, v3  }
0x15d: {  	v3 =	vld.idx.msk [tilespmem:v5+s22+$0x0], $0xffff;
	_ =	sdelay $0x2  }
0x15e: {  	v4 =	vadd.s32 v51, v1;
	_ =	sdelay $0x1  }
0x15f: {  	v3 =	vmul.f32 v3, v2;
	_ =	sdelay $0x1  }
0x160: {  	[tilespmem:v5+s22+$0x0] =	vst.idx.msk $0xffff, v3  }
0x161: {  	v3 =	vld.idx.msk [tilespmem:v4+s22+$0x0], $0xffff;
	_ =	sdelay $0x2  }
0x162: {  	v5 =	vadd.s32 v52, v1;
	_ =	sdelay $0x1  }
0x163: {  	v3 =	vmul.f32 v3, v2;
	_ =	sdelay $0x1  }
0x164: {  	[tilespmem:v4+s22+$0x0] =	vst.idx.msk $0xffff, v3  }
0x165: {  	v3 =	vld.idx.msk [tilespmem:v5+s22+$0x0], $0xffff;
	_ =	sdelay $0x2  }
0x166: {  	v4 =	vadd.s32 v53, v1;
	_ =	sdelay $0x1  }
0x167: {  	v3 =	vmul.f32 v3, v2;
	_ =	sdelay $0x1  }
0x168: {  	[tilespmem:v5+s22+$0x0] =	vst.idx.msk $0xffff, v3  }
0x169: {  	v3 =	vld.idx.msk [tilespmem:v4+s22+$0x0], $0xffff;
	_ =	sdelay $0x2  }
0x16a: {  	v5 =	vadd.s32 v54, v1;
	_ =	sdelay $0x1  }
0x16b: {  	v3 =	vmul.f32 v3, v2;
	_ =	sdelay $0x1  }
0x16c: {  	[tilespmem:v4+s22+$0x0] =	vst.idx.msk $0xffff, v3  }
0x16d: {  	v3 =	vld.idx.msk [tilespmem:v5+s22+$0x0], $0xffff;
	_ =	sdelay $0x2  }
0x16e: {  	v4 =	vadd.s32 v55, v1;
	_ =	sdelay $0x1  }
0x16f: {  	v3 =	vmul.f32 v3, v2;
	_ =	sdelay $0x1  }
0x170: {  	[tilespmem:v5+s22+$0x0] =	vst.idx.msk $0xffff, v3  }
0x171: {  	v3 =	vld.idx.msk [tilespmem:v4+s22+$0x0], $0xffff;
	_ =	sdelay $0x2  }
0x172: {  	v5 =	vadd.s32 v56, v1;
	_ =	sdelay $0x1  }
0x173: {  	v3 =	vmul.f32 v3, v2;
	_ =	sdelay $0x1  }
0x174: {  	[tilespmem:v4+s22+$0x0] =	vst.idx.msk $0xffff, v3  }
0x175: {  	v3 =	vld.idx.msk [tilespmem:v5+s22+$0x0], $0xffff;
	_ =	sdelay $0x2  }
0x176: {  	v4 =	vadd.s32 v57, v1;
	_ =	sdelay $0x1  }
0x177: {  	v3 =	vmul.f32 v3, v2;
	_ =	sdelay $0x1  }
0x178: {  	[tilespmem:v5+s22+$0x0] =	vst.idx.msk $0xffff, v3  }
0x179: {  	v3 =	vld.idx.msk [tilespmem:v4+s22+$0x0], $0xffff;
	_ =	sdelay $0x2  }
0x17a: {  	v5 =	vadd.s32 v58, v1;
	_ =	sdelay $0x1  }
0x17b: {  	v3 =	vmul.f32 v3, v2;
	_ =	sdelay $0x1  }
0x17c: {  	[tilespmem:v4+s22+$0x0] =	vst.idx.msk $0xffff, v3  }
0x17d: {  	v3 =	vld.idx.msk [tilespmem:v5+s22+$0x0], $0xffff;
	_ =	sdelay $0x2  }
0x17e: {  	v4 =	vadd.s32 v59, v1;
	_ =	sdelay $0x1  }
0x17f: {  	v3 =	vmul.f32 v3, v2;
	_ =	sdelay $0x1  }
0x180: {  	[tilespmem:v5+s22+$0x0] =	vst.idx.msk $0xffff, v3  }
0x181: {  	v3 =	vld.idx.msk [tilespmem:v4+s22+$0x0], $0xffff;
	_ =	sdelay $0x2  }
0x182: {  	v5 =	vadd.s32 v60, v1;
	_ =	sdelay $0x1  }
0x183: {  	v3 =	vmul.f32 v3, v2;
	_ =	sdelay $0x1  }
0x184: {  	[tilespmem:v4+s22+$0x0] =	vst.idx.msk $0xffff, v3  }
0x185: {  	v3 =	vld.idx.msk [tilespmem:v5+s22+$0x0], $0xffff;
	_ =	sdelay $0x2  }
0x186: {  	v4 =	vadd.s32 v61, v1;
	_ =	sdelay $0x1  }
0x187: {  	v3 =	vmul.f32 v3, v2;
	_ =	sdelay $0x1  }
0x188: {  	[tilespmem:v5+s22+$0x0] =	vst.idx.msk $0xffff, v3  }
0x189: {  	v3 =	vld.idx.msk [tilespmem:v4+s22+$0x0], $0xffff;
	_ =	sdelay $0x2  }
0x18a: {  	v5 =	vadd.s32 v62, v1;
	_ =	sdelay $0x1  }
0x18b: {  	v3 =	vmul.f32 v3, v2;
	_ =	sdelay $0x1  }
0x18c: {  	[tilespmem:v4+s22+$0x0] =	vst.idx.msk $0xffff, v3  }
0x18d: {  	v3 =	vld.idx.msk [tilespmem:v5+s22+$0x0], $0xffff;
	_ =	sdelay $0x2  }
0x18e: {  	v4 =	vadd.s32 v63, v1;
	_ =	sdelay $0x1  }
0x18f: {  	v3 =	vmul.f32 v3, v2;
	_ =	sdelay $0x1  }
0x190: {  	[tilespmem:v5+s22+$0x0] =	vst.idx.msk $0xffff, v3  }
0x191: {  	v3 =	vld.idx.msk [tilespmem:v4+s22+$0x0], $0xffff;
	_ =	sdelay $0x2  }
0x192: {  	v5 =	vadd.s32 v7, v1;
	_ =	sdelay $0x1  }
0x193: {  	v3 =	vmul.f32 v3, v2;
	_ =	sdelay $0x1  }
0x194: {  	[tilespmem:v4+s22+$0x0] =	vst.idx.msk $0xffff, v3  }
0x195: {  	v3 =	vld.idx.msk [tilespmem:v5+s22+$0x0], $0xffff;
	_ =	sdelay $0x2  }
0x196: {  	v4 =	vadd.s32 v8, v1;
	_ =	sdelay $0x1  }
0x197: {  	v3 =	vmul.f32 v3, v2;
	_ =	sdelay $0x1  }
0x198: {  	[tilespmem:v5+s22+$0x0] =	vst.idx.msk $0xffff, v3  }
0x199: {  	v3 =	vld.idx.msk [tilespmem:v4+s22+$0x0], $0xffff;
	_ =	sdelay $0x2  }
0x19a: {  	v5 =	vadd.s32 v9, v1;
	_ =	sdelay $0x1  }
0x19b: {  	v3 =	vmul.f32 v3, v2;
	_ =	sdelay $0x1  }
0x19c: {  	[tilespmem:v4+s22+$0x0] =	vst.idx.msk $0xffff, v3  }
0x19d: {  	v3 =	vld.idx.msk [tilespmem:v5+s22+$0x0], $0xffff;
	_ =	sdelay $0x2  }
0x19e: {  	v4 =	vadd.s32 v10, v1;
	_ =	sdelay $0x1  }
0x19f: {  	v3 =	vmul.f32 v3, v2;
	_ =	sdelay $0x1  }
0x1a0: {  	[tilespmem:v5+s22+$0x0] =	vst.idx.msk $0xffff, v3  }
0x1a1: {  	v3 =	vld.idx.msk [tilespmem:v4+s22+$0x0], $0xffff;
	_ =	sdelay $0x2  }
0x1a2: {  	v5 =	vadd.s32 v11, v1;
	_ =	sdelay $0x1  }
0x1a3: {  	v3 =	vmul.f32 v3, v2;
	_ =	sdelay $0x1  }
0x1a4: {  	[tilespmem:v4+s22+$0x0] =	vst.idx.msk $0xffff, v3  }
0x1a5: {  	v3 =	vld.idx.msk [tilespmem:v5+s22+$0x0], $0xffff;
	_ =	sdelay $0x1  }
0x1a6: {  	v4 =	vadd.s32 $0x40, v0  }
0x1a7: {  	p0 =	sne.s32 s26, $0x40;
	v1 =	vadd.s32 v4, v1  }
.Ltmp0:
0x1a8: {  	_ = 	snop;
	(pc) =	sbr.rel @p0 .LBB2_3-.Ltmp0, $3  }
0x1a9: {  	v3 =	vmul.f32 v3, v2;
	_ =	sdelay $0x1  }
0x1aa: {  	[tilespmem:v5+s22+$0x0] =	vst.idx.msk $0xffff, v3  }
0x1ab: {  	s28 =	sadd.s32 $0x10, s28;
	s29 =	sadd.s32 $0x10, s29;
	s26 =	sadd.s32 $0x10, s26;
	[tilespmem:v1+s22+$0x0] =	vst.idx.msk $0xffff, v2  }
0x1ac: {  	s25 =	sadd.s32 $0x1, s25  }
0x1ad: {  	p0 =	sne.s32 s25, $0xFA  }
.Ltmp1:
0x1ae: {  	_ = 	snop;
	(pc) =	sbr.rel @p0 .LBB2_2-.Ltmp1, $4  }
0x1af: {  	[spmem:s2] =	stream.indirect.scatter.add.f32 [tilespmem:s22], [sflag:$0x2], $0x50, s3, s19, $0xb8;
	[tilespmem:$0xDE30] =	vst v63  }
0x1b0: {  	_ =	swait.ge [sflag:s18], $0x1900  }
0x1b1: {  	[sflag:s18] =	ssyncset.done $0x0  }
0x1b2: {  	[sflag:s18] =	ssyncadd.s32 $0xFFFFE700  }
0x1b3: {  	s24 =	sadd.s32 $0x1, s24  }
0x1b4: {  	p0 =	sne.s32 s24, s16  }
.Ltmp2:
0x1b5: {  	[bflag:$0x0] =	sbarrier.arrive $0xFFFF;
	(pc) =	sbr.rel @p0 .LBB2_1-.Ltmp2, $4  }
0x1b6: {  	[hbm:s15], [sflag:s13] =	dma.local [spmem:s17], $0x186A  }
0x1b7: {  	_ =	swait.ge [sflag:s18], $0x186A  }
0x1b8: {  	[sflag:s18] =	ssyncset.done $0x0  }
0x1b9: {  	[sflag:s18] =	ssyncadd.s32 $0xFFFFE796  }
0x1ba: {  	_ =	sfence.sel $0x180000  }
0x1bb: {  	[bflag:$0x0] =	sbarrier.arrive $0xFFFF  }
0x1bc: {  	p0 =	sne.s32 s4, $0x0;
	_ =	strace $0x9000004A  }
0x1bd: {  	s0 =	sadd.s32 @!p0 $0x100000, s1;
	[bflag:$0x2] =	sbarrier.arrive $0xFFFF  }
0x1be: {  	[sflag:s0] =	ssyncadd.tile.s32 @!p0 $0x1;
	_ =	shalt  }
.Lfunc_end2:
_tile_overlayer_lowered:
.L_overlay_start_2:
0x1bf: {  	(tag) =	ssettag $0x2  }
0x1c0: {  	s0 =	rddreg [dreg:$0x0];
	s2 =	stileid.u32  }
0x1c1: {  	s1 =	rddreg [dreg:$0x1];
	p0 =	sne.s32 s2, $0x0  }
0x1c2: {  	s3 =	rddreg [dreg:$0x2];
	[bflag:$0x3] =	sbarrier.arrive $0xFFFF;
	s2 =	simm.s32 @!p0 $0x1C02  }
0x1c3: {  	[timem:s3], [sflag:s2] =	dma.local @!p0 [hbm:s0], s1  }
0x1c4: {  	s0 =	simm.s32 @!p0 $0x2  }
0x1c5: {  	_ =	swait.ge @!p0 [sflag:s0], s1  }
0x1c6: {  	s1 =	ssub.s32 @!p0 $0x0, s1;
	[sflag:s0] =	ssyncset.done @!p0 $0x0  }
0x1c7: {  	[sflag:s0] =	ssyncadd.s32 @!p0 s1  }
0x1c8: {  	[bflag:$0x3] =	sbarrier.arrive $0xFFFF  }
0x1c9: {  	_ =	shalt  }

// kernel: kernel.8.cloned.1.call-start
scs
__scs_entry_jumppad:
0x0: {  	(pc) =	sbr.rel $0x88, $3  }
0x1: {  	(tag) =	ssettag $0x0;
	lr =	simm.s32 $0x1  }
0x2: {  	[smem:$0x3F93] =	sst lr;
	_ =	strace $0xD0000000  }
0x3: {  	_ = 	snop  }
0x4: {  	_ = 	snop  }
0x5: {  	_ = 	snop  }
0x6: {  	_ = 	snop  }
0x7: {  	_ = 	snop  }
__scs_overlays_trampoline_lowered:
0x8: {  	[smem:$0x3FA2] =	sst s0  }
0x9: {  	[smem:$0x3FA3] =	sst s1  }
0xa: {  	[smem:$0x3FA4] =	sst s2  }
0xb: {  	[smem:$0x3FA5] =	sst s3  }
0xc: {  	[smem:$0x3FA6] =	sst s4  }
0xd: {  	[smem:$0x3FA7] =	sst s5  }
0xe: {  	[smem:$0x3FA8] =	sst s6  }
0xf: {  	[smem:$0x3FA9] =	sst s7  }
0x10: {  	[smem:$0x3FAA] =	sst s8  }
0x11: {  	[smem:$0x3FAB] =	sst s9;
	s0 =	simm.s32 @!p0 $0x0  }
0x12: {  	s1 =	sld [smem:$0x3F91];
	s0 =	simm.s32 @p0 $0x1  }
0x13: {  	[smem:$0x3FAC] =	sst s0;
	s0 =	simm.s32 @!p1 $0x0  }
0x14: {  	s2 =	sld [smem:$0x3F90];
	s0 =	simm.s32 @p1 $0x1  }
0x15: {  	[smem:$0x3FAD] =	sst s0;
	s0 =	simm.s32 @!p2 $0x0  }
0x16: {  	s3 =	sld [smem:$0x3FDB];
	s0 =	simm.s32 @p2 $0x1  }
0x17: {  	s4 =	simm.s32 $0x1BF5;
	[smem:$0x3FAF] =	sst s0  }
0x18: {  	s0 =	sld [smem:$0x3F92];
	_ =	swait.ge [sflag:s4], $0x0  }
0x19: {  	s7 =	sld [smem:$0x3F93]  }
0x1a: {  	s8 =	sadd.s32 $0xFFFFE003, lr  }
0x1b: {  	s9 =	sadd.s32 $0xFFFFFEF7, lr;
	s5 =	simm.s32 $0xFFFFFFFF;
	p2 =	slt.u32 s8, $0xFFFFF086  }
0x1c: {  	p1 =	slt.u32 s9, $0xF7A;
	s5 =	simm.s32 @!p2 $0x0  }
0x1d: {  	s5 =	simm.s32 @p1 $0x1;
	p0 =	seq.s32 s7, s2  }
0x1e: {  	s7 =	smul.u32 @!p0 $0xF7A, s2;
	p2 =	seq.s32 @!p0 s5, $0x0  }
0x1f: {  	s9 =	smul.u32 $0xF7A, s1;
	s8 =	simm.s32 @!p0 $0x1BF5;
	p2 =	por !p2, p0  }
0x20: {  	[sflag:s8] =	ssyncset.s32 @!p0 $0xFFFFF086;
	s6 =	sadd.s32 @!p0 s3, s7;
	s7 =	simm.s32 @!p0 $0x108  }
0x21: {  	s3 =	sadd.s32 s3, s9;
	s6 =	sadd.s32 @!p0 $0x88, s6;
	s7 =	simm.s32 @p2 $0x1082  }
0x22: {  	[simem:s7], [sflag:s8] =	dma.local @!p0 [hbm:s6], $0xF7A  }
0x23: {  	s9 =	sor.u32 $0xD0000000, s2;
	s6 =	simm.s32 $0x108;
	_ =	swait.ge @!p0 [sflag:s8], $0x0  }
0x24: {  	s3 =	sadd.s32 $0x88, s3;
	s6 =	simm.s32 @!p1 $0x1082;
	[sflag:s4] =	ssyncset.s32 $0xFFFFF086  }
0x25: {  	[simem:s6], [sflag:s4] =	dma.local [hbm:s3], $0xF7A  }
0x26: {  	[smem:$0x3F93] =	sst s1;
	(tag) =	ssettag s2;
	_ =	strace s9  }
0x27: {  	s1 =	sld [smem:$0x3FA3]  }
0x28: {  	s2 =	sld [smem:$0x3FA4]  }
0x29: {  	s4 =	sld [smem:$0x3FA6]  }
0x2a: {  	p0 =	seq.s32 s5, $0x0;
	s5 =	sld [smem:$0x3FA7]  }
0x2b: {  	s6 =	sld [smem:$0x3FA8]  }
0x2c: {  	s7 =	sld [smem:$0x3FA9]  }
0x2d: {  	s3 =	simm.s32 $0x108;
	s8 =	sld [smem:$0x3FAA]  }
0x2e: {  	s3 =	simm.s32 @!p0 $0x1082;
	s9 =	sld [smem:$0x3FAB]  }
0x2f: {  	lr =	sadd.s32 s0, s3;
	s0 =	sld [smem:$0x3FA2]  }
0x30: {  	s3 =	sld [smem:$0x3FA5]  }
0x31: {  	[smem:$0x3FAE] =	sst s10  }
0x32: {  	s10 =	sld [smem:$0x3FAC];
	_ =	sdelay $0x3  }
0x33: {  	p0 =	seq.s32 s10, $0x1;
	s10 =	sld [smem:$0x3FAE];
	_ =	sdelay $0x3  }
0x34: {  	[smem:$0x3FAE] =	sst s10  }
0x35: {  	s10 =	sld [smem:$0x3FAD];
	_ =	sdelay $0x3  }
0x36: {  	p1 =	seq.s32 s10, $0x1;
	s10 =	sld [smem:$0x3FAE];
	_ =	sdelay $0x3  }
0x37: {  	[smem:$0x3FAE] =	sst s10  }
0x38: {  	s10 =	sld [smem:$0x3FAF]  }
0x39: {  	_ = 	snop;
	(pc) =	sbr.ind lr, $3  }
0x3a: {  	_ = 	snop  }
0x3b: {  	_ = 	snop  }
0x3c: {  	p2 =	seq.s32 s10, $0x1;
	s10 =	sld [smem:$0x3FAE]  }
0x3d: {  	_ =	shalt  }
0x3e: {  	_ =	shalt  }
0x3f: {  	_ =	shalt  }
0x40: {  	_ =	shalt  }
0x41: {  	_ =	shalt  }
0x42: {  	_ =	shalt  }
0x43: {  	_ =	shalt  }
0x44: {  	_ =	shalt  }
0x45: {  	_ =	shalt  }
0x46: {  	_ =	shalt  }
0x47: {  	_ =	shalt  }
0x48: {  	_ =	shalt  }
0x49: {  	_ =	shalt  }
0x4a: {  	_ =	shalt  }
0x4b: {  	_ =	shalt  }
0x4c: {  	_ =	shalt  }
0x4d: {  	_ =	shalt  }
0x4e: {  	_ =	shalt  }
0x4f: {  	_ =	shalt  }
0x50: {  	_ =	shalt  }
0x51: {  	_ =	shalt  }
0x52: {  	_ =	shalt  }
0x53: {  	_ =	shalt  }
0x54: {  	_ =	shalt  }
0x55: {  	_ =	shalt  }
0x56: {  	_ =	shalt  }
0x57: {  	_ =	shalt  }
0x58: {  	_ =	shalt  }
0x59: {  	_ =	shalt  }
0x5a: {  	_ =	shalt  }
0x5b: {  	_ =	shalt  }
0x5c: {  	_ =	shalt  }
0x5d: {  	_ =	shalt  }
0x5e: {  	_ =	shalt  }
0x5f: {  	_ =	shalt  }
0x60: {  	_ =	shalt  }
0x61: {  	_ =	shalt  }
0x62: {  	_ =	shalt  }
0x63: {  	_ =	shalt  }
0x64: {  	_ =	shalt  }
0x65: {  	_ =	shalt  }
0x66: {  	_ =	shalt  }
0x67: {  	_ =	shalt  }
0x68: {  	_ =	shalt  }
0x69: {  	_ =	shalt  }
0x6a: {  	_ =	shalt  }
0x6b: {  	_ =	shalt  }
0x6c: {  	_ =	shalt  }
0x6d: {  	_ =	shalt  }
0x6e: {  	_ =	shalt  }
0x6f: {  	_ =	shalt  }
0x70: {  	_ =	shalt  }
0x71: {  	_ =	shalt  }
0x72: {  	_ =	shalt  }
0x73: {  	_ =	shalt  }
0x74: {  	_ =	shalt  }
0x75: {  	_ =	shalt  }
0x76: {  	_ =	shalt  }
0x77: {  	_ =	shalt  }
0x78: {  	_ =	shalt  }
0x79: {  	_ =	shalt  }
0x7a: {  	_ =	shalt  }
0x7b: {  	_ =	shalt  }
0x7c: {  	_ =	shalt  }
0x7d: {  	_ =	shalt  }
0x7e: {  	_ =	shalt  }
0x7f: {  	_ =	shalt  }
0x80: {  	_ =	shalt  }
0x81: {  	_ =	shalt  }
0x82: {  	_ =	shalt  }
0x83: {  	_ =	shalt  }
0x84: {  	_ =	shalt  }
0x85: {  	_ =	shalt  }
0x86: {  	_ =	shalt  }
0x87: {  	_ =	shalt  }
.Lfunc_end0:
.L_simem_size_0:
called_computation_lowered:
.L_overlay_start_0:
0x88: {  	s2 =	sld [smem:$0x3FD9]  }
0x89: {  	s3 =	sld [smem:$0x3FFE];
	_ =	sdelay $0x1  }
0x8a: {  	s1 =	srdreg.scid  }
0x8b: {  	s0 =	sand.u32 $0x1, s1  }
0x8c: {  	s17 =	sshll.u32 s0, $0xA;
	s2 =	sadd.s32 s3, s2  }
0x8d: {  	s2 =	sadd.s32 s2, s17  }
0x8e: {  	[smem:$0x3FBA] =	sst s2  }
0x8f: {  	_ = 	snop  }
0x90: {  	s2 =	sld [smem:$0x3FD0];
	(tm) =	ssettm $0x1  }
0x91: {  	s18 =	sld [smem:$0x3FFB];
	_ =	sdelay $0x3  }
0x92: {  	_ =	strace s18  }
0x93: {  	s3 =	sld [smem:$0x3FFC];
	_ =	sdelay $0x3  }
0x94: {  	_ =	strace s3  }
0x95: {  	s3 =	sld [smem:$0x3FFD];
	_ =	sdelay $0x3  }
0x96: {  	_ =	strace s3  }
0x97: {  	_ =	strace $0x8FFFFFFF  }
0x98: {  	s19 =	sld [smem:$0x3FDB];
	_ =	sdelay $0x1  }
0x99: {  	s4 =	simm.s32 $_scs_section_size  }
0x9a: {  	s5 =	simm.s32 $_size__tile_overlayer_lowered;
	s6 =	simm.s32 $_tile_overlayer_lowered  }
0x9b: {  	s22 =	simm.s32 $0x1BFF;
	s21 =	sshll.u32 s6, $0x1;
	s3 =	sadd.s32 s4, s19  }
0x9c: {  	s7 =	simm.s32 $0x0;
	s20 =	sshll.u32 s5, $0x1;
	s5 =	sadd.s32 s21, s3  }
0x9d: {  	[timem:s7], [sflag:s22] =	dma.local [hbm:s5], s20  }
0x9e: {  	_ =	swait.ge [sflag:s22], s20  }
0x9f: {  	s4 =	ssub.s32 $0x0, s20;
	[sflag:s22] =	ssyncset.done $0x0  }
0xa0: {  	[sflag:s22] =	ssyncadd.s32 s4;
	_ =	sdelay $0x1  }
0xa1: {  	s23 =	simm.s32 $0x1B8B  }
0xa2: {  	_ =	swait.ge [sflag:s23], $0x1  }
0xa3: {  	[sflag:s23] =	ssyncset.done $0x0  }
0xa4: {  	s25 =	simm.s32 $0x1B8E;
	s24 =	sld [smem:$0x3FFE];
	[sflag:s23] =	ssyncadd.s32 $0xFFFFFFFF  }
0xa5: {  	s26 =	simm.s32 $execute0_lowered;
	[smem:$0x3FD2] =	sst s25  }
0xa6: {  	s5 =	sshll.u32 s26, $0x1;
	_ =	strace $0x80000046;
	[dreg:$0x1] =	wrdreg $0xFFFFFFFF  }
0xa7: {  	s28 =	simm.s32 $_size_execute0_lowered;
	s3 =	sadd.s32 s3, s5;
	[dreg:$0x0] =	wrdreg $0x0  }
0xa8: {  	s5 =	sshll.u32 s28, $0x1;
	[dreg:$0x2] =	wrdreg s3  }
0xa9: {  	[dreg:$0x3] =	wrdreg s5  }
0xaa: {  	[dreg:$0x4] =	wrdreg $0xC0  }
0xab: {  	_ =	task [dreg:s7], $0x5FFFF  }
0xac: {  	[dreg:$0x1] =	wrdreg $0xFFFFFFFF  }
0xad: {  	[dreg:$0x0] =	wrdreg $0x60  }
0xae: {  	[dreg:$0x2] =	wrdreg s24  }
0xaf: {  	[dreg:$0x3] =	wrdreg s2  }
0xb0: {  	[dreg:$0x4] =	wrdreg $0x27600  }
0xb1: {  	[dreg:$0x5] =	wrdreg $0x9  }
0xb2: {  	_ =	task.clear_ibuf [dreg:s7], $0x6FFFF;
	_ =	strace $0x90000046  }
0xb3: {  	s29 =	simm.s32 $0x9;
	_ =	strace $0x80000048  }
0xb4: {  	_ =	swait.ge [sflag:s29], $0x1  }
0xb5: {  	[sflag:s29] =	ssyncadd.s32 $0xFFFFFFFF  }
0xb6: {  	_ =	strace $0x90000048  }
0xb7: {  	_ =	sfence  }
0xb8: {  	s30 =	sld [smem:$0x0];
	_ =	sdelay $0x2  }
0xb9: {  	s31 =	sshll.u32 s1, $0xD;
	s1 =	sshrl.u32 s1, $0x2  }
0xba: {  	s3 =	sand.u32 $0x4000, s31;
	s1 =	sadd.s32 s1, s30  }
0xbb: {  	s0 =	sor.u32 s3, s0;
	s1 =	sshll.u32 s1, $0x11  }
0xbc: {  	s0 =	sor.u32 s1, s0  }
0xbd: {  	s0 =	sadd.s32 $0x8F2B, s0  }
0xbe: {  	[sflag:s0] =	ssyncadd.remote.s32 $0x1  }
0xbf: {  	_ =	sfence.sel $0xFFFF  }
0xc0: {  	[dreg:$0x0] =	wrdreg $0xFFFFFFFF;
	(pc) =	sbr.abs _section_cstart, $3  }
0xc1: {  	[dreg:$0x1] =	wrdreg $0xFFFFFFFF  }
0xc2: {  	_ =	task.clear_ibuf [dreg:s7], $0x2FFFF;
	_ =	strace $0x9FFFFFFF  }
0xc3: {  	(tm) =	ssettm $0x7FFFFFFF  }
tec
execute0_lowered:
.L_overlay_start_1:
0x0: {  	(tag) =	ssettag $0x1  }
0x1: {  	v0 =	vlaneseq.u32  }
0x2: {  	v0 =	vmul.u32 $0x70, v0;
	_ =	sdelay $0x1  }
0x3: {  	v11 =	vor.u32 $0x1, v0;
	v12 =	vor.u32 $0x2, v0;
	v13 =	vor.u32 $0x3, v0  }
0x4: {  	v14 =	vor.u32 $0x4, v0;
	v15 =	vor.u32 $0x5, v0;
	v16 =	vor.u32 $0x6, v0  }
0x5: {  	v17 =	vor.u32 $0x7, v0;
	v18 =	vor.u32 $0x8, v0;
	v19 =	vor.u32 $0x9, v0  }
0x6: {  	s5 =	rddreg [dreg:$0x0];
	v20 =	vor.u32 $0xA, v0;
	v21 =	vor.u32 $0xB, v0;
	v22 =	vor.u32 $0xC, v0  }
0x7: {  	s0 =	rddreg [dreg:$0x1];
	v23 =	vor.u32 $0xD, v0;
	v24 =	vor.u32 $0xE, v0;
	v25 =	vor.u32 $0xF, v0  }
0x8: {  	s2 =	rddreg [dreg:$0x2];
	s3 =	simm.s32 $0x0;
	v26 =	vadd.s32 $0x10, v0;
	v27 =	vadd.s32 $0x11, v0;
	v28 =	vadd.s32 $0x12, v0  }
0x9: {  	s1 =	srdreg.scid;
	s15 =	stileid.u32;
	s18 =	simm.s32 $0x2;
	v29 =	vadd.s32 $0x13, v0;
	v30 =	vadd.s32 $0x14, v0;
	v31 =	vadd.s32 $0x15, v0  }
0xa: {  	s19 =	simm.s32 $0x50;
	s20 =	simm.s32 $0xA0;
	s21 =	simm.s32 $0x190;
	v32 =	vadd.s32 $0x16, v0;
	v33 =	vadd.s32 $0x17, v0;
	v34 =	vadd.s32 $0x18, v0  }
0xb: {  	s22 =	simm.s32 $0xF0;
	[smem:$0x7FF] =	sst s3;
	s4 =	sadd.s32 $0x3C600, s5;
	v35 =	vadd.s32 $0x19, v0;
	v36 =	vadd.s32 $0x1A, v0;
	v37 =	vadd.s32 $0x1B, v0  }
0xc: {  	s6 =	sadd.s32 $0x81C00, s5;
	s7 =	sadd.s32 $0x80C00, s5;
	s8 =	sadd.s32 $0x15200, s5;
	v38 =	vadd.s32 $0x1C, v0;
	v39 =	vadd.s32 $0x1D, v0;
	v1 =	vadd.s32 $0x36, v0  }
0xd: {  	s28 =	simm.s32 $0x1;
	s29 =	simm.s32 $0x0;
	_ =	strace $0x80000047;
	v40 =	vadd.s32 $0x1E, v0;
	v42 =	vadd.s32 $0x1F, v0;
	v41 =	vadd.s32 $0x20, v0;
	[tilespmem:$0x1FF50] =	vst v1  }
0xe: {  	s1 =	sand.u32 $0x1, s1;
	s12 =	smul.u32 $0x222E, s15;
	s9 =	sadd.s32 $0x28C00, s5;
	v43 =	vadd.s32 $0x21, v0;
	v44 =	vadd.s32 $0x22, v0;
	v1 =	vadd.s32 $0x37, v0;
	[tilespmem:$0x1FFF0] =	vst v12  }
0xf: {  	s14 =	smul.u32 $0x445C0, s15;
	s10 =	sadd.s32 $0xCEE00, s5;
	s26 =	sshll.u32 s15, $0x6;
	v46 =	vadd.s32 $0x23, v0;
	v45 =	vadd.s32 $0x24, v0;
	[tilespmem:$0x1FF60] =	vst v1;
	v1 =	vadd.s32 $0x38, v0  }
0x10: {  	s11 =	smul.u32 $0x222E0, s1;
	s13 =	ssub.s32 $0x2, s1;
	p0 =	seq.s32 s1, $0x0;
	v48 =	vadd.s32 $0x25, v0;
	v47 =	vadd.s32 $0x26, v0;
	[tilespmem:$0x1FF70] =	vst v1;
	v1 =	vadd.s32 $0x39, v0  }
0x11: {  	s23 =	sshrl.u32 s13, $0x1;
	v49 =	vadd.s32 $0x27, v0;
	s24 =	sshrl.u32 s14, $0x2;
	v50 =	vadd.s32 $0x28, v0;
	s14 =	smul.u32 $0x4E200, s1;
	[tilespmem:$0x1FF80] =	vst v1;
	v1 =	vadd.s32 $0x3A, v0  }
0x12: {  	v52 =	vadd.s32 $0x29, v0;
	v51 =	vadd.s32 $0x2A, v0;
	s11 =	sadd.s32 s12, s11;
	s12 =	ssub.s32 s13, s23;
	s25 =	sadd.s32 s24, s2;
	[tilespmem:$0x1FF90] =	vst v1;
	v1 =	vadd.s32 $0x3B, v0  }
0x13: {  	v54 =	vadd.s32 $0x2B, v0;
	v53 =	vadd.s32 $0x2C, v0;
	s23 =	simm.s32 $0x1E0;
	s5 =	sadd.s32 s11, s5;
	s31 =	smax.u32 s12, $0x1;
	[tilespmem:$0x1FFA0] =	vst v1;
	v1 =	vadd.s32 $0x3C, v0  }
0x14: {  	v55 =	vadd.s32 $0x2D, v0;
	v56 =	vadd.s32 $0x2E, v0;
	s11 =	smul.u32 $0x4E20, s15;
	s15 =	sor.u32 $0x1C02, s26;
	[dreg:$0x7] =	wrdreg s31;
	[tilespmem:$0x1FFB0] =	vst v1;
	v1 =	vadd.s32 $0x3D, v0  }
0x15: {  	v58 =	vadd.s32 $0x2F, v0;
	v57 =	vadd.s32 $0x30, v0;
	s24 =	simm.s32 $0x140;
	s30 =	sadd.s32 $0x8A800, s5;
	[dreg:$0x5] =	wrdreg s15;
	[tilespmem:$0x1FFC0] =	vst v1;
	v1 =	vadd.s32 $0x3E, v0  }
0x16: {  	v60 =	vadd.s32 $0x31, v0;
	v59 =	vadd.s32 $0x32, v0;
	s17 =	sshrl.u32 s25, $0x3;
	s5 =	sadd.s32 $0xEC400, s5;
	[dreg:$0x4] =	wrdreg s30;
	[tilespmem:$0x1FFD0] =	vst v1;
	v1 =	vadd.s32 $0x3F, v0  }
0x17: {  	v61 =	vadd.s32 $0x33, v0;
	v62 =	vadd.s32 $0x34, v0;
	v63 =	vadd.s32 $0x35, v0;
	s25 =	simm.s32 $0x230;
	s26 =	simm.s32 $0x460;
	[dreg:$0x6] =	wrdreg s5;
	[tilespmem:$0x1FFE0] =	vst v1  }
.LBB2_1:
0x18: {  	s1 =	rddreg [dreg:$0x4]  }
0x19: {  	[spmem:s17], [sflag:s15] =	dma.local [hbm:s1], $0x222E  }
0x1a: {  	_ =	swait.ge [sflag:s18], $0x222E  }
0x1b: {  	[sflag:s18] =	ssyncset.done $0x0  }
0x1c: {  	[sflag:s18] =	ssyncadd.s32 $0xFFFFDDD2  }
0x1d: {  	s30 =	simm.s32 $0x0;
	[bflag:$0x0] =	sbarrier.arrive $0xFFFF  }
.LBB2_2:
0x1e: {  	s1 =	smul.u32 $0x50, s30;
	_ =	sdelay $0x1  }
0x1f: {  	s1 =	sadd.s32 s11, s1  }
0x20: {  	s5 =	sshrl.u32 s1, $0x3  }
0x21: {  	s12 =	sadd.s32 $0x9C40, s5  }
0x22: {  	s31 =	simm.s32 $0x0;
	s13 =	sadd.s32 s8, s12  }
0x23: {  	[tilespmem:s31], [sflag:$0x2] =	stream.linear.gather [hbm4b:s13+s31], $0x50, $0x38;
	[tilespmem:$0x138D0] =	vst v63  }
0x24: {  	s1 =	sadd.s32 s14, s1;
	_ =	swait.ge [sflag:s18], $0x50  }
0x25: {  	s1 =	sshrl.u32 s1, $0x3;
	[sflag:s18] =	ssyncset.done $0x0  }
0x26: {  	s1 =	sadd.s32 s9, s1;
	[sflag:s18] =	ssyncadd.s32 $0xFFFFFFB0  }
0x27: {  	[tilespmem:s19], [sflag:$0x2] =	stream.linear.gather [hbm4b:s1+s31], $0x50, $0x38;
	[tilespmem:$0x138D0] =	vst v63  }
0x28: {  	_ =	swait.ge [sflag:s18], $0x50  }
0x29: {  	[sflag:s18] =	ssyncset.done $0x0  }
0x2a: {  	s15 =	sadd.s32 s0, s5;
	[sflag:s18] =	ssyncadd.s32 $0xFFFFFFB0  }
0x2b: {  	[tilespmem:s20], [sflag:$0x2] =	stream.linear.gather [hbm4b:s15+s31], $0x50, $0x38;
	[tilespmem:$0x138D0] =	vst v63  }
0x2c: {  	_ =	swait.ge [sflag:s18], $0x50  }
0x2d: {  	[sflag:s18] =	ssyncset.done $0x0  }
0x2e: {  	s16 =	sadd.s32 s10, s5;
	[sflag:s18] =	ssyncadd.s32 $0xFFFFFFB0  }
0x2f: {  	[tilespmem:s21], [sflag:$0x2] =	stream.linear.gather [hbm4b:s16+s31], $0x50, $0x38;
	[tilespmem:$0x138D0] =	vst v63  }
0x30: {  	_ =	swait.ge [sflag:s18], $0x50  }
0x31: {  	[sflag:s18] =	ssyncset.done $0x0  }
0x32: {  	s13 =	sadd.s32 s0, s12;
	[sflag:s18] =	ssyncadd.s32 $0xFFFFFFB0  }
0x33: {  	[tilespmem:s22], [sflag:$0x2] =	stream.linear.gather [hbm4b:s13+s31], $0x50, $0x38;
	[tilespmem:$0x138D0] =	vst v63  }
0x34: {  	_ =	swait.ge [sflag:s18], $0x50  }
0x35: {  	[sflag:s18] =	ssyncset.done $0x0  }
0x36: {  	s15 =	sadd.s32 s10, s12;
	[sflag:s18] =	ssyncadd.s32 $0xFFFFFFB0  }
0x37: {  	[tilespmem:s23], [sflag:$0x2] =	stream.linear.gather [hbm4b:s15+s31], $0x50, $0x38;
	[tilespmem:$0x138D0] =	vst v63  }
0x38: {  	_ =	swait.ge [sflag:s18], $0x50  }
0x39: {  	s16 =	sadd.s32 $0x13880, s5;
	[sflag:s18] =	ssyncset.done $0x0  }
0x3a: {  	s5 =	sadd.s32 s0, s16;
	[sflag:s18] =	ssyncadd.s32 $0xFFFFFFB0  }
0x3b: {  	[tilespmem:s24], [sflag:$0x2] =	stream.linear.gather [hbm4b:s5+s31], $0x50, $0x38;
	[tilespmem:$0x138D0] =	vst v63  }
0x3c: {  	_ =	swait.ge [sflag:s18], $0x50  }
0x3d: {  	[sflag:s18] =	ssyncset.done $0x0  }
0x3e: {  	s1 =	sadd.s32 s10, s16;
	[sflag:s18] =	ssyncadd.s32 $0xFFFFFFB0  }
0x3f: {  	[tilespmem:s25], [sflag:$0x2] =	stream.linear.gather [hbm4b:s1+s31], $0x50, $0x38;
	[tilespmem:$0x138D0] =	vst v63  }
0x40: {  	_ =	swait.ge [sflag:s18], $0x50  }
0x41: {  	[sflag:s18] =	ssyncset.done $0x0  }
0x42: {  	[sflag:s18] =	ssyncadd.s32 $0xFFFFFFB0  }
0x43: {  	[tilespmem:s26], [sflag:$0x1] =	stream.indirect.gather [hbm4b:s4+s19], $0x70, s19, s19, $0xb8;
	[tilespmem:$0x138D0] =	vst v63  }
0x44: {  	s1 =	simm.s32 $0x280  }
0x45: {  	[tilespmem:s1], [sflag:$0x1] =	stream.indirect.gather [hbm4b:s6+s19], $0x1, s20, s19, $0xb8;
	[tilespmem:$0x138D0] =	vst v63  }
0x46: {  	s5 =	simm.s32 $0x370  }
0x47: {  	[tilespmem:s5], [sflag:$0x1] =	stream.indirect.gather [hbm4b:s7+s19], $0x1, s21, s19, $0xb8;
	[tilespmem:$0x138D0] =	vst v63  }
0x48: {  	s12 =	simm.s32 $0x2D0  }
0x49: {  	[tilespmem:s12], [sflag:$0x1] =	stream.indirect.gather [hbm4b:s6+s19], $0x1, s22, s19, $0xb8;
	[tilespmem:$0x138D0] =	vst v63  }
0x4a: {  	s15 =	simm.s32 $0x3C0  }
0x4b: {  	[tilespmem:s15], [sflag:$0x1] =	stream.indirect.gather [hbm4b:s7+s19], $0x1, s23, s19, $0xb8;
	[tilespmem:$0x138D0] =	vst v63  }
0x4c: {  	s16 =	simm.s32 $0x320  }
0x4d: {  	[tilespmem:s16], [sflag:$0x1] =	stream.indirect.gather [hbm4b:s6+s19], $0x1, s24, s19, $0xb8;
	[tilespmem:$0x138D0] =	vst v63  }
0x4e: {  	s13 =	simm.s32 $0x410  }
0x4f: {  	[tilespmem:s13], [sflag:$0x1] =	stream.indirect.gather [hbm4b:s7+s19], $0x1, s25, s19, $0xb8;
	[tilespmem:$0x138D0] =	vst v63  }
0x50: {  	_ =	swait.ge [sflag:s28], $0x50  }
0x51: {  	[sflag:s28] =	ssyncset.done $0x0  }
0x52: {  	[sflag:s28] =	ssyncadd.s32 $0xFFFFFFB0  }
0x53: {  	_ =	swait.ge [sflag:s28], $0x50  }
0x54: {  	[sflag:s28] =	ssyncset.done $0x0  }
0x55: {  	[sflag:s28] =	ssyncadd.s32 $0xFFFFFFB0  }
0x56: {  	_ =	swait.ge [sflag:s28], $0x50  }
0x57: {  	[sflag:s28] =	ssyncset.done $0x0  }
0x58: {  	[sflag:s28] =	ssyncadd.s32 $0xFFFFFFB0  }
0x59: {  	_ =	swait.ge [sflag:s28], $0x50  }
0x5a: {  	[sflag:s28] =	ssyncset.done $0x0  }
0x5b: {  	[sflag:s28] =	ssyncadd.s32 $0xFFFFFFB0  }
0x5c: {  	_ =	swait.ge [sflag:s28], $0x50  }
0x5d: {  	[sflag:s28] =	ssyncset.done $0x0  }
0x5e: {  	[sflag:s28] =	ssyncadd.s32 $0xFFFFFFB0  }
0x5f: {  	_ =	swait.ge [sflag:s28], $0x50  }
0x60: {  	[sflag:s28] =	ssyncset.done $0x0  }
0x61: {  	[sflag:s28] =	ssyncadd.s32 $0xFFFFFFB0  }
0x62: {  	_ =	swait.ge [sflag:s28], $0x2300  }
0x63: {  	[sflag:s28] =	ssyncset.done $0x0  }
0x64: {  	[sflag:s28] =	ssyncadd.s32 $0xFFFFDD00  }
.LBB2_3:
0x65: {  	v1 =	vld [tilespmem:s1+$0x0]  }
0x66: {  	v2 =	vld [tilespmem:s5+$0x0]  }
0x67: {  	v3 =	vld [tilespmem:s12+$0x0]  }
0x68: {  	v4 =	vld [tilespmem:s15+$0x0];
	_ =	sdelay $0x3  }
0x69: {  	v1 =	vadd.f32 v2, v1  }
0x6a: {  	v2 =	vadd.f32 v4, v3  }
0x6b: {  	v3 =	vmul.f32 $2.000000030e-01, v1  }
0x6c: {  	vm0 =	vge.f32 v1, $0.0e+00;
	v4 =	vmul.f32 $2.000000030e-01, v2  }
0x6d: {  	v5 =	vmov s31;
	vm14 =	vge.f32 v2, $0.0e+00;
	v1 =	vsel vm0, v1, v3  }
0x6e: {  	v2 =	vsel vm14, v2, v4;
	v3 =	vmul.u32 $0x70, v5;
	v1 =	vmul.f32 $1.442695020e+00, v1  }
0x6f: {  	v4 =	vmul.f32 $1.442695020e+00, v2  }
0x70: {  	v2 =	vbroadcast v3, $0x0;
	(erf) = vpow2.f32 v1  }
0x71: {  	(erf) = vpow2.f32 v4  }
0x72: {  	v5 =	vadd.s32 v0, v2;
	_ =	sdelay $0x4  }
0x73: {  	v6 =	vld.idx.msk [tilespmem:v5+s26+$0x0], $0xffff;
	_ =	sdelay $0x1  }
0x74: {  	v3 =	vpop (erf)  }
0x75: {  	v7 =	vadd.s32 v11, v2;
	v10 =	vpop (erf)  }
0x76: {  	v4 =	vpsel p0, v3, v10  }
0x77: {  	v6 =	vmul.f32 v4, v6  }
0x78: {  	v8 =	vld [tilespmem:s16+$0x0]  }
0x79: {  	v9 =	vld [tilespmem:s13+$0x0];
	[tilespmem:v5+s26+$0x0] =	vst.idx.msk $0xffff, v6  }
0x7a: {  	v5 =	vld.idx.msk [tilespmem:v7+s26+$0x0], $0xffff;
	_ =	sdelay $0x2  }
0x7b: {  	v6 =	vadd.s32 v12, v2;
	_ =	sdelay $0x1  }
0x7c: {  	v5 =	vmul.f32 v4, v5;
	_ =	sdelay $0x1  }
0x7d: {  	[tilespmem:v7+s26+$0x0] =	vst.idx.msk $0xffff, v5  }
0x7e: {  	v5 =	vld.idx.msk [tilespmem:v6+s26+$0x0], $0xffff;
	_ =	sdelay $0x2  }
0x7f: {  	v7 =	vadd.s32 v13, v2;
	_ =	sdelay $0x1  }
0x80: {  	v5 =	vmul.f32 v5, v4;
	_ =	sdelay $0x1  }
0x81: {  	[tilespmem:v6+s26+$0x0] =	vst.idx.msk $0xffff, v5  }
0x82: {  	v5 =	vld.idx.msk [tilespmem:v7+s26+$0x0], $0xffff;
	_ =	sdelay $0x2  }
0x83: {  	v6 =	vadd.s32 v14, v2;
	_ =	sdelay $0x1  }
0x84: {  	v5 =	vmul.f32 v5, v4;
	_ =	sdelay $0x1  }
0x85: {  	[tilespmem:v7+s26+$0x0] =	vst.idx.msk $0xffff, v5  }
0x86: {  	v5 =	vld.idx.msk [tilespmem:v6+s26+$0x0], $0xffff;
	_ =	sdelay $0x2  }
0x87: {  	v7 =	vadd.s32 v15, v2;
	_ =	sdelay $0x1  }
0x88: {  	v5 =	vmul.f32 v5, v4;
	_ =	sdelay $0x1  }
0x89: {  	[tilespmem:v6+s26+$0x0] =	vst.idx.msk $0xffff, v5  }
0x8a: {  	v5 =	vld.idx.msk [tilespmem:v7+s26+$0x0], $0xffff;
	_ =	sdelay $0x2  }
0x8b: {  	v6 =	vadd.s32 v16, v2;
	_ =	sdelay $0x1  }
0x8c: {  	v5 =	vmul.f32 v5, v4;
	_ =	sdelay $0x1  }
0x8d: {  	[tilespmem:v7+s26+$0x0] =	vst.idx.msk $0xffff, v5  }
0x8e: {  	v5 =	vld.idx.msk [tilespmem:v6+s26+$0x0], $0xffff;
	_ =	sdelay $0x2  }
0x8f: {  	v7 =	vadd.s32 v17, v2;
	_ =	sdelay $0x1  }
0x90: {  	v5 =	vmul.f32 v5, v4;
	_ =	sdelay $0x1  }
0x91: {  	[tilespmem:v6+s26+$0x0] =	vst.idx.msk $0xffff, v5  }
0x92: {  	v5 =	vld.idx.msk [tilespmem:v7+s26+$0x0], $0xffff;
	_ =	sdelay $0x2  }
0x93: {  	v6 =	vadd.s32 v18, v2;
	_ =	sdelay $0x1  }
0x94: {  	v5 =	vmul.f32 v5, v4;
	_ =	sdelay $0x1  }
0x95: {  	[tilespmem:v7+s26+$0x0] =	vst.idx.msk $0xffff, v5  }
0x96: {  	v5 =	vld.idx.msk [tilespmem:v6+s26+$0x0], $0xffff;
	_ =	sdelay $0x2  }
0x97: {  	v7 =	vadd.s32 v19, v2;
	_ =	sdelay $0x1  }
0x98: {  	v5 =	vmul.f32 v5, v4;
	_ =	sdelay $0x1  }
0x99: {  	[tilespmem:v6+s26+$0x0] =	vst.idx.msk $0xffff, v5  }
0x9a: {  	v5 =	vld.idx.msk [tilespmem:v7+s26+$0x0], $0xffff;
	_ =	sdelay $0x2  }
0x9b: {  	v6 =	vadd.s32 v20, v2;
	_ =	sdelay $0x1  }
0x9c: {  	v5 =	vmul.f32 v5, v4;
	_ =	sdelay $0x1  }
0x9d: {  	[tilespmem:v7+s26+$0x0] =	vst.idx.msk $0xffff, v5  }
0x9e: {  	v5 =	vld.idx.msk [tilespmem:v6+s26+$0x0], $0xffff;
	_ =	sdelay $0x2  }
0x9f: {  	v7 =	vadd.s32 v21, v2;
	_ =	sdelay $0x1  }
0xa0: {  	v5 =	vmul.f32 v5, v4;
	_ =	sdelay $0x1  }
0xa1: {  	[tilespmem:v6+s26+$0x0] =	vst.idx.msk $0xffff, v5  }
0xa2: {  	v5 =	vld.idx.msk [tilespmem:v7+s26+$0x0], $0xffff;
	_ =	sdelay $0x2  }
0xa3: {  	v6 =	vadd.s32 v22, v2;
	_ =	sdelay $0x1  }
0xa4: {  	v5 =	vmul.f32 v5, v4;
	_ =	sdelay $0x1  }
0xa5: {  	[tilespmem:v7+s26+$0x0] =	vst.idx.msk $0xffff, v5  }
0xa6: {  	v5 =	vld.idx.msk [tilespmem:v6+s26+$0x0], $0xffff;
	_ =	sdelay $0x2  }
0xa7: {  	v7 =	vadd.s32 v23, v2;
	_ =	sdelay $0x1  }
0xa8: {  	v5 =	vmul.f32 v5, v4;
	_ =	sdelay $0x1  }
0xa9: {  	[tilespmem:v6+s26+$0x0] =	vst.idx.msk $0xffff, v5  }
0xaa: {  	v5 =	vld.idx.msk [tilespmem:v7+s26+$0x0], $0xffff;
	_ =	sdelay $0x2  }
0xab: {  	v6 =	vadd.s32 v24, v2;
	_ =	sdelay $0x1  }
0xac: {  	v5 =	vmul.f32 v5, v4;
	_ =	sdelay $0x1  }
0xad: {  	[tilespmem:v7+s26+$0x0] =	vst.idx.msk $0xffff, v5  }
0xae: {  	v5 =	vld.idx.msk [tilespmem:v6+s26+$0x0], $0xffff;
	_ =	sdelay $0x2  }
0xaf: {  	v7 =	vadd.s32 v25, v2;
	_ =	sdelay $0x1  }
0xb0: {  	v5 =	vmul.f32 v5, v4;
	_ =	sdelay $0x1  }
0xb1: {  	[tilespmem:v6+s26+$0x0] =	vst.idx.msk $0xffff, v5  }
0xb2: {  	v5 =	vld.idx.msk [tilespmem:v7+s26+$0x0], $0xffff;
	_ =	sdelay $0x2  }
0xb3: {  	v6 =	vadd.s32 v26, v2;
	_ =	sdelay $0x1  }
0xb4: {  	v5 =	vmul.f32 v5, v4;
	_ =	sdelay $0x1  }
0xb5: {  	[tilespmem:v7+s26+$0x0] =	vst.idx.msk $0xffff, v5  }
0xb6: {  	v5 =	vld.idx.msk [tilespmem:v6+s26+$0x0], $0xffff;
	_ =	sdelay $0x2  }
0xb7: {  	v7 =	vadd.s32 v27, v2;
	_ =	sdelay $0x1  }
0xb8: {  	v5 =	vmul.f32 v5, v4;
	_ =	sdelay $0x1  }
0xb9: {  	[tilespmem:v6+s26+$0x0] =	vst.idx.msk $0xffff, v5  }
0xba: {  	v5 =	vld.idx.msk [tilespmem:v7+s26+$0x0], $0xffff;
	_ =	sdelay $0x2  }
0xbb: {  	v6 =	vadd.s32 v28, v2;
	_ =	sdelay $0x1  }
0xbc: {  	v5 =	vmul.f32 v5, v4;
	_ =	sdelay $0x1  }
0xbd: {  	[tilespmem:v7+s26+$0x0] =	vst.idx.msk $0xffff, v5  }
0xbe: {  	v5 =	vld.idx.msk [tilespmem:v6+s26+$0x0], $0xffff;
	_ =	sdelay $0x2  }
0xbf: {  	v7 =	vadd.s32 v29, v2;
	_ =	sdelay $0x1  }
0xc0: {  	v5 =	vmul.f32 v5, v4;
	_ =	sdelay $0x1  }
0xc1: {  	[tilespmem:v6+s26+$0x0] =	vst.idx.msk $0xffff, v5  }
0xc2: {  	v5 =	vld.idx.msk [tilespmem:v7+s26+$0x0], $0xffff;
	_ =	sdelay $0x2  }
0xc3: {  	v6 =	vadd.s32 v30, v2;
	_ =	sdelay $0x1  }
0xc4: {  	v5 =	vmul.f32 v5, v4;
	_ =	sdelay $0x1  }
0xc5: {  	[tilespmem:v7+s26+$0x0] =	vst.idx.msk $0xffff, v5  }
0xc6: {  	v5 =	vld.idx.msk [tilespmem:v6+s26+$0x0], $0xffff;
	_ =	sdelay $0x2  }
0xc7: {  	v7 =	vadd.s32 v31, v2;
	_ =	sdelay $0x1  }
0xc8: {  	v5 =	vmul.f32 v5, v4;
	_ =	sdelay $0x1  }
0xc9: {  	[tilespmem:v6+s26+$0x0] =	vst.idx.msk $0xffff, v5  }
0xca: {  	v5 =	vld.idx.msk [tilespmem:v7+s26+$0x0], $0xffff;
	_ =	sdelay $0x2  }
0xcb: {  	v6 =	vadd.s32 v32, v2;
	_ =	sdelay $0x1  }
0xcc: {  	v5 =	vmul.f32 v5, v4;
	_ =	sdelay $0x1  }
0xcd: {  	[tilespmem:v7+s26+$0x0] =	vst.idx.msk $0xffff, v5  }
0xce: {  	v5 =	vld.idx.msk [tilespmem:v6+s26+$0x0], $0xffff;
	_ =	sdelay $0x2  }
0xcf: {  	v7 =	vadd.s32 v33, v2;
	_ =	sdelay $0x1  }
0xd0: {  	v5 =	vmul.f32 v5, v4;
	_ =	sdelay $0x1  }
0xd1: {  	[tilespmem:v6+s26+$0x0] =	vst.idx.msk $0xffff, v5  }
0xd2: {  	v5 =	vld.idx.msk [tilespmem:v7+s26+$0x0], $0xffff;
	_ =	sdelay $0x2  }
0xd3: {  	v6 =	vadd.s32 v34, v2;
	_ =	sdelay $0x1  }
0xd4: {  	v5 =	vmul.f32 v5, v4;
	_ =	sdelay $0x1  }
0xd5: {  	v12 =	vmov v13;
	v13 =	vmov v14;
	v14 =	vmov v15;
	[tilespmem:v7+s26+$0x0] =	vst.idx.msk $0xffff, v5  }
0xd6: {  	v15 =	vmovc v16;
	v16 =	vmovc v17;
	v17 =	vmov v18;
	v18 =	vmov v19;
	v19 =	vmov v20;
	v5 =	vld.idx.msk [tilespmem:v6+s26+$0x0], $0xffff  }
0xd7: {  	v20 =	vmovc v21;
	v21 =	vmovc v22;
	v22 =	vmov v23;
	v23 =	vmov v24;
	v24 =	vmov v25  }
0xd8: {  	v25 =	vmovc v26;
	v26 =	vmovc v27;
	v27 =	vmov v28;
	v28 =	vmov v29;
	v29 =	vmov v30  }
0xd9: {  	v30 =	vmovc v31;
	v31 =	vmovc v32;
	v32 =	vmov v33;
	v33 =	vmov v34;
	v34 =	vadd.s32 v35, v2;
	_ =	sdelay $0x1  }
0xda: {  	v5 =	vmul.f32 v5, v4;
	_ =	sdelay $0x1  }
0xdb: {  	[tilespmem:v6+s26+$0x0] =	vst.idx.msk $0xffff, v5  }
0xdc: {  	v5 =	vld.idx.msk [tilespmem:v34+s26+$0x0], $0xffff;
	_ =	sdelay $0x2  }
0xdd: {  	v6 =	vadd.s32 v36, v2;
	_ =	sdelay $0x1  }
0xde: {  	v5 =	vmul.f32 v5, v4;
	_ =	sdelay $0x1  }
0xdf: {  	[tilespmem:v34+s26+$0x0] =	vst.idx.msk $0xffff, v5  }
0xe0: {  	v5 =	vld.idx.msk [tilespmem:v6+s26+$0x0], $0xffff;
	_ =	sdelay $0x2  }
0xe1: {  	v34 =	vadd.s32 v37, v2;
	_ =	sdelay $0x1  }
0xe2: {  	v5 =	vmul.f32 v5, v4;
	_ =	sdelay $0x1  }
0xe3: {  	[tilespmem:v6+s26+$0x0] =	vst.idx.msk $0xffff, v5  }
0xe4: {  	v5 =	vld.idx.msk [tilespmem:v34+s26+$0x0], $0xffff;
	_ =	sdelay $0x2  }
0xe5: {  	v6 =	vadd.s32 v38, v2;
	_ =	sdelay $0x1  }
0xe6: {  	v5 =	vmul.f32 v5, v4;
	_ =	sdelay $0x1  }
0xe7: {  	[tilespmem:v34+s26+$0x0] =	vst.idx.msk $0xffff, v5  }
0xe8: {  	v5 =	vld.idx.msk [tilespmem:v6+s26+$0x0], $0xffff;
	_ =	sdelay $0x2  }
0xe9: {  	v34 =	vadd.s32 v39, v2;
	_ =	sdelay $0x1  }
0xea: {  	v5 =	vmul.f32 v5, v4;
	_ =	sdelay $0x1  }
0xeb: {  	[tilespmem:v6+s26+$0x0] =	vst.idx.msk $0xffff, v5  }
0xec: {  	v5 =	vld.idx.msk [tilespmem:v34+s26+$0x0], $0xffff;
	_ =	sdelay $0x2  }
0xed: {  	v6 =	vadd.s32 v40, v2;
	_ =	sdelay $0x1  }
0xee: {  	v5 =	vmul.f32 v5, v4;
	_ =	sdelay $0x1  }
0xef: {  	[tilespmem:v34+s26+$0x0] =	vst.idx.msk $0xffff, v5  }
0xf0: {  	v5 =	vld.idx.msk [tilespmem:v6+s26+$0x0], $0xffff;
	_ =	sdelay $0x2  }
0xf1: {  	v34 =	vadd.f32 v9, v8;
	v8 =	vadd.s32 v42, v2;
	_ =	sdelay $0x1  }
0xf2: {  	v9 =	vmul.f32 $2.000000030e-01, v34;
	v5 =	vmul.f32 v5, v4  }
0xf3: {  	vm15 =	vge.f32 v34, $0.0e+00  }
0xf4: {  	v7 =	vsel vm15, v34, v9;
	[tilespmem:v6+s26+$0x0] =	vst.idx.msk $0xffff, v5  }
0xf5: {  	v34 =	vmul.f32 $1.442695020e+00, v7;
	v6 =	vld.idx.msk [tilespmem:v8+s26+$0x0], $0xffff;
	_ =	sdelay $0x1  }
0xf6: {  	(erf) = vpow2.f32 v34  }
0xf7: {  	v5 =	vadd.s32 v41, v2;
	_ =	sdelay $0x1  }
0xf8: {  	v4 =	vmul.f32 v6, v4;
	_ =	sdelay $0x1  }
0xf9: {  	[tilespmem:v8+s26+$0x0] =	vst.idx.msk $0xffff, v4  }
0xfa: {  	v34 =	vld.idx.msk [tilespmem:v5+s26+$0x0], $0xffff;
	_ =	sdelay $0x2  }
0xfb: {  	v7 =	vadd.s32 v43, v2;
	v4 =	vpop (erf)  }
0xfc: {  	v8 =	vpsel p0, v3, v4  }
0xfd: {  	v6 =	vmul.f32 v34, v8;
	_ =	sdelay $0x1  }
0xfe: {  	[tilespmem:v5+s26+$0x0] =	vst.idx.msk $0xffff, v6  }
0xff: {  	v5 =	vld.idx.msk [tilespmem:v7+s26+$0x0], $0xffff;
	_ =	sdelay $0x2  }
0x100: {  	v34 =	vadd.s32 v44, v2;
	_ =	sdelay $0x1  }
0x101: {  	v5 =	vmul.f32 v5, v8;
	_ =	sdelay $0x1  }
0x102: {  	[tilespmem:v7+s26+$0x0] =	vst.idx.msk $0xffff, v5  }
0x103: {  	v5 =	vld.idx.msk [tilespmem:v34+s26+$0x0], $0xffff;
	_ =	sdelay $0x2  }
0x104: {  	v7 =	vadd.s32 v46, v2;
	_ =	sdelay $0x1  }
0x105: {  	v5 =	vmul.f32 v5, v8;
	_ =	sdelay $0x1  }
0x106: {  	[tilespmem:v34+s26+$0x0] =	vst.idx.msk $0xffff, v5  }
0x107: {  	v5 =	vld.idx.msk [tilespmem:v7+s26+$0x0], $0xffff;
	_ =	sdelay $0x2  }
0x108: {  	v34 =	vadd.s32 v45, v2;
	_ =	sdelay $0x1  }
0x109: {  	v5 =	vmul.f32 v5, v8;
	_ =	sdelay $0x1  }
0x10a: {  	[tilespmem:v7+s26+$0x0] =	vst.idx.msk $0xffff, v5  }
0x10b: {  	v5 =	vld.idx.msk [tilespmem:v34+s26+$0x0], $0xffff;
	_ =	sdelay $0x2  }
0x10c: {  	v7 =	vadd.s32 v48, v2;
	_ =	sdelay $0x1  }
0x10d: {  	v5 =	vmul.f32 v5, v8;
	_ =	sdelay $0x1  }
0x10e: {  	[tilespmem:v34+s26+$0x0] =	vst.idx.msk $0xffff, v5  }
0x10f: {  	v5 =	vld.idx.msk [tilespmem:v7+s26+$0x0], $0xffff;
	_ =	sdelay $0x2  }
0x110: {  	v34 =	vadd.s32 v47, v2;
	_ =	sdelay $0x1  }
0x111: {  	v5 =	vmul.f32 v5, v8;
	_ =	sdelay $0x1  }
0x112: {  	[tilespmem:v7+s26+$0x0] =	vst.idx.msk $0xffff, v5  }
0x113: {  	v5 =	vld.idx.msk [tilespmem:v34+s26+$0x0], $0xffff;
	_ =	sdelay $0x2  }
0x114: {  	v7 =	vadd.s32 v49, v2;
	_ =	sdelay $0x1  }
0x115: {  	v5 =	vmul.f32 v5, v8;
	_ =	sdelay $0x1  }
0x116: {  	[tilespmem:v34+s26+$0x0] =	vst.idx.msk $0xffff, v5  }
0x117: {  	v5 =	vld.idx.msk [tilespmem:v7+s26+$0x0], $0xffff;
	_ =	sdelay $0x2  }
0x118: {  	v34 =	vadd.s32 v50, v2;
	_ =	sdelay $0x1  }
0x119: {  	v5 =	vmul.f32 v5, v8;
	_ =	sdelay $0x1  }
0x11a: {  	[tilespmem:v7+s26+$0x0] =	vst.idx.msk $0xffff, v5  }
0x11b: {  	v5 =	vld.idx.msk [tilespmem:v34+s26+$0x0], $0xffff;
	_ =	sdelay $0x2  }
0x11c: {  	v7 =	vadd.s32 v52, v2;
	_ =	sdelay $0x1  }
0x11d: {  	v5 =	vmul.f32 v5, v8;
	_ =	sdelay $0x1  }
0x11e: {  	[tilespmem:v34+s26+$0x0] =	vst.idx.msk $0xffff, v5  }
0x11f: {  	v5 =	vld.idx.msk [tilespmem:v7+s26+$0x0], $0xffff;
	_ =	sdelay $0x2  }
0x120: {  	v34 =	vadd.s32 v51, v2;
	_ =	sdelay $0x1  }
0x121: {  	v5 =	vmul.f32 v5, v8;
	_ =	sdelay $0x1  }
0x122: {  	[tilespmem:v7+s26+$0x0] =	vst.idx.msk $0xffff, v5  }
0x123: {  	v5 =	vld.idx.msk [tilespmem:v34+s26+$0x0], $0xffff;
	_ =	sdelay $0x2  }
0x124: {  	v7 =	vadd.s32 v54, v2;
	_ =	sdelay $0x1  }
0x125: {  	v5 =	vmul.f32 v5, v8;
	_ =	sdelay $0x1  }
0x126: {  	[tilespmem:v34+s26+$0x0] =	vst.idx.msk $0xffff, v5  }
0x127: {  	v5 =	vld.idx.msk [tilespmem:v7+s26+$0x0], $0xffff;
	_ =	sdelay $0x2  }
0x128: {  	v34 =	vadd.s32 v53, v2;
	_ =	sdelay $0x1  }
0x129: {  	v5 =	vmul.f32 v5, v8;
	_ =	sdelay $0x1  }
0x12a: {  	[tilespmem:v7+s26+$0x0] =	vst.idx.msk $0xffff, v5  }
0x12b: {  	v5 =	vld.idx.msk [tilespmem:v34+s26+$0x0], $0xffff;
	_ =	sdelay $0x2  }
0x12c: {  	v7 =	vadd.s32 v55, v2;
	_ =	sdelay $0x1  }
0x12d: {  	v5 =	vmul.f32 v5, v8;
	_ =	sdelay $0x1  }
0x12e: {  	[tilespmem:v34+s26+$0x0] =	vst.idx.msk $0xffff, v5  }
0x12f: {  	v5 =	vld.idx.msk [tilespmem:v7+s26+$0x0], $0xffff;
	_ =	sdelay $0x2  }
0x130: {  	v34 =	vadd.s32 v56, v2;
	_ =	sdelay $0x1  }
0x131: {  	v5 =	vmul.f32 v5, v8;
	_ =	sdelay $0x1  }
0x132: {  	[tilespmem:v7+s26+$0x0] =	vst.idx.msk $0xffff, v5  }
0x133: {  	v5 =	vld.idx.msk [tilespmem:v34+s26+$0x0], $0xffff;
	_ =	sdelay $0x2  }
0x134: {  	v7 =	vadd.s32 v58, v2;
	_ =	sdelay $0x1  }
0x135: {  	v5 =	vmul.f32 v5, v8;
	_ =	sdelay $0x1  }
0x136: {  	[tilespmem:v34+s26+$0x0] =	vst.idx.msk $0xffff, v5  }
0x137: {  	v5 =	vld.idx.msk [tilespmem:v7+s26+$0x0], $0xffff;
	_ =	sdelay $0x2  }
0x138: {  	v34 =	vadd.s32 v57, v2;
	_ =	sdelay $0x1  }
0x139: {  	v5 =	vmul.f32 v5, v8;
	_ =	sdelay $0x1  }
0x13a: {  	[tilespmem:v7+s26+$0x0] =	vst.idx.msk $0xffff, v5  }
0x13b: {  	v5 =	vld.idx.msk [tilespmem:v34+s26+$0x0], $0xffff;
	_ =	sdelay $0x2  }
0x13c: {  	v7 =	vadd.s32 v60, v2;
	_ =	sdelay $0x1  }
0x13d: {  	v5 =	vmul.f32 v5, v8;
	_ =	sdelay $0x1  }
0x13e: {  	[tilespmem:v34+s26+$0x0] =	vst.idx.msk $0xffff, v5  }
0x13f: {  	v5 =	vld.idx.msk [tilespmem:v7+s26+$0x0], $0xffff;
	_ =	sdelay $0x2  }
0x140: {  	v34 =	vadd.s32 v59, v2;
	_ =	sdelay $0x1  }
0x141: {  	v5 =	vmul.f32 v5, v8;
	_ =	sdelay $0x1  }
0x142: {  	[tilespmem:v7+s26+$0x0] =	vst.idx.msk $0xffff, v5  }
0x143: {  	v5 =	vld.idx.msk [tilespmem:v34+s26+$0x0], $0xffff;
	_ =	sdelay $0x2  }
0x144: {  	v7 =	vadd.s32 v61, v2;
	_ =	sdelay $0x1  }
0x145: {  	v5 =	vmul.f32 v5, v8;
	_ =	sdelay $0x1  }
0x146: {  	[tilespmem:v34+s26+$0x0] =	vst.idx.msk $0xffff, v5  }
0x147: {  	v5 =	vld.idx.msk [tilespmem:v7+s26+$0x0], $0xffff;
	_ =	sdelay $0x2  }
0x148: {  	v34 =	vadd.s32 v62, v2;
	_ =	sdelay $0x1  }
0x149: {  	v5 =	vmul.f32 v5, v8;
	_ =	sdelay $0x1  }
0x14a: {  	[tilespmem:v7+s26+$0x0] =	vst.idx.msk $0xffff, v5  }
0x14b: {  	v5 =	vld.idx.msk [tilespmem:v34+s26+$0x0], $0xffff;
	_ =	sdelay $0x2  }
0x14c: {  	v7 =	vadd.s32 v63, v2;
	_ =	sdelay $0x1  }
0x14d: {  	v5 =	vmul.f32 v5, v8  }
0x14e: {  	v1 =	vld [tilespmem:$0x1FF50]  }
0x14f: {  	[tilespmem:v34+s26+$0x0] =	vst.idx.msk $0xffff, v5  }
0x150: {  	v5 =	vld.idx.msk [tilespmem:v7+s26+$0x0], $0xffff;
	_ =	sdelay $0x2  }
0x151: {  	v34 =	vadd.s32 v1, v2;
	_ =	sdelay $0x1  }
0x152: {  	v5 =	vmul.f32 v5, v8  }
0x153: {  	v1 =	vld [tilespmem:$0x1FF60]  }
0x154: {  	[tilespmem:v7+s26+$0x0] =	vst.idx.msk $0xffff, v5  }
0x155: {  	v5 =	vld.idx.msk [tilespmem:v34+s26+$0x0], $0xffff;
	_ =	sdelay $0x2  }
0x156: {  	v7 =	vadd.s32 v1, v2;
	_ =	sdelay $0x1  }
0x157: {  	v5 =	vmul.f32 v5, v8  }
0x158: {  	v1 =	vld [tilespmem:$0x1FF70]  }
0x159: {  	[tilespmem:v34+s26+$0x0] =	vst.idx.msk $0xffff, v5  }
0x15a: {  	v5 =	vld.idx.msk [tilespmem:v7+s26+$0x0], $0xffff;
	_ =	sdelay $0x2  }
0x15b: {  	v34 =	vadd.s32 v1, v2;
	_ =	sdelay $0x1  }
0x15c: {  	v5 =	vmul.f32 v5, v8  }
0x15d: {  	v1 =	vld [tilespmem:$0x1FF80]  }
0x15e: {  	[tilespmem:v7+s26+$0x0] =	vst.idx.msk $0xffff, v5  }
0x15f: {  	v5 =	vld.idx.msk [tilespmem:v34+s26+$0x0], $0xffff;
	_ =	sdelay $0x2  }
0x160: {  	v7 =	vadd.s32 v1, v2;
	_ =	sdelay $0x1  }
0x161: {  	v5 =	vmul.f32 v5, v8  }
0x162: {  	v1 =	vld [tilespmem:$0x1FF90]  }
0x163: {  	[tilespmem:v34+s26+$0x0] =	vst.idx.msk $0xffff, v5  }
0x164: {  	v5 =	vld.idx.msk [tilespmem:v7+s26+$0x0], $0xffff;
	_ =	sdelay $0x2  }
0x165: {  	v34 =	vadd.s32 v1, v2;
	_ =	sdelay $0x1  }
0x166: {  	v5 =	vmul.f32 v5, v8  }
0x167: {  	v1 =	vld [tilespmem:$0x1FFA0]  }
0x168: {  	[tilespmem:v7+s26+$0x0] =	vst.idx.msk $0xffff, v5  }
0x169: {  	v5 =	vld.idx.msk [tilespmem:v34+s26+$0x0], $0xffff;
	_ =	sdelay $0x2  }
0x16a: {  	v7 =	vadd.s32 v1, v2;
	_ =	sdelay $0x1  }
0x16b: {  	v5 =	vmul.f32 v5, v8  }
0x16c: {  	v1 =	vld [tilespmem:$0x1FFB0]  }
0x16d: {  	[tilespmem:v34+s26+$0x0] =	vst.idx.msk $0xffff, v5  }
0x16e: {  	v5 =	vld.idx.msk [tilespmem:v7+s26+$0x0], $0xffff;
	_ =	sdelay $0x2  }
0x16f: {  	v34 =	vadd.s32 v1, v2;
	_ =	sdelay $0x1  }
0x170: {  	v5 =	vmul.f32 v5, v8  }
0x171: {  	v1 =	vld [tilespmem:$0x1FFC0]  }
0x172: {  	[tilespmem:v7+s26+$0x0] =	vst.idx.msk $0xffff, v5  }
0x173: {  	v5 =	vld.idx.msk [tilespmem:v34+s26+$0x0], $0xffff;
	_ =	sdelay $0x2  }
0x174: {  	v7 =	vadd.s32 v1, v2;
	_ =	sdelay $0x1  }
0x175: {  	v5 =	vmul.f32 v5, v8  }
0x176: {  	v1 =	vld [tilespmem:$0x1FFD0]  }
0x177: {  	[tilespmem:v34+s26+$0x0] =	vst.idx.msk $0xffff, v5  }
0x178: {  	v5 =	vld.idx.msk [tilespmem:v7+s26+$0x0], $0xffff;
	_ =	sdelay $0x2  }
0x179: {  	v34 =	vadd.s32 v1, v2;
	_ =	sdelay $0x1  }
0x17a: {  	v5 =	vmul.f32 v5, v8  }
0x17b: {  	v1 =	vld [tilespmem:$0x1FFE0]  }
0x17c: {  	[tilespmem:v7+s26+$0x0] =	vst.idx.msk $0xffff, v5  }
0x17d: {  	v5 =	vld.idx.msk [tilespmem:v34+s26+$0x0], $0xffff;
	_ =	sdelay $0x2  }
0x17e: {  	v7 =	vadd.s32 v1, v2;
	_ =	sdelay $0x1  }
0x17f: {  	v5 =	vmul.f32 v5, v8;
	_ =	sdelay $0x1  }
0x180: {  	[tilespmem:v34+s26+$0x0] =	vst.idx.msk $0xffff, v5  }
0x181: {  	v5 =	vld.idx.msk [tilespmem:v7+s26+$0x0], $0xffff;
	_ =	sdelay $0x1  }
0x182: {  	v34 =	vadd.s32 $0x40, v0  }
0x183: {  	v6 =	vadd.s32 v34, v2;
	_ =	sdelay $0x1  }
0x184: {  	v5 =	vmul.f32 v5, v8;
	_ =	sdelay $0x1  }
0x185: {  	[tilespmem:v7+s26+$0x0] =	vst.idx.msk $0xffff, v5  }
0x186: {  	v7 =	vld.idx.msk [tilespmem:v6+s26+$0x0], $0xffff;
	_ =	sdelay $0x1  }
0x187: {  	v34 =	vadd.s32 $0x41, v0  }
0x188: {  	v8 =	vadd.s32 v34, v2  }
0x189: {  	v5 =	vpsel p0, v10, v4  }
0x18a: {  	v7 =	vmul.f32 v7, v5;
	_ =	sdelay $0x1  }
0x18b: {  	[tilespmem:v6+s26+$0x0] =	vst.idx.msk $0xffff, v7  }
0x18c: {  	v6 =	vld.idx.msk [tilespmem:v8+s26+$0x0], $0xffff;
	_ =	sdelay $0x1  }
0x18d: {  	v34 =	vadd.s32 $0x42, v0  }
0x18e: {  	v7 =	vadd.s32 v34, v2;
	_ =	sdelay $0x1  }
0x18f: {  	v6 =	vmul.f32 v6, v5;
	_ =	sdelay $0x1  }
0x190: {  	[tilespmem:v8+s26+$0x0] =	vst.idx.msk $0xffff, v6  }
0x191: {  	v6 =	vld.idx.msk [tilespmem:v7+s26+$0x0], $0xffff;
	_ =	sdelay $0x1  }
0x192: {  	v8 =	vadd.s32 $0x43, v0  }
0x193: {  	v8 =	vadd.s32 v8, v2;
	_ =	sdelay $0x1  }
0x194: {  	v6 =	vmul.f32 v6, v5;
	_ =	sdelay $0x1  }
0x195: {  	[tilespmem:v7+s26+$0x0] =	vst.idx.msk $0xffff, v6  }
0x196: {  	v6 =	vld.idx.msk [tilespmem:v8+s26+$0x0], $0xffff;
	_ =	sdelay $0x1  }
0x197: {  	v34 =	vadd.s32 $0x44, v0  }
0x198: {  	v7 =	vadd.s32 v34, v2;
	_ =	sdelay $0x1  }
0x199: {  	v6 =	vmul.f32 v6, v5;
	_ =	sdelay $0x1  }
0x19a: {  	[tilespmem:v8+s26+$0x0] =	vst.idx.msk $0xffff, v6  }
0x19b: {  	v6 =	vld.idx.msk [tilespmem:v7+s26+$0x0], $0xffff;
	_ =	sdelay $0x1  }
0x19c: {  	v8 =	vadd.s32 $0x45, v0  }
0x19d: {  	v8 =	vadd.s32 v8, v2;
	_ =	sdelay $0x1  }
0x19e: {  	v6 =	vmul.f32 v6, v5;
	_ =	sdelay $0x1  }
0x19f: {  	[tilespmem:v7+s26+$0x0] =	vst.idx.msk $0xffff, v6  }
0x1a0: {  	v6 =	vld.idx.msk [tilespmem:v8+s26+$0x0], $0xffff;
	_ =	sdelay $0x1  }
0x1a1: {  	v34 =	vadd.s32 $0x46, v0  }
0x1a2: {  	v7 =	vadd.s32 v34, v2;
	_ =	sdelay $0x1  }
0x1a3: {  	v6 =	vmul.f32 v6, v5;
	_ =	sdelay $0x1  }
0x1a4: {  	[tilespmem:v8+s26+$0x0] =	vst.idx.msk $0xffff, v6  }
0x1a5: {  	v6 =	vld.idx.msk [tilespmem:v7+s26+$0x0], $0xffff;
	_ =	sdelay $0x1  }
0x1a6: {  	v8 =	vadd.s32 $0x47, v0  }
0x1a7: {  	v8 =	vadd.s32 v8, v2;
	_ =	sdelay $0x1  }
0x1a8: {  	v6 =	vmul.f32 v6, v5;
	_ =	sdelay $0x1  }
0x1a9: {  	[tilespmem:v7+s26+$0x0] =	vst.idx.msk $0xffff, v6  }
0x1aa: {  	v6 =	vld.idx.msk [tilespmem:v8+s26+$0x0], $0xffff;
	_ =	sdelay $0x1  }
0x1ab: {  	v34 =	vadd.s32 $0x48, v0  }
0x1ac: {  	v7 =	vadd.s32 v34, v2;
	_ =	sdelay $0x1  }
0x1ad: {  	v6 =	vmul.f32 v6, v5;
	_ =	sdelay $0x1  }
0x1ae: {  	[tilespmem:v8+s26+$0x0] =	vst.idx.msk $0xffff, v6  }
0x1af: {  	v6 =	vld.idx.msk [tilespmem:v7+s26+$0x0], $0xffff;
	_ =	sdelay $0x1  }
0x1b0: {  	v8 =	vadd.s32 $0x49, v0  }
0x1b1: {  	v8 =	vadd.s32 v8, v2;
	_ =	sdelay $0x1  }
0x1b2: {  	v6 =	vmul.f32 v6, v5;
	_ =	sdelay $0x1  }
0x1b3: {  	[tilespmem:v7+s26+$0x0] =	vst.idx.msk $0xffff, v6  }
0x1b4: {  	v6 =	vld.idx.msk [tilespmem:v8+s26+$0x0], $0xffff;
	_ =	sdelay $0x1  }
0x1b5: {  	v34 =	vadd.s32 $0x4A, v0  }
0x1b6: {  	v7 =	vadd.s32 v34, v2;
	_ =	sdelay $0x1  }
0x1b7: {  	v6 =	vmul.f32 v6, v5;
	_ =	sdelay $0x1  }
0x1b8: {  	[tilespmem:v8+s26+$0x0] =	vst.idx.msk $0xffff, v6  }
0x1b9: {  	v6 =	vld.idx.msk [tilespmem:v7+s26+$0x0], $0xffff;
	_ =	sdelay $0x1  }
0x1ba: {  	v8 =	vadd.s32 $0x4B, v0  }
0x1bb: {  	v8 =	vadd.s32 v8, v2;
	_ =	sdelay $0x1  }
0x1bc: {  	v6 =	vmul.f32 v6, v5;
	_ =	sdelay $0x1  }
0x1bd: {  	[tilespmem:v7+s26+$0x0] =	vst.idx.msk $0xffff, v6  }
0x1be: {  	v6 =	vld.idx.msk [tilespmem:v8+s26+$0x0], $0xffff;
	_ =	sdelay $0x1  }
0x1bf: {  	v34 =	vadd.s32 $0x4C, v0  }
0x1c0: {  	v7 =	vadd.s32 v34, v2;
	_ =	sdelay $0x1  }
0x1c1: {  	v6 =	vmul.f32 v6, v5;
	_ =	sdelay $0x1  }
0x1c2: {  	[tilespmem:v8+s26+$0x0] =	vst.idx.msk $0xffff, v6  }
0x1c3: {  	v6 =	vld.idx.msk [tilespmem:v7+s26+$0x0], $0xffff;
	_ =	sdelay $0x1  }
0x1c4: {  	v8 =	vadd.s32 $0x4D, v0  }
0x1c5: {  	v8 =	vadd.s32 v8, v2;
	_ =	sdelay $0x1  }
0x1c6: {  	v6 =	vmul.f32 v6, v5;
	_ =	sdelay $0x1  }
0x1c7: {  	[tilespmem:v7+s26+$0x0] =	vst.idx.msk $0xffff, v6  }
0x1c8: {  	v6 =	vld.idx.msk [tilespmem:v8+s26+$0x0], $0xffff;
	_ =	sdelay $0x1  }
0x1c9: {  	v34 =	vadd.s32 $0x4E, v0  }
0x1ca: {  	v7 =	vadd.s32 v34, v2;
	_ =	sdelay $0x1  }
0x1cb: {  	v6 =	vmul.f32 v6, v5;
	_ =	sdelay $0x1  }
0x1cc: {  	[tilespmem:v8+s26+$0x0] =	vst.idx.msk $0xffff, v6  }
0x1cd: {  	v6 =	vld.idx.msk [tilespmem:v7+s26+$0x0], $0xffff;
	_ =	sdelay $0x1  }
0x1ce: {  	v8 =	vadd.s32 $0x4F, v0  }
0x1cf: {  	v8 =	vadd.s32 v8, v2;
	_ =	sdelay $0x1  }
0x1d0: {  	v6 =	vmul.f32 v6, v5;
	_ =	sdelay $0x1  }
0x1d1: {  	[tilespmem:v7+s26+$0x0] =	vst.idx.msk $0xffff, v6  }
0x1d2: {  	v6 =	vld.idx.msk [tilespmem:v8+s26+$0x0], $0xffff;
	_ =	sdelay $0x1  }
0x1d3: {  	v34 =	vadd.s32 $0x50, v0  }
0x1d4: {  	v7 =	vadd.s32 v34, v2;
	_ =	sdelay $0x1  }
0x1d5: {  	v6 =	vmul.f32 v6, v5;
	_ =	sdelay $0x1  }
0x1d6: {  	[tilespmem:v8+s26+$0x0] =	vst.idx.msk $0xffff, v6  }
0x1d7: {  	v6 =	vld.idx.msk [tilespmem:v7+s26+$0x0], $0xffff;
	_ =	sdelay $0x1  }
0x1d8: {  	v8 =	vadd.s32 $0x51, v0  }
0x1d9: {  	v8 =	vadd.s32 v8, v2;
	_ =	sdelay $0x1  }
0x1da: {  	v6 =	vmul.f32 v6, v5;
	_ =	sdelay $0x1  }
0x1db: {  	[tilespmem:v7+s26+$0x0] =	vst.idx.msk $0xffff, v6  }
0x1dc: {  	v6 =	vld.idx.msk [tilespmem:v8+s26+$0x0], $0xffff;
	_ =	sdelay $0x1  }
0x1dd: {  	v34 =	vadd.s32 $0x52, v0  }
0x1de: {  	v7 =	vadd.s32 v34, v2;
	_ =	sdelay $0x1  }
0x1df: {  	v6 =	vmul.f32 v6, v5;
	_ =	sdelay $0x1  }
0x1e0: {  	[tilespmem:v8+s26+$0x0] =	vst.idx.msk $0xffff, v6  }
0x1e1: {  	v6 =	vld.idx.msk [tilespmem:v7+s26+$0x0], $0xffff;
	_ =	sdelay $0x1  }
0x1e2: {  	v8 =	vadd.s32 $0x53, v0  }
0x1e3: {  	v8 =	vadd.s32 v8, v2;
	_ =	sdelay $0x1  }
0x1e4: {  	v6 =	vmul.f32 v6, v5;
	_ =	sdelay $0x1  }
0x1e5: {  	[tilespmem:v7+s26+$0x0] =	vst.idx.msk $0xffff, v6  }
0x1e6: {  	v6 =	vld.idx.msk [tilespmem:v8+s26+$0x0], $0xffff;
	_ =	sdelay $0x1  }
0x1e7: {  	v34 =	vadd.s32 $0x54, v0  }
0x1e8: {  	v7 =	vadd.s32 v34, v2;
	_ =	sdelay $0x1  }
0x1e9: {  	v6 =	vmul.f32 v6, v5;
	_ =	sdelay $0x1  }
0x1ea: {  	[tilespmem:v8+s26+$0x0] =	vst.idx.msk $0xffff, v6  }
0x1eb: {  	v6 =	vld.idx.msk [tilespmem:v7+s26+$0x0], $0xffff;
	_ =	sdelay $0x1  }
0x1ec: {  	v8 =	vadd.s32 $0x55, v0  }
0x1ed: {  	v8 =	vadd.s32 v8, v2;
	_ =	sdelay $0x1  }
0x1ee: {  	v6 =	vmul.f32 v6, v5;
	_ =	sdelay $0x1  }
0x1ef: {  	[tilespmem:v7+s26+$0x0] =	vst.idx.msk $0xffff, v6  }
0x1f0: {  	v6 =	vld.idx.msk [tilespmem:v8+s26+$0x0], $0xffff;
	_ =	sdelay $0x1  }
0x1f1: {  	v34 =	vadd.s32 $0x56, v0  }
0x1f2: {  	v7 =	vadd.s32 v34, v2;
	_ =	sdelay $0x1  }
0x1f3: {  	v6 =	vmul.f32 v6, v5;
	_ =	sdelay $0x1  }
0x1f4: {  	[tilespmem:v8+s26+$0x0] =	vst.idx.msk $0xffff, v6  }
0x1f5: {  	v6 =	vld.idx.msk [tilespmem:v7+s26+$0x0], $0xffff;
	_ =	sdelay $0x1  }
0x1f6: {  	v8 =	vadd.s32 $0x57, v0  }
0x1f7: {  	v8 =	vadd.s32 v8, v2;
	_ =	sdelay $0x1  }
0x1f8: {  	v6 =	vmul.f32 v6, v5;
	_ =	sdelay $0x1  }
0x1f9: {  	[tilespmem:v7+s26+$0x0] =	vst.idx.msk $0xffff, v6  }
0x1fa: {  	v6 =	vld.idx.msk [tilespmem:v8+s26+$0x0], $0xffff;
	_ =	sdelay $0x1  }
0x1fb: {  	v34 =	vadd.s32 $0x58, v0  }
0x1fc: {  	v7 =	vadd.s32 v34, v2;
	_ =	sdelay $0x1  }
0x1fd: {  	v6 =	vmul.f32 v6, v5;
	_ =	sdelay $0x1  }
0x1fe: {  	[tilespmem:v8+s26+$0x0] =	vst.idx.msk $0xffff, v6  }
0x1ff: {  	v6 =	vld.idx.msk [tilespmem:v7+s26+$0x0], $0xffff;
	_ =	sdelay $0x1  }
0x200: {  	v8 =	vadd.s32 $0x59, v0  }
0x201: {  	v8 =	vadd.s32 v8, v2;
	_ =	sdelay $0x1  }
0x202: {  	v6 =	vmul.f32 v6, v5;
	_ =	sdelay $0x1  }
0x203: {  	[tilespmem:v7+s26+$0x0] =	vst.idx.msk $0xffff, v6  }
0x204: {  	v6 =	vld.idx.msk [tilespmem:v8+s26+$0x0], $0xffff;
	_ =	sdelay $0x1  }
0x205: {  	v34 =	vadd.s32 $0x5A, v0  }
0x206: {  	v7 =	vadd.s32 v34, v2;
	_ =	sdelay $0x1  }
0x207: {  	v6 =	vmul.f32 v6, v5;
	_ =	sdelay $0x1  }
0x208: {  	[tilespmem:v8+s26+$0x0] =	vst.idx.msk $0xffff, v6  }
0x209: {  	v6 =	vld.idx.msk [tilespmem:v7+s26+$0x0], $0xffff;
	_ =	sdelay $0x1  }
0x20a: {  	v8 =	vadd.s32 $0x5B, v0  }
0x20b: {  	v8 =	vadd.s32 v8, v2;
	_ =	sdelay $0x1  }
0x20c: {  	v6 =	vmul.f32 v6, v5;
	_ =	sdelay $0x1  }
0x20d: {  	[tilespmem:v7+s26+$0x0] =	vst.idx.msk $0xffff, v6  }
0x20e: {  	v6 =	vld.idx.msk [tilespmem:v8+s26+$0x0], $0xffff;
	_ =	sdelay $0x1  }
0x20f: {  	v34 =	vadd.s32 $0x5C, v0  }
0x210: {  	v7 =	vadd.s32 v34, v2;
	_ =	sdelay $0x1  }
0x211: {  	v6 =	vmul.f32 v6, v5;
	_ =	sdelay $0x1  }
0x212: {  	[tilespmem:v8+s26+$0x0] =	vst.idx.msk $0xffff, v6  }
0x213: {  	v6 =	vld.idx.msk [tilespmem:v7+s26+$0x0], $0xffff;
	_ =	sdelay $0x1  }
0x214: {  	v8 =	vadd.s32 $0x5D, v0  }
0x215: {  	v8 =	vadd.s32 v8, v2;
	_ =	sdelay $0x1  }
0x216: {  	v6 =	vmul.f32 v6, v5;
	_ =	sdelay $0x1  }
0x217: {  	[tilespmem:v7+s26+$0x0] =	vst.idx.msk $0xffff, v6  }
0x218: {  	v6 =	vld.idx.msk [tilespmem:v8+s26+$0x0], $0xffff;
	_ =	sdelay $0x1  }
0x219: {  	v34 =	vadd.s32 $0x5E, v0  }
0x21a: {  	v7 =	vadd.s32 v34, v2;
	_ =	sdelay $0x1  }
0x21b: {  	v6 =	vmul.f32 v6, v5;
	_ =	sdelay $0x1  }
0x21c: {  	[tilespmem:v8+s26+$0x0] =	vst.idx.msk $0xffff, v6  }
0x21d: {  	v6 =	vld.idx.msk [tilespmem:v7+s26+$0x0], $0xffff;
	_ =	sdelay $0x1  }
0x21e: {  	v8 =	vadd.s32 $0x5F, v0  }
0x21f: {  	v8 =	vadd.s32 v8, v2;
	_ =	sdelay $0x1  }
0x220: {  	v6 =	vmul.f32 v6, v5;
	_ =	sdelay $0x1  }
0x221: {  	[tilespmem:v7+s26+$0x0] =	vst.idx.msk $0xffff, v6  }
0x222: {  	v6 =	vld.idx.msk [tilespmem:v8+s26+$0x0], $0xffff;
	_ =	sdelay $0x1  }
0x223: {  	v34 =	vadd.s32 $0x60, v0  }
0x224: {  	[tilespmem:$0x1FF40] =	vst v10;
	v9 =	vadd.s32 $0x61, v0;
	v7 =	vadd.s32 v34, v2  }
0x225: {  	v9 =	vadd.s32 v9, v2;
	v1 =	vld [tilespmem:$0x1FF40];
	v10 =	vadd.s32 $0x62, v0  }
0x226: {  	p1 =	sne.s32 s31, $0x40;
	v2 =	vadd.s32 v10, v2;
	v5 =	vmul.f32 v6, v5  }
.Ltmp0:
0x227: {  	v34 =	vmov v33;
	v33 =	vmov v32;
	(pc) =	sbr.rel @p1 .LBB2_3-.Ltmp0, $4  }
0x228: {  	v32 =	vmovc v31;
	v31 =	vmovc v30;
	v30 =	vmov v29;
	v29 =	vmov v28;
	v28 =	vmov v27;
	[tilespmem:v8+s26+$0x0] =	vst.idx.msk $0xffff, v5  }
0x229: {  	s1 =	sadd.s32 $0x10, s1;
	v27 =	vmovc v26;
	v26 =	vmovc v25;
	v25 =	vmov v24;
	v24 =	vmov v23;
	v23 =	vmov v22;
	[tilespmem:v7+s26+$0x0] =	vst.idx.msk $0xffff, v3  }
0x22a: {  	s5 =	sadd.s32 $0x10, s5;
	s12 =	sadd.s32 $0x10, s12;
	s15 =	sadd.s32 $0x10, s15;
	v22 =	vmovc v21;
	v21 =	vmovc v20;
	v20 =	vmov v19;
	v19 =	vmov v18;
	v18 =	vmov v17;
	[tilespmem:v9+s26+$0x0] =	vst.idx.msk $0xffff, v1  }
0x22b: {  	s16 =	sadd.s32 $0x10, s16;
	s13 =	sadd.s32 $0x10, s13;
	s31 =	sadd.s32 $0x10, s31;
	v17 =	vmovc v16;
	v16 =	vmovc v15;
	v15 =	vmov v14;
	v14 =	vmov v13;
	v13 =	vmov v12;
	v12 =	vld [tilespmem:$0x1FFF0];
	[tilespmem:v2+s26+$0x0] =	vst.idx.msk $0xffff, v4  }
0x22c: {  	s30 =	sadd.s32 $0x1, s30  }
0x22d: {  	p1 =	sne.s32 s30, $0xFA  }
.Ltmp1:
0x22e: {  	_ = 	snop;
	(pc) =	sbr.rel @p1 .LBB2_2-.Ltmp1, $4  }
0x22f: {  	[spmem:s2] =	stream.indirect.scatter.add.f32 [tilespmem:s26], [sflag:$0x2], $0x70, s3, s19, $0xb8;
	[tilespmem:$0x138D0] =	vst v63  }
0x230: {  	_ =	swait.ge [sflag:s18], $0x2300  }
0x231: {  	[sflag:s18] =	ssyncset.done $0x0  }
0x232: {  	[sflag:s18] =	ssyncadd.s32 $0xFFFFDD00  }
0x233: {  	[bflag:$0x0] =	sbarrier.arrive $0xFFFF  }
0x234: {  	s15 =	rddreg [dreg:$0x5]  }
0x235: {  	s1 =	rddreg [dreg:$0x6]  }
0x236: {  	[hbm:s1], [sflag:s15] =	dma.local [spmem:s17], $0x222E  }
0x237: {  	_ =	swait.ge [sflag:s18], $0x222E  }
0x238: {  	s29 =	sadd.s32 $0x1, s29;
	s31 =	rddreg [dreg:$0x7]  }
0x239: {  	p1 =	sne.s32 s29, s31  }
.Ltmp2:
0x23a: {  	_ = 	snop;
	(pc) =	sbr.rel @p1 .LBB2_1-.Ltmp2, $3  }
0x23b: {  	_ =	sdelay $0x1  }
0x23c: {  	[sflag:s18] =	ssyncset.done $0x0  }
0x23d: {  	[sflag:s18] =	ssyncadd.s32 $0xFFFFDDD2  }
0x23e: {  	_ =	sfence.sel $0x180000  }
0x23f: {  	[bflag:$0x0] =	sbarrier.arrive $0xFFFF  }
0x240: {  	_ =	strace $0x90000047  }
0x241: {  	s0 =	stileid.u32;
	[bflag:$0x2] =	sbarrier.arrive $0xFFFF  }
0x242: {  	p0 =	sne.s32 s0, $0x0;
	s0 =	rddreg [dreg:$0x3]  }
0x243: {  	s0 =	sadd.s32 @!p0 $0x100000, s0  }
0x244: {  	[sflag:s0] =	ssyncadd.tile.s32 @!p0 $0x1;
	_ =	shalt  }
.Lfunc_end2:
_tile_overlayer_lowered:
.L_overlay_start_2:
0x245: {  	(tag) =	ssettag $0x2  }
0x246: {  	s0 =	rddreg [dreg:$0x0];
	s2 =	stileid.u32  }
0x247: {  	s1 =	rddreg [dreg:$0x1];
	p0 =	sne.s32 s2, $0x0  }
0x248: {  	s3 =	rddreg [dreg:$0x2];
	[bflag:$0x3] =	sbarrier.arrive $0xFFFF;
	s2 =	simm.s32 @!p0 $0x1C02  }
0x249: {  	[timem:s3], [sflag:s2] =	dma.local @!p0 [hbm:s0], s1  }
0x24a: {  	s0 =	simm.s32 @!p0 $0x2  }
0x24b: {  	_ =	swait.ge @!p0 [sflag:s0], s1  }
0x24c: {  	s1 =	ssub.s32 @!p0 $0x0, s1;
	[sflag:s0] =	ssyncset.done @!p0 $0x0  }
0x24d: {  	[sflag:s0] =	ssyncadd.s32 @!p0 s1  }
0x24e: {  	[bflag:$0x3] =	sbarrier.arrive $0xFFFF  }
0x24f: {  	_ =	shalt  }

</sc_bundles>
